<compile_context>
chip_gen: v7x
topology: tpu7x:2x2x1
jax: 0.10.2.dev20260603
libtpu: 0.0.44.dev20260713+nightly
codegen_flags: <defaults>
</compile_context>

<pallas_src>
import functools

import jax
import jax.numpy as jnp
from jax import lax
from jax.experimental import pallas as pl
from jax.experimental.pallas import tpu as pltpu
from jax.experimental.pallas import tpu_sc as plsc

N_NODES = 10000
D_FEAT = 128
HIDDEN = 16
N_ACTIONS = 4
N_EDGES = 320000

NC = 2
NS = 16
NW = NC * NS
EPW = N_EDGES // NW
CHUNK = 125
NCHUNK = EPW // CHUNK
NBUF = 10
DCHUNK = 80
DNCHUNK = EPW // DCHUNK
DEG_FIRE = 10
ROWS_PER_SUB = 624
ROWS_TAIL = N_NODES - NS * ROWS_PER_SUB

PACK = 8
NP = N_NODES // PACK
FLAT = N_NODES * HIDDEN

_HIGH = jax.lax.Precision.HIGHEST

_mesh = plsc.VectorSubcoreMesh(core_axis_name="c", subcore_axis_name="s")
_sc_params = pltpu.CompilerParams(use_tc_tiling_on_sc=False)


def _zero_acc(zeros_hbm, acc_sh, s):
    rbase = s * ROWS_PER_SUB
    tbase = NS * ROWS_PER_SUB
    pltpu.sync_copy(zeros_hbm.at[pl.ds(rbase, ROWS_PER_SUB)],
                    acc_sh.at[pl.ds(rbase, ROWS_PER_SUB)])

    @pl.when(s == 0)
    def _():
        pltpu.sync_copy(zeros_hbm.at[pl.ds(tbase, ROWS_TAIL)],
                        acc_sh.at[pl.ds(tbase, ROWS_TAIL)])


def _acc_epilogue(out0_hbm, out1_hbm, acc_sh, c, s):
    plsc.subcore_barrier()
    rbase = s * ROWS_PER_SUB
    tbase = NS * ROWS_PER_SUB

    def _store(out_hbm):
        pltpu.sync_copy(acc_sh.at[pl.ds(rbase, ROWS_PER_SUB)],
                        out_hbm.at[pl.ds(rbase, ROWS_PER_SUB)])

        @pl.when(s == 0)
        def _():
            pltpu.sync_copy(acc_sh.at[pl.ds(tbase, ROWS_TAIL)],
                            out_hbm.at[pl.ds(tbase, ROWS_TAIL)])

    @pl.when(c == 0)
    def _():
        _store(out0_hbm)

    @pl.when(c == 1)
    def _():
        _store(out1_hbm)


def _make_segsum(width):
    @functools.partial(
        pl.kernel,
        out_type=[jax.ShapeDtypeStruct((N_NODES, width), jnp.float32),
                  jax.ShapeDtypeStruct((N_NODES, width), jnp.float32)],
        mesh=_mesh,
        scratch_types=(
            [pltpu.VMEM((NCHUNK, CHUNK), jnp.int32),
             pltpu.VMEM((NCHUNK, CHUNK), jnp.int32)]
            + [pltpu.VMEM((CHUNK, width), jnp.float32)] * NBUF
            + [pltpu.VMEM_SHARED((N_NODES, width), jnp.float32)]
            + [pltpu.SemaphoreType.DMA] * (1 + 2 * NBUF)
        ),
        compiler_params=_sc_params,
    )
    def seg(vals_hbm, eview_hbm, zeros_hbm, out0_hbm, out1_hbm,
            sidx, didx, *rest):
        bufs = rest[:NBUF]
        acc_sh = rest[NBUF]
        isem = rest[NBUF + 1]
        gsems = rest[NBUF + 2:NBUF + 2 + NBUF]
        ssems = rest[NBUF + 2 + NBUF:]
        c = lax.axis_index("c")
        s = lax.axis_index("s")
        w = c * NS + s
        pltpu.async_copy(eview_hbm.at[0, w], sidx, isem)
        pltpu.async_copy(eview_hbm.at[1, w], didx, isem)
        _zero_acc(zeros_hbm, acc_sh, s)
        pltpu.make_async_copy(eview_hbm.at[0, w], sidx, isem).wait()
        pltpu.make_async_copy(eview_hbm.at[1, w], didx, isem).wait()
        plsc.subcore_barrier()

        def g_desc(i, b):
            return pltpu.make_async_copy(vals_hbm.at[sidx.at[i]], bufs[b],
                                         gsems[b])

        def s_desc(i, b):
            return pltpu.make_async_copy(bufs[b], acc_sh.at[didx.at[i]],
                                         ssems[b])

        for b in range(NBUF):
            g_desc(b, b).start()

        @pl.loop(0, NCHUNK, step=NBUF)
        def _(i):
            for b in range(NBUF):
                g_desc(i + b, b).wait()
                pltpu.async_copy(bufs[b], acc_sh.at[didx.at[i + b]],
                                 ssems[b], add=True)
            for b in range(NBUF):
                s_desc(i + b, b).wait()
                nj = i + b + NBUF

                @pl.when(nj < NCHUNK)
                def _():
                    g_desc(nj, b).start()

        _acc_epilogue(out0_hbm, out1_hbm, acc_sh, c, s)

    return seg


_sc_seg16 = _make_segsum(HIDDEN)


@functools.partial(
    pl.kernel,
    out_type=[jax.ShapeDtypeStruct((N_NODES, HIDDEN), jnp.float32),
              jax.ShapeDtypeStruct((N_NODES, HIDDEN), jnp.float32)],
    mesh=_mesh,
    scratch_types=[
        pltpu.VMEM((NCHUNK, CHUNK), jnp.int32),
        pltpu.VMEM((CHUNK, HIDDEN), jnp.float32),
        pltpu.VMEM_SHARED((N_NODES, HIDDEN), jnp.float32),
        pltpu.SemaphoreType.DMA,
        pltpu.SemaphoreType.DMA,
    ],
    compiler_params=_sc_params,
)
def _sc_deg(ones_hbm, eview_hbm, zeros_hbm, out0_hbm, out1_hbm,
            didx, ones_v, acc_sh, isem, dsem):
    c = lax.axis_index("c")
    s = lax.axis_index("s")
    w = c * NS + s
    pltpu.async_copy(eview_hbm.at[1, w], didx, isem)
    _zero_acc(zeros_hbm, acc_sh, s)
    pltpu.sync_copy(ones_hbm, ones_v)
    pltpu.make_async_copy(eview_hbm.at[1, w], didx, isem).wait()
    plsc.subcore_barrier()

    @pl.loop(0, NCHUNK, step=DEG_FIRE)
    def _(i):
        for b in range(DEG_FIRE):
            pltpu.async_copy(ones_v, acc_sh.at[didx.at[i + b]], dsem,
                             add=True)
        for b in range(DEG_FIRE):
            pltpu.make_async_copy(ones_v, acc_sh.at[didx.at[i + b]],
                                  dsem).wait()

    _acc_epilogue(out0_hbm, out1_hbm, acc_sh, c, s)


def _tc_matmul1(xp, W1bd):
    def body(x_ref, w_ref, o_ref):
        o_ref[...] = jnp.dot(x_ref[...], w_ref[...], precision=_HIGH)
    return pl.pallas_call(
        body,
        out_shape=jax.ShapeDtypeStruct((NP, PACK * HIDDEN), jnp.float32),
    )(xp, W1bd)


def _tc_scale1(deg0, deg1, h1p):
    def body(d0_ref, d1_ref, h1_ref, dis_ref, h1s_ref):
        deg = (d0_ref[...].reshape(NP, PACK * HIDDEN)
               + d1_ref[...].reshape(NP, PACK * HIDDEN) + 1.0)
        dis = jax.lax.rsqrt(deg)
        dis_ref[...] = dis
        h1s_ref[...] = (dis * h1_ref[...]).reshape(FLAT)
    return pl.pallas_call(
        body,
        out_shape=(
            jax.ShapeDtypeStruct((NP, PACK * HIDDEN), jnp.float32),
            jax.ShapeDtypeStruct((FLAT,), jnp.float32),
        ),
    )(deg0, deg1, h1p)


def _tc_mid(s10, s11, h1p, disp, b1t, W2bd):
    def body(s0_ref, s1_ref, h1_ref, dis_ref, b1_ref, w2_ref, h2s_ref):
        dis = dis_ref[...]
        sv = (s0_ref[...].reshape(NP, PACK * HIDDEN)
              + s1_ref[...].reshape(NP, PACK * HIDDEN))
        out1 = dis * sv + dis * dis * h1_ref[...] + b1_ref[...][None, :]
        r = jnp.maximum(out1, 0.0)
        h2p = jnp.dot(r, w2_ref[...], precision=_HIGH)
        h2s_ref[...] = (dis * h2p).reshape(FLAT)
    return pl.pallas_call(
        body,
        out_shape=jax.ShapeDtypeStruct((FLAT,), jnp.float32),
    )(s10, s11, h1p, disp, b1t, W2bd)


def _tc_final(s20, s21, h2s, disp, b2t):
    def body(s0_ref, s1_ref, h2s_ref, dis_ref, b2_ref, o_ref):
        dis = dis_ref[...]
        sv = (s0_ref[...].reshape(NP, PACK * HIDDEN)
              + s1_ref[...].reshape(NP, PACK * HIDDEN))
        h2sp = h2s_ref[...].reshape(NP, PACK * HIDDEN)
        o_ref[...] = (dis * sv + dis * h2sp
                      + b2_ref[...][None, :]).reshape(FLAT)
    return pl.pallas_call(
        body,
        out_shape=jax.ShapeDtypeStruct((FLAT,), jnp.float32),
    )(s20, s21, h2s, disp, b2t)


def _blockdiag8(W):
    k, m = W.shape
    return (jnp.eye(PACK, dtype=W.dtype)[:, None, :, None]
            * W[None, :, None, :]).reshape(PACK * k, PACK * m)


def kernel(x, edge_index, W1, b1, W2, b2):
    eview = edge_index.reshape(2, NW, NCHUNK, CHUNK)
    zeros16 = jnp.zeros((N_NODES, HIDDEN), jnp.float32)
    ones_blk = jnp.ones((CHUNK, HIDDEN), jnp.float32)
    xp = x.reshape(NP, PACK * D_FEAT)
    W1bd = _blockdiag8(W1)
    W2p = jnp.pad(W2, ((0, 0), (0, HIDDEN - N_ACTIONS)))
    W2bd = _blockdiag8(W2p)
    b1t = jnp.tile(b1, PACK)
    b2t = jnp.tile(jnp.pad(b2, (0, HIDDEN - N_ACTIONS)), PACK)

    deg0, deg1 = _sc_deg(ones_blk, eview, zeros16)
    h1p = _tc_matmul1(xp, W1bd)
    disp, h1s = _tc_scale1(deg0.reshape(FLAT), deg1.reshape(FLAT), h1p)
    s10, s11 = _sc_seg16(h1s.reshape(N_NODES, HIDDEN), eview, zeros16)
    h2s = _tc_mid(s10.reshape(FLAT), s11.reshape(FLAT), h1p, disp, b1t, W2bd)
    s20, s21 = _sc_seg16(h2s.reshape(N_NODES, HIDDEN), eview, zeros16)
    out = _tc_final(s20.reshape(FLAT), s21.reshape(FLAT), h2s, disp, b2t)
    return out.reshape(N_NODES, HIDDEN)[:, :N_ACTIONS]

# --- scband reference (transcript-rebuilt; emitter-appended) ---
"""Pipeline reference for scband-qnet-gnn-68977174774273 (READ-ONLY COPY).

The authoritative reference and input builder live on the scoring server;
editing this copy changes nothing except your own understanding.
"""

import jax, jax.numpy as jnp
import numpy as np

N_NODES = 10000
D_FEAT = 128
HIDDEN = 16
N_ACTIONS = 4
N_EDGES = 320000


def gcn_conv(x, edge_index, W, b):
    # Faithful GCNConv: add self-loops, symmetric normalization D^-1/2 (A+I) D^-1/2, then linear.
    n = x.shape[0]
    src = edge_index[0]
    dst = edge_index[1]
    loop = jnp.arange(n, dtype=edge_index.dtype)
    src = jnp.concatenate([src, loop])
    dst = jnp.concatenate([dst, loop])
    deg = jnp.zeros((n,), dtype=x.dtype).at[dst].add(1.0)
    dis = jnp.where(deg > 0, jax.lax.rsqrt(jnp.maximum(deg, 1e-12)), 0.0)
    norm = dis[src] * dis[dst]
    h = x @ W
    msg = h[src] * norm[:, None]
    out = jnp.zeros((n, W.shape[1]), dtype=x.dtype).at[dst].add(msg)
    return out + b


def setup_inputs(seed: int = 0) -> dict:
    key = jax.random.key(seed)
    k1, k2, k3, k4 = jax.random.split(key, 4)
    x = jax.random.normal(k1, (N_NODES, D_FEAT), dtype=jnp.float32)
    edge_index = jax.random.randint(k2, (2, N_EDGES), 0, N_NODES, dtype=jnp.int32)
    W1 = jax.random.normal(k3, (D_FEAT, HIDDEN), dtype=jnp.float32) * (1.0 / np.sqrt(D_FEAT))
    b1 = jnp.zeros((HIDDEN,), dtype=jnp.float32)
    W2 = jax.random.normal(k4, (HIDDEN, N_ACTIONS), dtype=jnp.float32) * (1.0 / np.sqrt(HIDDEN))
    b2 = jnp.zeros((N_ACTIONS,), dtype=jnp.float32)
    return {"x": x, "edge_index": edge_index, "W1": W1, "b1": b1, "W2": W2, "b2": b2}


def reference(x, edge_index, W1, b1, W2, b2):
    h = gcn_conv(x, edge_index, W1, b1)
    h = jax.nn.relu(h)
    out = gcn_conv(h, edge_index, W2, b2)
    return out

if __name__ == "__main__":
    import jax
    _d = setup_inputs()
    print(jax.jit(kernel)(*tuple(_d.values())))

</pallas_src>

<mosaic_0001>
#map = affine_map<(d0, d1) -> (0, 0)>
#map1 = affine_map<(d0, d1) -> (0, 0, 0, 0)>
module attributes {stable_mosaic.version = 14 : i64} {
  func.func @_sc_deg(%arg0: i32, %arg1: i32, %arg2: memref<125x16xf32, #tpu.memory_space<hbm>>, %arg3: memref<2x32x80x125xi32, #tpu.memory_space<hbm>>, %arg4: memref<10000x16xf32, #tpu.memory_space<hbm>>, %arg5: memref<10000x16xf32, #tpu.memory_space<hbm>>, %arg6: memref<10000x16xf32, #tpu.memory_space<hbm>>, %arg7: memref<80x125xi32, #tpu.memory_space<vmem>>, %arg8: memref<125x16xf32, #tpu.memory_space<vmem>>, %arg9: memref<10000x16xf32, #tpu.memory_space<vmem_shared>>, %arg10: memref<!tpu.dma_semaphore, #tpu.memory_space<semaphore_mem>>, %arg11: memref<!tpu.dma_semaphore, #tpu.memory_space<semaphore_mem>>) attributes {dimension_semantics = [#tpu.dimension_semantics<core_parallel>, #tpu.dimension_semantics<subcore_parallel>], iteration_bounds = array<i64: 2, 16>, scalar_prefetch = 0 : i64, scratch_operands = 5 : i64, tpu.core_type = #tpu.core_type<sc_vector_subcore>, window_params = [{transform_indices = #map}, {transform_indices = #map1}, {transform_indices = #map}, {transform_indices = #map}, {transform_indices = #map}]} {
    %mul3A = arith.constant 16 : i32
    %mul3A_0 = arith.muli %arg0, %mul3A : i32
    %add3A = arith.addi %mul3A_0, %arg1 : i32
    %dma_start3A = arith.constant 1 : i32
    %dma_start3A_1 = arith.constant 0 : i32
    %dma_start3A_2 = arith.constant 0 : i32
    %dma_start3A_3 = tpu.memref_slice %arg3[%dma_start3A, %add3A, %dma_start3A_1, %dma_start3A_2] : memref<2x32x80x125xi32, #tpu.memory_space<hbm>> -> memref<1x1x80x125xi32, #tpu.memory_space<hbm>>
    %dma_start3A_4 = tpu.memref_squeeze %dma_start3A_3 : memref<1x1x80x125xi32, #tpu.memory_space<hbm>> -> memref<80x125xi32, #tpu.memory_space<hbm>>
    %dma_start3A_5 = arith.constant 0 : i32
    %dma_start3A_6 = arith.constant 0 : i32
    %dma_start3A_7 = tpu.memref_slice %arg3[%dma_start3A, %add3A, %dma_start3A_5, %dma_start3A_6] : memref<2x32x80x125xi32, #tpu.memory_space<hbm>> -> memref<1x1x80x125xi32, #tpu.memory_space<hbm>>
    %dma_start3A_8 = tpu.memref_squeeze %dma_start3A_7 : memref<1x1x80x125xi32, #tpu.memory_space<hbm>> -> memref<80x125xi32, #tpu.memory_space<hbm>>
    tpu.enqueue_dma source(%dma_start3A_8 : memref<80x125xi32, #tpu.memory_space<hbm>>) target(%arg7 : memref<80x125xi32, #tpu.memory_space<vmem>>) target_semaphore(%arg10 : memref<!tpu.dma_semaphore, #tpu.memory_space<semaphore_mem>>)
    %mul3A_9 = arith.constant 624 : i32
    %mul3A_10 = arith.muli %arg1, %mul3A_9 : i32
    "tpu.region"() ({
      %run_scoped3A = tpu.sem_alloc : memref<!tpu.dma_semaphore, #tpu.memory_space<semaphore_mem>>
      %dma_start3A_38 = arith.constant 0 : i32
      %dma_start3A_39 = tpu.memref_slice %arg9[%mul3A_10, %dma_start3A_38] : memref<10000x16xf32, #tpu.memory_space<vmem_shared>> -> memref<624x16xf32, #tpu.memory_space<vmem_shared>>
      %dma_start3A_40 = arith.constant 0 : i32
      %dma_start3A_41 = tpu.memref_slice %arg4[%mul3A_10, %dma_start3A_40] : memref<10000x16xf32, #tpu.memory_space<hbm>> -> memref<624x16xf32, #tpu.memory_space<hbm>>
      tpu.enqueue_dma source(%dma_start3A_41 : memref<624x16xf32, #tpu.memory_space<hbm>>) target(%dma_start3A_39 : memref<624x16xf32, #tpu.memory_space<vmem_shared>>) target_semaphore(%run_scoped3A : memref<!tpu.dma_semaphore, #tpu.memory_space<semaphore_mem>>)
      %dma_wait3A_42 = arith.constant 0 : i32
      %dma_wait3A_43 = tpu.memref_slice %arg9[%mul3A_10, %dma_wait3A_42] : memref<10000x16xf32, #tpu.memory_space<vmem_shared>> -> memref<624x16xf32, #tpu.memory_space<vmem_shared>>
      %dma_wait3A_44 = arith.constant 0 : i32
      %dma_wait3A_45 = tpu.memref_slice %arg4[%mul3A_10, %dma_wait3A_44] : memref<10000x16xf32, #tpu.memory_space<hbm>> -> memref<624x16xf32, #tpu.memory_space<hbm>>
      tpu.wait_dma2 semaphore(%run_scoped3A : memref<!tpu.dma_semaphore, #tpu.memory_space<semaphore_mem>>) src(%dma_wait3A_45 : memref<624x16xf32, #tpu.memory_space<hbm>>) dst(%dma_wait3A_43 : memref<624x16xf32, #tpu.memory_space<vmem_shared>>)
      tpu.yield
    }) : () -> ()
    %eq3A = arith.constant 0 : i32
    %eq3A_11 = arith.cmpi eq, %arg1, %eq3A : i32
    %convert_element_type3A = arith.extui %eq3A_11 : i1 to i32
    %cond3A = arith.constant 0 : i32
    %cond3A_12 = arith.cmpi ne, %convert_element_type3A, %cond3A : i32
    scf.if %cond3A_12 {
      "tpu.region"() ({
        %run_scoped3A = tpu.sem_alloc : memref<!tpu.dma_semaphore, #tpu.memory_space<semaphore_mem>>
        %dma_start3A_38 = arith.constant 9984 : i32
        %dma_start3A_39 = arith.constant 0 : i32
        %dma_start3A_40 = tpu.memref_slice %arg9[%dma_start3A_38, %dma_start3A_39] : memref<10000x16xf32, #tpu.memory_space<vmem_shared>> -> memref<16x16xf32, #tpu.memory_space<vmem_shared>>
        %dma_start3A_41 = arith.constant 9984 : i32
        %dma_start3A_42 = arith.constant 0 : i32
        %dma_start3A_43 = tpu.memref_slice %arg4[%dma_start3A_41, %dma_start3A_42] : memref<10000x16xf32, #tpu.memory_space<hbm>> -> memref<16x16xf32, #tpu.memory_space<hbm>>
        tpu.enqueue_dma source(%dma_start3A_43 : memref<16x16xf32, #tpu.memory_space<hbm>>) target(%dma_start3A_40 : memref<16x16xf32, #tpu.memory_space<vmem_shared>>) target_semaphore(%run_scoped3A : memref<!tpu.dma_semaphore, #tpu.memory_space<semaphore_mem>>)
        %dma_wait3A_44 = arith.constant 9984 : i32
        %dma_wait3A_45 = arith.constant 0 : i32
        %dma_wait3A_46 = tpu.memref_slice %arg9[%dma_wait3A_44, %dma_wait3A_45] : memref<10000x16xf32, #tpu.memory_space<vmem_shared>> -> memref<16x16xf32, #tpu.memory_space<vmem_shared>>
        %dma_wait3A_47 = arith.constant 9984 : i32
        %dma_wait3A_48 = arith.constant 0 : i32
        %dma_wait3A_49 = tpu.memref_slice %arg4[%dma_wait3A_47, %dma_wait3A_48] : memref<10000x16xf32, #tpu.memory_space<hbm>> -> memref<16x16xf32, #tpu.memory_space<hbm>>
        tpu.wait_dma2 semaphore(%run_scoped3A : memref<!tpu.dma_semaphore, #tpu.memory_space<semaphore_mem>>) src(%dma_wait3A_49 : memref<16x16xf32, #tpu.memory_space<hbm>>) dst(%dma_wait3A_46 : memref<16x16xf32, #tpu.memory_space<vmem_shared>>)
        tpu.yield
      }) : () -> ()
    } else {
    }
    "tpu.region"() ({
      %run_scoped3A = tpu.sem_alloc : memref<!tpu.dma_semaphore, #tpu.memory_space<semaphore_mem>>
      tpu.enqueue_dma source(%arg2 : memref<125x16xf32, #tpu.memory_space<hbm>>) target(%arg8 : memref<125x16xf32, #tpu.memory_space<vmem>>) target_semaphore(%run_scoped3A : memref<!tpu.dma_semaphore, #tpu.memory_space<semaphore_mem>>)
      tpu.wait_dma2 semaphore(%run_scoped3A : memref<!tpu.dma_semaphore, #tpu.memory_space<semaphore_mem>>) src(%arg2 : memref<125x16xf32, #tpu.memory_space<hbm>>) dst(%arg8 : memref<125x16xf32, #tpu.memory_space<vmem>>)
      tpu.yield
    }) : () -> ()
    %dma_wait3A = arith.constant 1 : i32
    %dma_wait3A_13 = arith.constant 0 : i32
    %dma_wait3A_14 = arith.constant 0 : i32
    %dma_wait3A_15 = tpu.memref_slice %arg3[%dma_wait3A, %add3A, %dma_wait3A_13, %dma_wait3A_14] : memref<2x32x80x125xi32, #tpu.memory_space<hbm>> -> memref<1x1x80x125xi32, #tpu.memory_space<hbm>>
    %dma_wait3A_16 = tpu.memref_squeeze %dma_wait3A_15 : memref<1x1x80x125xi32, #tpu.memory_space<hbm>> -> memref<80x125xi32, #tpu.memory_space<hbm>>
    %dma_wait3A_17 = arith.constant 0 : i32
    %dma_wait3A_18 = arith.constant 0 : i32
    %dma_wait3A_19 = tpu.memref_slice %arg3[%dma_wait3A, %add3A, %dma_wait3A_17, %dma_wait3A_18] : memref<2x32x80x125xi32, #tpu.memory_space<hbm>> -> memref<1x1x80x125xi32, #tpu.memory_space<hbm>>
    %dma_wait3A_20 = tpu.memref_squeeze %dma_wait3A_19 : memref<1x1x80x125xi32, #tpu.memory_space<hbm>> -> memref<80x125xi32, #tpu.memory_space<hbm>>
    tpu.wait_dma2 semaphore(%arg10 : memref<!tpu.dma_semaphore, #tpu.memory_space<semaphore_mem>>) src(%dma_wait3A_20 : memref<80x125xi32, #tpu.memory_space<hbm>>) dst(%arg7 : memref<80x125xi32, #tpu.memory_space<vmem>>)
    %barrier3A = arith.constant 0 : index
    tpu.barrier barrier_id(%barrier3A)
    %scan3A = arith.constant 0 : i32
    %scan3A_21 = arith.constant 8 : i32
    %scan3A_22 = arith.addi %scan3A, %scan3A_21 : i32
    %scan3A_23 = arith.constant 1 : i32
    scf.for %scan3A_38 = %scan3A to %scan3A_22 step %scan3A_23  : i32 {
      %mul3A_39 = arith.constant 10 : i32
      %mul3A_40 = arith.muli %scan3A_38, %mul3A_39 : i32
      %add3A_41 = arith.constant 0 : i32
      %add3A_42 = arith.addi %add3A_41, %mul3A_40 : i32
      %add3A_43 = arith.constant 0 : i32
      %add3A_44 = arith.addi %add3A_42, %add3A_43 : i32
      %dma_start3A_45 = arith.constant 0 : i32
      %dma_start3A_46 = tpu.memref_slice %arg7[%add3A_44, %dma_start3A_45] : memref<80x125xi32, #tpu.memory_space<vmem>> -> memref<1x125xi32, #tpu.memory_space<vmem>>
      %dma_start3A_47 = tpu.memref_squeeze %dma_start3A_46 : memref<1x125xi32, #tpu.memory_space<vmem>> -> memref<125xi32, #tpu.memory_space<vmem>>
      %dma_start3A_48 = arith.constant 0 : i32
      %dma_start3A_49 = arith.constant 0 : i32
      %dma_start3A_50 = tpu.memref_slice %arg9[%dma_start3A_48, %dma_start3A_49] : memref<10000x16xf32, #tpu.memory_space<vmem_shared>> -> memref<10000x16xf32, #tpu.memory_space<vmem_shared>>
      tpu.enqueue_indirect_dma source(%arg8 : memref<125x16xf32, #tpu.memory_space<vmem>>) target(%dma_start3A_50 : memref<10000x16xf32, #tpu.memory_space<vmem_shared>>) offsets(%dma_start3A_47 : memref<125xi32, #tpu.memory_space<vmem>>) semaphore(%arg11 : memref<!tpu.dma_semaphore, #tpu.memory_space<semaphore_mem>>) {add = true}
      %add3A_51 = arith.constant 1 : i32
      %add3A_52 = arith.addi %add3A_42, %add3A_51 : i32
      %dma_start3A_53 = arith.constant 0 : i32
      %dma_start3A_54 = tpu.memref_slice %arg7[%add3A_52, %dma_start3A_53] : memref<80x125xi32, #tpu.memory_space<vmem>> -> memref<1x125xi32, #tpu.memory_space<vmem>>
      %dma_start3A_55 = tpu.memref_squeeze %dma_start3A_54 : memref<1x125xi32, #tpu.memory_space<vmem>> -> memref<125xi32, #tpu.memory_space<vmem>>
      %dma_start3A_56 = arith.constant 0 : i32
      %dma_start3A_57 = arith.constant 0 : i32
      %dma_start3A_58 = tpu.memref_slice %arg9[%dma_start3A_56, %dma_start3A_57] : memref<10000x16xf32, #tpu.memory_space<vmem_shared>> -> memref<10000x16xf32, #tpu.memory_space<vmem_shared>>
      tpu.enqueue_indirect_dma source(%arg8 : memref<125x16xf32, #tpu.memory_space<vmem>>) target(%dma_start3A_58 : memref<10000x16xf32, #tpu.memory_space<vmem_shared>>) offsets(%dma_start3A_55 : memref<125xi32, #tpu.memory_space<vmem>>) semaphore(%arg11 : memref<!tpu.dma_semaphore, #tpu.memory_space<semaphore_mem>>) {add = true}
      %add3A_59 = arith.constant 2 : i32
      %add3A_60 = arith.addi %add3A_42, %add3A_59 : i32
      %dma_start3A_61 = arith.constant 0 : i32
      %dma_start3A_62 = tpu.memref_slice %arg7[%add3A_60, %dma_start3A_61] : memref<80x125xi32, #tpu.memory_space<vmem>> -> memref<1x125xi32, #tpu.memory_space<vmem>>
      %dma_start3A_63 = tpu.memref_squeeze %dma_start3A_62 : memref<1x125xi32, #tpu.memory_space<vmem>> -> memref<125xi32, #tpu.memory_space<vmem>>
      %dma_start3A_64 = arith.constant 0 : i32
      %dma_start3A_65 = arith.constant 0 : i32
      %dma_start3A_66 = tpu.memref_slice %arg9[%dma_start3A_64, %dma_start3A_65] : memref<10000x16xf32, #tpu.memory_space<vmem_shared>> -> memref<10000x16xf32, #tpu.memory_space<vmem_shared>>
      tpu.enqueue_indirect_dma source(%arg8 : memref<125x16xf32, #tpu.memory_space<vmem>>) target(%dma_start3A_66 : memref<10000x16xf32, #tpu.memory_space<vmem_shared>>) offsets(%dma_start3A_63 : memref<125xi32, #tpu.memory_space<vmem>>) semaphore(%arg11 : memref<!tpu.dma_semaphore, #tpu.memory_space<semaphore_mem>>) {add = true}
      %add3A_67 = arith.constant 3 : i32
      %add3A_68 = arith.addi %add3A_42, %add3A_67 : i32
      %dma_start3A_69 = arith.constant 0 : i32
      %dma_start3A_70 = tpu.memref_slice %arg7[%add3A_68, %dma_start3A_69] : memref<80x125xi32, #tpu.memory_space<vmem>> -> memref<1x125xi32, #tpu.memory_space<vmem>>
      %dma_start3A_71 = tpu.memref_squeeze %dma_start3A_70 : memref<1x125xi32, #tpu.memory_space<vmem>> -> memref<125xi32, #tpu.memory_space<vmem>>
      %dma_start3A_72 = arith.constant 0 : i32
      %dma_start3A_73 = arith.constant 0 : i32
      %dma_start3A_74 = tpu.memref_slice %arg9[%dma_start3A_72, %dma_start3A_73] : memref<10000x16xf32, #tpu.memory_space<vmem_shared>> -> memref<10000x16xf32, #tpu.memory_space<vmem_shared>>
      tpu.enqueue_indirect_dma source(%arg8 : memref<125x16xf32, #tpu.memory_space<vmem>>) target(%dma_start3A_74 : memref<10000x16xf32, #tpu.memory_space<vmem_shared>>) offsets(%dma_start3A_71 : memref<125xi32, #tpu.memory_space<vmem>>) semaphore(%arg11 : memref<!tpu.dma_semaphore, #tpu.memory_space<semaphore_mem>>) {add = true}
      %add3A_75 = arith.constant 4 : i32
      %add3A_76 = arith.addi %add3A_42, %add3A_75 : i32
      %dma_start3A_77 = arith.constant 0 : i32
      %dma_start3A_78 = tpu.memref_slice %arg7[%add3A_76, %dma_start3A_77] : memref<80x125xi32, #tpu.memory_space<vmem>> -> memref<1x125xi32, #tpu.memory_space<vmem>>
      %dma_start3A_79 = tpu.memref_squeeze %dma_start3A_78 : memref<1x125xi32, #tpu.memory_space<vmem>> -> memref<125xi32, #tpu.memory_space<vmem>>
      %dma_start3A_80 = arith.constant 0 : i32
      %dma_start3A_81 = arith.constant 0 : i32
      %dma_start3A_82 = tpu.memref_slice %arg9[%dma_start3A_80, %dma_start3A_81] : memref<10000x16xf32, #tpu.memory_space<vmem_shared>> -> memref<10000x16xf32, #tpu.memory_space<vmem_shared>>
      tpu.enqueue_indirect_dma source(%arg8 : memref<125x16xf32, #tpu.memory_space<vmem>>) target(%dma_start3A_82 : memref<10000x16xf32, #tpu.memory_space<vmem_shared>>) offsets(%dma_start3A_79 : memref<125xi32, #tpu.memory_space<vmem>>) semaphore(%arg11 : memref<!tpu.dma_semaphore, #tpu.memory_space<semaphore_mem>>) {add = true}
      %add3A_83 = arith.constant 5 : i32
      %add3A_84 = arith.addi %add3A_42, %add3A_83 : i32
      %dma_start3A_85 = arith.constant 0 : i32
      %dma_start3A_86 = tpu.memref_slice %arg7[%add3A_84, %dma_start3A_85] : memref<80x125xi32, #tpu.memory_space<vmem>> -> memref<1x125xi32, #tpu.memory_space<vmem>>
      %dma_start3A_87 = tpu.memref_squeeze %dma_start3A_86 : memref<1x125xi32, #tpu.memory_space<vmem>> -> memref<125xi32, #tpu.memory_space<vmem>>
      %dma_start3A_88 = arith.constant 0 : i32
      %dma_start3A_89 = arith.constant 0 : i32
      %dma_start3A_90 = tpu.memref_slice %arg9[%dma_start3A_88, %dma_start3A_89] : memref<10000x16xf32, #tpu.memory_space<vmem_shared>> -> memref<10000x16xf32, #tpu.memory_space<vmem_shared>>
      tpu.enqueue_indirect_dma source(%arg8 : memref<125x16xf32, #tpu.memory_space<vmem>>) target(%dma_start3A_90 : memref<10000x16xf32, #tpu.memory_space<vmem_shared>>) offsets(%dma_start3A_87 : memref<125xi32, #tpu.memory_space<vmem>>) semaphore(%arg11 : memref<!tpu.dma_semaphore, #tpu.memory_space<semaphore_mem>>) {add = true}
      %add3A_91 = arith.constant 6 : i32
      %add3A_92 = arith.addi %add3A_42, %add3A_91 : i32
      %dma_start3A_93 = arith.constant 0 : i32
      %dma_start3A_94 = tpu.memref_slice %arg7[%add3A_92, %dma_start3A_93] : memref<80x125xi32, #tpu.memory_space<vmem>> -> memref<1x125xi32, #tpu.memory_space<vmem>>
      %dma_start3A_95 = tpu.memref_squeeze %dma_start3A_94 : memref<1x125xi32, #tpu.memory_space<vmem>> -> memref<125xi32, #tpu.memory_space<vmem>>
      %dma_start3A_96 = arith.constant 0 : i32
      %dma_start3A_97 = arith.constant 0 : i32
      %dma_start3A_98 = tpu.memref_slice %arg9[%dma_start3A_96, %dma_start3A_97] : memref<10000x16xf32, #tpu.memory_space<vmem_shared>> -> memref<10000x16xf32, #tpu.memory_space<vmem_shared>>
      tpu.enqueue_indirect_dma source(%arg8 : memref<125x16xf32, #tpu.memory_space<vmem>>) target(%dma_start3A_98 : memref<10000x16xf32, #tpu.memory_space<vmem_shared>>) offsets(%dma_start3A_95 : memref<125xi32, #tpu.memory_space<vmem>>) semaphore(%arg11 : memref<!tpu.dma_semaphore, #tpu.memory_space<semaphore_mem>>) {add = true}
      %add3A_99 = arith.constant 7 : i32
      %add3A_100 = arith.addi %add3A_42, %add3A_99 : i32
      %dma_start3A_101 = arith.constant 0 : i32
      %dma_start3A_102 = tpu.memref_slice %arg7[%add3A_100, %dma_start3A_101] : memref<80x125xi32, #tpu.memory_space<vmem>> -> memref<1x125xi32, #tpu.memory_space<vmem>>
      %dma_start3A_103 = tpu.memref_squeeze %dma_start3A_102 : memref<1x125xi32, #tpu.memory_space<vmem>> -> memref<125xi32, #tpu.memory_space<vmem>>
      %dma_start3A_104 = arith.constant 0 : i32
      %dma_start3A_105 = arith.constant 0 : i32
      %dma_start3A_106 = tpu.memref_slice %arg9[%dma_start3A_104, %dma_start3A_105] : memref<10000x16xf32, #tpu.memory_space<vmem_shared>> -> memref<10000x16xf32, #tpu.memory_space<vmem_shared>>
      tpu.enqueue_indirect_dma source(%arg8 : memref<125x16xf32, #tpu.memory_space<vmem>>) target(%dma_start3A_106 : memref<10000x16xf32, #tpu.memory_space<vmem_shared>>) offsets(%dma_start3A_103 : memref<125xi32, #tpu.memory_space<vmem>>) semaphore(%arg11 : memref<!tpu.dma_semaphore, #tpu.memory_space<semaphore_mem>>) {add = true}
      %add3A_107 = arith.constant 8 : i32
      %add3A_108 = arith.addi %add3A_42, %add3A_107 : i32
      %dma_start3A_109 = arith.constant 0 : i32
      %dma_start3A_110 = tpu.memref_slice %arg7[%add3A_108, %dma_start3A_109] : memref<80x125xi32, #tpu.memory_space<vmem>> -> memref<1x125xi32, #tpu.memory_space<vmem>>
      %dma_start3A_111 = tpu.memref_squeeze %dma_start3A_110 : memref<1x125xi32, #tpu.memory_space<vmem>> -> memref<125xi32, #tpu.memory_space<vmem>>
      %dma_start3A_112 = arith.constant 0 : i32
      %dma_start3A_113 = arith.constant 0 : i32
      %dma_start3A_114 = tpu.memref_slice %arg9[%dma_start3A_112, %dma_start3A_113] : memref<10000x16xf32, #tpu.memory_space<vmem_shared>> -> memref<10000x16xf32, #tpu.memory_space<vmem_shared>>
      tpu.enqueue_indirect_dma source(%arg8 : memref<125x16xf32, #tpu.memory_space<vmem>>) target(%dma_start3A_114 : memref<10000x16xf32, #tpu.memory_space<vmem_shared>>) offsets(%dma_start3A_111 : memref<125xi32, #tpu.memory_space<vmem>>) semaphore(%arg11 : memref<!tpu.dma_semaphore, #tpu.memory_space<semaphore_mem>>) {add = true}
      %add3A_115 = arith.constant 9 : i32
      %add3A_116 = arith.addi %add3A_42, %add3A_115 : i32
      %dma_start3A_117 = arith.constant 0 : i32
      %dma_start3A_118 = tpu.memref_slice %arg7[%add3A_116, %dma_start3A_117] : memref<80x125xi32, #tpu.memory_space<vmem>> -> memref<1x125xi32, #tpu.memory_space<vmem>>
      %dma_start3A_119 = tpu.memref_squeeze %dma_start3A_118 : memref<1x125xi32, #tpu.memory_space<vmem>> -> memref<125xi32, #tpu.memory_space<vmem>>
      %dma_start3A_120 = arith.constant 0 : i32
      %dma_start3A_121 = arith.constant 0 : i32
      %dma_start3A_122 = tpu.memref_slice %arg9[%dma_start3A_120, %dma_start3A_121] : memref<10000x16xf32, #tpu.memory_space<vmem_shared>> -> memref<10000x16xf32, #tpu.memory_space<vmem_shared>>
      tpu.enqueue_indirect_dma source(%arg8 : memref<125x16xf32, #tpu.memory_space<vmem>>) target(%dma_start3A_122 : memref<10000x16xf32, #tpu.memory_space<vmem_shared>>) offsets(%dma_start3A_119 : memref<125xi32, #tpu.memory_space<vmem>>) semaphore(%arg11 : memref<!tpu.dma_semaphore, #tpu.memory_space<semaphore_mem>>) {add = true}
      %add3A_123 = arith.constant 0 : i32
      %add3A_124 = arith.addi %add3A_42, %add3A_123 : i32
      %dma_wait3A_125 = arith.constant 0 : i32
      %dma_wait3A_126 = tpu.memref_slice %arg7[%add3A_124, %dma_wait3A_125] : memref<80x125xi32, #tpu.memory_space<vmem>> -> memref<1x125xi32, #tpu.memory_space<vmem>>
      %dma_wait3A_127 = tpu.memref_squeeze %dma_wait3A_126 : memref<1x125xi32, #tpu.memory_space<vmem>> -> memref<125xi32, #tpu.memory_space<vmem>>
      %dma_wait3A_128 = arith.constant 0 : i32
      %dma_wait3A_129 = arith.constant 0 : i32
      %dma_wait3A_130 = tpu.memref_slice %arg9[%dma_wait3A_128, %dma_wait3A_129] : memref<10000x16xf32, #tpu.memory_space<vmem_shared>> -> memref<10000x16xf32, #tpu.memory_space<vmem_shared>>
      tpu.wait_indirect_dma semaphore(%arg11 : memref<!tpu.dma_semaphore, #tpu.memory_space<semaphore_mem>>) src(%arg8 : memref<125x16xf32, #tpu.memory_space<vmem>>) dst(%dma_wait3A_130 : memref<10000x16xf32, #tpu.memory_space<vmem_shared>>)
      %add3A_131 = arith.constant 1 : i32
      %add3A_132 = arith.addi %add3A_42, %add3A_131 : i32
      %dma_wait3A_133 = arith.constant 0 : i32
      %dma_wait3A_134 = tpu.memref_slice %arg7[%add3A_132, %dma_wait3A_133] : memref<80x125xi32, #tpu.memory_space<vmem>> -> memref<1x125xi32, #tpu.memory_space<vmem>>
      %dma_wait3A_135 = tpu.memref_squeeze %dma_wait3A_134 : memref<1x125xi32, #tpu.memory_space<vmem>> -> memref<125xi32, #tpu.memory_space<vmem>>
      %dma_wait3A_136 = arith.constant 0 : i32
      %dma_wait3A_137 = arith.constant 0 : i32
      %dma_wait3A_138 = tpu.memref_slice %arg9[%dma_wait3A_136, %dma_wait3A_137] : memref<10000x16xf32, #tpu.memory_space<vmem_shared>> -> memref<10000x16xf32, #tpu.memory_space<vmem_shared>>
      tpu.wait_indirect_dma semaphore(%arg11 : memref<!tpu.dma_semaphore, #tpu.memory_space<semaphore_mem>>) src(%arg8 : memref<125x16xf32, #tpu.memory_space<vmem>>) dst(%dma_wait3A_138 : memref<10000x16xf32, #tpu.memory_space<vmem_shared>>)
      %add3A_139 = arith.constant 2 : i32
      %add3A_140 = arith.addi %add3A_42, %add3A_139 : i32
      %dma_wait3A_141 = arith.constant 0 : i32
      %dma_wait3A_142 = tpu.memref_slice %arg7[%add3A_140, %dma_wait3A_141] : memref<80x125xi32, #tpu.memory_space<vmem>> -> memref<1x125xi32, #tpu.memory_space<vmem>>
      %dma_wait3A_143 = tpu.memref_squeeze %dma_wait3A_142 : memref<1x125xi32, #tpu.memory_space<vmem>> -> memref<125xi32, #tpu.memory_space<vmem>>
      %dma_wait3A_144 = arith.constant 0 : i32
      %dma_wait3A_145 = arith.constant 0 : i32
      %dma_wait3A_146 = tpu.memref_slice %arg9[%dma_wait3A_144, %dma_wait3A_145] : memref<10000x16xf32, #tpu.memory_space<vmem_shared>> -> memref<10000x16xf32, #tpu.memory_space<vmem_shared>>
      tpu.wait_indirect_dma semaphore(%arg11 : memref<!tpu.dma_semaphore, #tpu.memory_space<semaphore_mem>>) src(%arg8 : memref<125x16xf32, #tpu.memory_space<vmem>>) dst(%dma_wait3A_146 : memref<10000x16xf32, #tpu.memory_space<vmem_shared>>)
      %add3A_147 = arith.constant 3 : i32
      %add3A_148 = arith.addi %add3A_42, %add3A_147 : i32
      %dma_wait3A_149 = arith.constant 0 : i32
      %dma_wait3A_150 = tpu.memref_slice %arg7[%add3A_148, %dma_wait3A_149] : memref<80x125xi32, #tpu.memory_space<vmem>> -> memref<1x125xi32, #tpu.memory_space<vmem>>
      %dma_wait3A_151 = tpu.memref_squeeze %dma_wait3A_150 : memref<1x125xi32, #tpu.memory_space<vmem>> -> memref<125xi32, #tpu.memory_space<vmem>>
      %dma_wait3A_152 = arith.constant 0 : i32
      %dma_wait3A_153 = arith.constant 0 : i32
      %dma_wait3A_154 = tpu.memref_slice %arg9[%dma_wait3A_152, %dma_wait3A_153] : memref<10000x16xf32, #tpu.memory_space<vmem_shared>> -> memref<10000x16xf32, #tpu.memory_space<vmem_shared>>
      tpu.wait_indirect_dma semaphore(%arg11 : memref<!tpu.dma_semaphore, #tpu.memory_space<semaphore_mem>>) src(%arg8 : memref<125x16xf32, #tpu.memory_space<vmem>>) dst(%dma_wait3A_154 : memref<10000x16xf32, #tpu.memory_space<vmem_shared>>)
      %add3A_155 = arith.constant 4 : i32
      %add3A_156 = arith.addi %add3A_42, %add3A_155 : i32
      %dma_wait3A_157 = arith.constant 0 : i32
      %dma_wait3A_158 = tpu.memref_slice %arg7[%add3A_156, %dma_wait3A_157] : memref<80x125xi32, #tpu.memory_space<vmem>> -> memref<1x125xi32, #tpu.memory_space<vmem>>
      %dma_wait3A_159 = tpu.memref_squeeze %dma_wait3A_158 : memref<1x125xi32, #tpu.memory_space<vmem>> -> memref<125xi32, #tpu.memory_space<vmem>>
      %dma_wait3A_160 = arith.constant 0 : i32
      %dma_wait3A_161 = arith.constant 0 : i32
      %dma_wait3A_162 = tpu.memref_slice %arg9[%dma_wait3A_160, %dma_wait3A_161] : memref<10000x16xf32, #tpu.memory_space<vmem_shared>> -> memref<10000x16xf32, #tpu.memory_space<vmem_shared>>
      tpu.wait_indirect_dma semaphore(%arg11 : memref<!tpu.dma_semaphore, #tpu.memory_space<semaphore_mem>>) src(%arg8 : memref<125x16xf32, #tpu.memory_space<vmem>>) dst(%dma_wait3A_162 : memref<10000x16xf32, #tpu.memory_space<vmem_shared>>)
      %add3A_163 = arith.constant 5 : i32
      %add3A_164 = arith.addi %add3A_42, %add3A_163 : i32
      %dma_wait3A_165 = arith.constant 0 : i32
      %dma_wait3A_166 = tpu.memref_slice %arg7[%add3A_164, %dma_wait3A_165] : memref<80x125xi32, #tpu.memory_space<vmem>> -> memref<1x125xi32, #tpu.memory_space<vmem>>
      %dma_wait3A_167 = tpu.memref_squeeze %dma_wait3A_166 : memref<1x125xi32, #tpu.memory_space<vmem>> -> memref<125xi32, #tpu.memory_space<vmem>>
      %dma_wait3A_168 = arith.constant 0 : i32
      %dma_wait3A_169 = arith.constant 0 : i32
      %dma_wait3A_170 = tpu.memref_slice %arg9[%dma_wait3A_168, %dma_wait3A_169] : memref<10000x16xf32, #tpu.memory_space<vmem_shared>> -> memref<10000x16xf32, #tpu.memory_space<vmem_shared>>
      tpu.wait_indirect_dma semaphore(%arg11 : memref<!tpu.dma_semaphore, #tpu.memory_space<semaphore_mem>>) src(%arg8 : memref<125x16xf32, #tpu.memory_space<vmem>>) dst(%dma_wait3A_170 : memref<10000x16xf32, #tpu.memory_space<vmem_shared>>)
      %add3A_171 = arith.constant 6 : i32
      %add3A_172 = arith.addi %add3A_42, %add3A_171 : i32
      %dma_wait3A_173 = arith.constant 0 : i32
      %dma_wait3A_174 = tpu.memref_slice %arg7[%add3A_172, %dma_wait3A_173] : memref<80x125xi32, #tpu.memory_space<vmem>> -> memref<1x125xi32, #tpu.memory_space<vmem>>
      %dma_wait3A_175 = tpu.memref_squeeze %dma_wait3A_174 : memref<1x125xi32, #tpu.memory_space<vmem>> -> memref<125xi32, #tpu.memory_space<vmem>>
      %dma_wait3A_176 = arith.constant 0 : i32
      %dma_wait3A_177 = arith.constant 0 : i32
      %dma_wait3A_178 = tpu.memref_slice %arg9[%dma_wait3A_176, %dma_wait3A_177] : memref<10000x16xf32, #tpu.memory_space<vmem_shared>> -> memref<10000x16xf32, #tpu.memory_space<vmem_shared>>
      tpu.wait_indirect_dma semaphore(%arg11 : memref<!tpu.dma_semaphore, #tpu.memory_space<semaphore_mem>>) src(%arg8 : memref<125x16xf32, #tpu.memory_space<vmem>>) dst(%dma_wait3A_178 : memref<10000x16xf32, #tpu.memory_space<vmem_shared>>)
      %add3A_179 = arith.constant 7 : i32
      %add3A_180 = arith.addi %add3A_42, %add3A_179 : i32
      %dma_wait3A_181 = arith.constant 0 : i32
      %dma_wait3A_182 = tpu.memref_slice %arg7[%add3A_180, %dma_wait3A_181] : memref<80x125xi32, #tpu.memory_space<vmem>> -> memref<1x125xi32, #tpu.memory_space<vmem>>
      %dma_wait3A_183 = tpu.memref_squeeze %dma_wait3A_182 : memref<1x125xi32, #tpu.memory_space<vmem>> -> memref<125xi32, #tpu.memory_space<vmem>>
      %dma_wait3A_184 = arith.constant 0 : i32
      %dma_wait3A_185 = arith.constant 0 : i32
      %dma_wait3A_186 = tpu.memref_slice %arg9[%dma_wait3A_184, %dma_wait3A_185] : memref<10000x16xf32, #tpu.memory_space<vmem_shared>> -> memref<10000x16xf32, #tpu.memory_space<vmem_shared>>
      tpu.wait_indirect_dma semaphore(%arg11 : memref<!tpu.dma_semaphore, #tpu.memory_space<semaphore_mem>>) src(%arg8 : memref<125x16xf32, #tpu.memory_space<vmem>>) dst(%dma_wait3A_186 : memref<10000x16xf32, #tpu.memory_space<vmem_shared>>)
      %add3A_187 = arith.constant 8 : i32
      %add3A_188 = arith.addi %add3A_42, %add3A_187 : i32
      %dma_wait3A_189 = arith.constant 0 : i32
      %dma_wait3A_190 = tpu.memref_slice %arg7[%add3A_188, %dma_wait3A_189] : memref<80x125xi32, #tpu.memory_space<vmem>> -> memref<1x125xi32, #tpu.memory_space<vmem>>
      %dma_wait3A_191 = tpu.memref_squeeze %dma_wait3A_190 : memref<1x125xi32, #tpu.memory_space<vmem>> -> memref<125xi32, #tpu.memory_space<vmem>>
      %dma_wait3A_192 = arith.constant 0 : i32
      %dma_wait3A_193 = arith.constant 0 : i32
      %dma_wait3A_194 = tpu.memref_slice %arg9[%dma_wait3A_192, %dma_wait3A_193] : memref<10000x16xf32, #tpu.memory_space<vmem_shared>> -> memref<10000x16xf32, #tpu.memory_space<vmem_shared>>
      tpu.wait_indirect_dma semaphore(%arg11 : memref<!tpu.dma_semaphore, #tpu.memory_space<semaphore_mem>>) src(%arg8 : memref<125x16xf32, #tpu.memory_space<vmem>>) dst(%dma_wait3A_194 : memref<10000x16xf32, #tpu.memory_space<vmem_shared>>)
      %add3A_195 = arith.constant 9 : i32
      %add3A_196 = arith.addi %add3A_42, %add3A_195 : i32
      %dma_wait3A_197 = arith.constant 0 : i32
      %dma_wait3A_198 = tpu.memref_slice %arg7[%add3A_196, %dma_wait3A_197] : memref<80x125xi32, #tpu.memory_space<vmem>> -> memref<1x125xi32, #tpu.memory_space<vmem>>
      %dma_wait3A_199 = tpu.memref_squeeze %dma_wait3A_198 : memref<1x125xi32, #tpu.memory_space<vmem>> -> memref<125xi32, #tpu.memory_space<vmem>>
      %dma_wait3A_200 = arith.constant 0 : i32
      %dma_wait3A_201 = arith.constant 0 : i32
      %dma_wait3A_202 = tpu.memref_slice %arg9[%dma_wait3A_200, %dma_wait3A_201] : memref<10000x16xf32, #tpu.memory_space<vmem_shared>> -> memref<10000x16xf32, #tpu.memory_space<vmem_shared>>
      tpu.wait_indirect_dma semaphore(%arg11 : memref<!tpu.dma_semaphore, #tpu.memory_space<semaphore_mem>>) src(%arg8 : memref<125x16xf32, #tpu.memory_space<vmem>>) dst(%dma_wait3A_202 : memref<10000x16xf32, #tpu.memory_space<vmem_shared>>)
    }
    %scan3A_24 = arith.constant 8 : i32
    %barrier3A_25 = arith.constant 0 : index
    tpu.barrier barrier_id(%barrier3A_25)
    %mul3A_26 = arith.constant 624 : i32
    %mul3A_27 = arith.muli %arg1, %mul3A_26 : i32
    %eq3A_28 = arith.constant 0 : i32
    %eq3A_29 = arith.cmpi eq, %arg0, %eq3A_28 : i32
    %convert_element_type3A_30 = arith.extui %eq3A_29 : i1 to i32
    %cond3A_31 = arith.constant 0 : i32
    %cond3A_32 = arith.cmpi ne, %convert_element_type3A_30, %cond3A_31 : i32
    scf.if %cond3A_32 {
      "tpu.region"() ({
        %run_scoped3A = tpu.sem_alloc : memref<!tpu.dma_semaphore, #tpu.memory_space<semaphore_mem>>
        %dma_start3A_43 = arith.constant 0 : i32
        %dma_start3A_44 = tpu.memref_slice %arg5[%mul3A_27, %dma_start3A_43] : memref<10000x16xf32, #tpu.memory_space<hbm>> -> memref<624x16xf32, #tpu.memory_space<hbm>>
        %dma_start3A_45 = arith.constant 0 : i32
        %dma_start3A_46 = tpu.memref_slice %arg9[%mul3A_27, %dma_start3A_45] : memref<10000x16xf32, #tpu.memory_space<vmem_shared>> -> memref<624x16xf32, #tpu.memory_space<vmem_shared>>
        tpu.enqueue_dma source(%dma_start3A_46 : memref<624x16xf32, #tpu.memory_space<vmem_shared>>) target(%dma_start3A_44 : memref<624x16xf32, #tpu.memory_space<hbm>>) target_semaphore(%run_scoped3A : memref<!tpu.dma_semaphore, #tpu.memory_space<semaphore_mem>>)
        %dma_wait3A_47 = arith.constant 0 : i32
        %dma_wait3A_48 = tpu.memref_slice %arg5[%mul3A_27, %dma_wait3A_47] : memref<10000x16xf32, #tpu.memory_space<hbm>> -> memref<624x16xf32, #tpu.memory_space<hbm>>
        %dma_wait3A_49 = arith.constant 0 : i32
        %dma_wait3A_50 = tpu.memref_slice %arg9[%mul3A_27, %dma_wait3A_49] : memref<10000x16xf32, #tpu.memory_space<vmem_shared>> -> memref<624x16xf32, #tpu.memory_space<vmem_shared>>
        tpu.wait_dma2 semaphore(%run_scoped3A : memref<!tpu.dma_semaphore, #tpu.memory_space<semaphore_mem>>) src(%dma_wait3A_50 : memref<624x16xf32, #tpu.memory_space<vmem_shared>>) dst(%dma_wait3A_48 : memref<624x16xf32, #tpu.memory_space<hbm>>)
        tpu.yield
      }) : () -> ()
      %eq3A_38 = arith.constant 0 : i32
      %eq3A_39 = arith.cmpi eq, %arg1, %eq3A_38 : i32
      %convert_element_type3A_40 = arith.extui %eq3A_39 : i1 to i32
      %cond3A_41 = arith.constant 0 : i32
      %cond3A_42 = arith.cmpi ne, %convert_element_type3A_40, %cond3A_41 : i32
      scf.if %cond3A_42 {
        "tpu.region"() ({
          %run_scoped3A = tpu.sem_alloc : memref<!tpu.dma_semaphore, #tpu.memory_space<semaphore_mem>>
          %dma_start3A_43 = arith.constant 9984 : i32
          %dma_start3A_44 = arith.constant 0 : i32
          %dma_start3A_45 = tpu.memref_slice %arg5[%dma_start3A_43, %dma_start3A_44] : memref<10000x16xf32, #tpu.memory_space<hbm>> -> memref<16x16xf32, #tpu.memory_space<hbm>>
          %dma_start3A_46 = arith.constant 9984 : i32
          %dma_start3A_47 = arith.constant 0 : i32
          %dma_start3A_48 = tpu.memref_slice %arg9[%dma_start3A_46, %dma_start3A_47] : memref<10000x16xf32, #tpu.memory_space<vmem_shared>> -> memref<16x16xf32, #tpu.memory_space<vmem_shared>>
          tpu.enqueue_dma source(%dma_start3A_48 : memref<16x16xf32, #tpu.memory_space<vmem_shared>>) target(%dma_start3A_45 : memref<16x16xf32, #tpu.memory_space<hbm>>) target_semaphore(%run_scoped3A : memref<!tpu.dma_semaphore, #tpu.memory_space<semaphore_mem>>)
          %dma_wait3A_49 = arith.constant 9984 : i32
          %dma_wait3A_50 = arith.constant 0 : i32
          %dma_wait3A_51 = tpu.memref_slice %arg5[%dma_wait3A_49, %dma_wait3A_50] : memref<10000x16xf32, #tpu.memory_space<hbm>> -> memref<16x16xf32, #tpu.memory_space<hbm>>
          %dma_wait3A_52 = arith.constant 9984 : i32
          %dma_wait3A_53 = arith.constant 0 : i32
          %dma_wait3A_54 = tpu.memref_slice %arg9[%dma_wait3A_52, %dma_wait3A_53] : memref<10000x16xf32, #tpu.memory_space<vmem_shared>> -> memref<16x16xf32, #tpu.memory_space<vmem_shared>>
          tpu.wait_dma2 semaphore(%run_scoped3A : memref<!tpu.dma_semaphore, #tpu.memory_space<semaphore_mem>>) src(%dma_wait3A_54 : memref<16x16xf32, #tpu.memory_space<vmem_shared>>) dst(%dma_wait3A_51 : memref<16x16xf32, #tpu.memory_space<hbm>>)
          tpu.yield
        }) : () -> ()
      } else {
      }
    } else {
    }
    %eq3A_33 = arith.constant 1 : i32
    %eq3A_34 = arith.cmpi eq, %arg0, %eq3A_33 : i32
    %convert_element_type3A_35 = arith.extui %eq3A_34 : i1 to i32
    %cond3A_36 = arith.constant 0 : i32
    %cond3A_37 = arith.cmpi ne, %convert_element_type3A_35, %cond3A_36 : i32
    scf.if %cond3A_37 {
      "tpu.region"() ({
        %run_scoped3A = tpu.sem_alloc : memref<!tpu.dma_semaphore, #tpu.memory_space<semaphore_mem>>
        %dma_start3A_43 = arith.constant 0 : i32
        %dma_start3A_44 = tpu.memref_slice %arg6[%mul3A_27, %dma_start3A_43] : memref<10000x16xf32, #tpu.memory_space<hbm>> -> memref<624x16xf32, #tpu.memory_space<hbm>>
        %dma_start3A_45 = arith.constant 0 : i32
        %dma_start3A_46 = tpu.memref_slice %arg9[%mul3A_27, %dma_start3A_45] : memref<10000x16xf32, #tpu.memory_space<vmem_shared>> -> memref<624x16xf32, #tpu.memory_space<vmem_shared>>
        tpu.enqueue_dma source(%dma_start3A_46 : memref<624x16xf32, #tpu.memory_space<vmem_shared>>) target(%dma_start3A_44 : memref<624x16xf32, #tpu.memory_space<hbm>>) target_semaphore(%run_scoped3A : memref<!tpu.dma_semaphore, #tpu.memory_space<semaphore_mem>>)
        %dma_wait3A_47 = arith.constant 0 : i32
        %dma_wait3A_48 = tpu.memref_slice %arg6[%mul3A_27, %dma_wait3A_47] : memref<10000x16xf32, #tpu.memory_space<hbm>> -> memref<624x16xf32, #tpu.memory_space<hbm>>
        %dma_wait3A_49 = arith.constant 0 : i32
        %dma_wait3A_50 = tpu.memref_slice %arg9[%mul3A_27, %dma_wait3A_49] : memref<10000x16xf32, #tpu.memory_space<vmem_shared>> -> memref<624x16xf32, #tpu.memory_space<vmem_shared>>
        tpu.wait_dma2 semaphore(%run_scoped3A : memref<!tpu.dma_semaphore, #tpu.memory_space<semaphore_mem>>) src(%dma_wait3A_50 : memref<624x16xf32, #tpu.memory_space<vmem_shared>>) dst(%dma_wait3A_48 : memref<624x16xf32, #tpu.memory_space<hbm>>)
        tpu.yield
      }) : () -> ()
      %eq3A_38 = arith.constant 0 : i32
      %eq3A_39 = arith.cmpi eq, %arg1, %eq3A_38 : i32
      %convert_element_type3A_40 = arith.extui %eq3A_39 : i1 to i32
      %cond3A_41 = arith.constant 0 : i32
      %cond3A_42 = arith.cmpi ne, %convert_element_type3A_40, %cond3A_41 : i32
      scf.if %cond3A_42 {
        "tpu.region"() ({
          %run_scoped3A = tpu.sem_alloc : memref<!tpu.dma_semaphore, #tpu.memory_space<semaphore_mem>>
          %dma_start3A_43 = arith.constant 9984 : i32
          %dma_start3A_44 = arith.constant 0 : i32
          %dma_start3A_45 = tpu.memref_slice %arg6[%dma_start3A_43, %dma_start3A_44] : memref<10000x16xf32, #tpu.memory_space<hbm>> -> memref<16x16xf32, #tpu.memory_space<hbm>>
          %dma_start3A_46 = arith.constant 9984 : i32
          %dma_start3A_47 = arith.constant 0 : i32
          %dma_start3A_48 = tpu.memref_slice %arg9[%dma_start3A_46, %dma_start3A_47] : memref<10000x16xf32, #tpu.memory_space<vmem_shared>> -> memref<16x16xf32, #tpu.memory_space<vmem_shared>>
          tpu.enqueue_dma source(%dma_start3A_48 : memref<16x16xf32, #tpu.memory_space<vmem_shared>>) target(%dma_start3A_45 : memref<16x16xf32, #tpu.memory_space<hbm>>) target_semaphore(%run_scoped3A : memref<!tpu.dma_semaphore, #tpu.memory_space<semaphore_mem>>)
          %dma_wait3A_49 = arith.constant 9984 : i32
          %dma_wait3A_50 = arith.constant 0 : i32
          %dma_wait3A_51 = tpu.memref_slice %arg6[%dma_wait3A_49, %dma_wait3A_50] : memref<10000x16xf32, #tpu.memory_space<hbm>> -> memref<16x16xf32, #tpu.memory_space<hbm>>
          %dma_wait3A_52 = arith.constant 9984 : i32
          %dma_wait3A_53 = arith.constant 0 : i32
          %dma_wait3A_54 = tpu.memref_slice %arg9[%dma_wait3A_52, %dma_wait3A_53] : memref<10000x16xf32, #tpu.memory_space<vmem_shared>> -> memref<16x16xf32, #tpu.memory_space<vmem_shared>>
          tpu.wait_dma2 semaphore(%run_scoped3A : memref<!tpu.dma_semaphore, #tpu.memory_space<semaphore_mem>>) src(%dma_wait3A_54 : memref<16x16xf32, #tpu.memory_space<vmem_shared>>) dst(%dma_wait3A_51 : memref<16x16xf32, #tpu.memory_space<hbm>>)
          tpu.yield
        }) : () -> ()
      } else {
      }
    } else {
    }
    return
  }
}

#map = affine_map<(d0, d1) -> (0, 0)>
#map1 = affine_map<(d0, d1) -> (0, 0, 0, 0)>
module attributes {stable_mosaic.version = 14 : i64} {
  func.func @seg(%arg0: i32, %arg1: i32, %arg2: memref<10000x16xf32, #tpu.memory_space<hbm>>, %arg3: memref<2x32x80x125xi32, #tpu.memory_space<hbm>>, %arg4: memref<10000x16xf32, #tpu.memory_space<hbm>>, %arg5: memref<10000x16xf32, #tpu.memory_space<hbm>>, %arg6: memref<10000x16xf32, #tpu.memory_space<hbm>>, %arg7: memref<80x125xi32, #tpu.memory_space<vmem>>, %arg8: memref<80x125xi32, #tpu.memory_space<vmem>>, %arg9: memref<125x16xf32, #tpu.memory_space<vmem>>, %arg10: memref<125x16xf32, #tpu.memory_space<vmem>>, %arg11: memref<125x16xf32, #tpu.memory_space<vmem>>, %arg12: memref<125x16xf32, #tpu.memory_space<vmem>>, %arg13: memref<125x16xf32, #tpu.memory_space<vmem>>, %arg14: memref<125x16xf32, #tpu.memory_space<vmem>>, %arg15: memref<125x16xf32, #tpu.memory_space<vmem>>, %arg16: memref<125x16xf32, #tpu.memory_space<vmem>>, %arg17: memref<125x16xf32, #tpu.memory_space<vmem>>, %arg18: memref<125x16xf32, #tpu.memory_space<vmem>>, %arg19: memref<10000x16xf32, #tpu.memory_space<vmem_shared>>, %arg20: memref<!tpu.dma_semaphore, #tpu.memory_space<semaphore_mem>>, %arg21: memref<!tpu.dma_semaphore, #tpu.memory_space<semaphore_mem>>, %arg22: memref<!tpu.dma_semaphore, #tpu.memory_space<semaphore_mem>>, %arg23: memref<!tpu.dma_semaphore, #tpu.memory_space<semaphore_mem>>, %arg24: memref<!tpu.dma_semaphore, #tpu.memory_space<semaphore_mem>>, %arg25: memref<!tpu.dma_semaphore, #tpu.memory_space<semaphore_mem>>, %arg26: memref<!tpu.dma_semaphore, #tpu.memory_space<semaphore_mem>>, %arg27: memref<!tpu.dma_semaphore, #tpu.memory_space<semaphore_mem>>, %arg28: memref<!tpu.dma_semaphore, #tpu.memory_space<semaphore_mem>>, %arg29: memref<!tpu.dma_semaphore, #tpu.memory_space<semaphore_mem>>, %arg30: memref<!tpu.dma_semaphore, #tpu.memory_space<semaphore_mem>>, %arg31: memref<!tpu.dma_semaphore, #tpu.memory_space<semaphore_mem>>, %arg32: memref<!tpu.dma_semaphore, #tpu.memory_space<semaphore_mem>>, %arg33: memref<!tpu.dma_semaphore, #tpu.memory_space<semaphore_mem>>, %arg34: memref<!tpu.dma_semaphore, #tpu.memory_space<semaphore_mem>>, %arg35: memref<!tpu.dma_semaphore, #tpu.memory_space<semaphore_mem>>, %arg36: memref<!tpu.dma_semaphore, #tpu.memory_space<semaphore_mem>>, %arg37: memref<!tpu.dma_semaphore, #tpu.memory_space<semaphore_mem>>, %arg38: memref<!tpu.dma_semaphore, #tpu.memory_space<semaphore_mem>>, %arg39: memref<!tpu.dma_semaphore, #tpu.memory_space<semaphore_mem>>, %arg40: memref<!tpu.dma_semaphore, #tpu.memory_space<semaphore_mem>>) attributes {dimension_semantics = [#tpu.dimension_semantics<core_parallel>, #tpu.dimension_semantics<subcore_parallel>], iteration_bounds = array<i64: 2, 16>, scalar_prefetch = 0 : i64, scratch_operands = 34 : i64, tpu.core_type = #tpu.core_type<sc_vector_subcore>, window_params = [{transform_indices = #map}, {transform_indices = #map1}, {transform_indices = #map}, {transform_indices = #map}, {transform_indices = #map}]} {
    %mul3A = arith.constant 16 : i32
    %mul3A_0 = arith.muli %arg0, %mul3A : i32
    %add3A = arith.addi %mul3A_0, %arg1 : i32
    %dma_start3A = arith.constant 0 : i32
    %dma_start3A_1 = arith.constant 0 : i32
    %dma_start3A_2 = arith.constant 0 : i32
    %dma_start3A_3 = tpu.memref_slice %arg3[%dma_start3A, %add3A, %dma_start3A_1, %dma_start3A_2] : memref<2x32x80x125xi32, #tpu.memory_space<hbm>> -> memref<1x1x80x125xi32, #tpu.memory_space<hbm>>
    %dma_start3A_4 = tpu.memref_squeeze %dma_start3A_3 : memref<1x1x80x125xi32, #tpu.memory_space<hbm>> -> memref<80x125xi32, #tpu.memory_space<hbm>>
    %dma_start3A_5 = arith.constant 0 : i32
    %dma_start3A_6 = arith.constant 0 : i32
    %dma_start3A_7 = tpu.memref_slice %arg3[%dma_start3A, %add3A, %dma_start3A_5, %dma_start3A_6] : memref<2x32x80x125xi32, #tpu.memory_space<hbm>> -> memref<1x1x80x125xi32, #tpu.memory_space<hbm>>
    %dma_start3A_8 = tpu.memref_squeeze %dma_start3A_7 : memref<1x1x80x125xi32, #tpu.memory_space<hbm>> -> memref<80x125xi32, #tpu.memory_space<hbm>>
    tpu.enqueue_dma source(%dma_start3A_8 : memref<80x125xi32, #tpu.memory_space<hbm>>) target(%arg7 : memref<80x125xi32, #tpu.memory_space<vmem>>) target_semaphore(%arg20 : memref<!tpu.dma_semaphore, #tpu.memory_space<semaphore_mem>>)
    %dma_start3A_9 = arith.constant 1 : i32
    %dma_start3A_10 = arith.constant 0 : i32
    %dma_start3A_11 = arith.constant 0 : i32
    %dma_start3A_12 = tpu.memref_slice %arg3[%dma_start3A_9, %add3A, %dma_start3A_10, %dma_start3A_11] : memref<2x32x80x125xi32, #tpu.memory_space<hbm>> -> memref<1x1x80x125xi32, #tpu.memory_space<hbm>>
    %dma_start3A_13 = tpu.memref_squeeze %dma_start3A_12 : memref<1x1x80x125xi32, #tpu.memory_space<hbm>> -> memref<80x125xi32, #tpu.memory_space<hbm>>
    %dma_start3A_14 = arith.constant 0 : i32
    %dma_start3A_15 = arith.constant 0 : i32
    %dma_start3A_16 = tpu.memref_slice %arg3[%dma_start3A_9, %add3A, %dma_start3A_14, %dma_start3A_15] : memref<2x32x80x125xi32, #tpu.memory_space<hbm>> -> memref<1x1x80x125xi32, #tpu.memory_space<hbm>>
    %dma_start3A_17 = tpu.memref_squeeze %dma_start3A_16 : memref<1x1x80x125xi32, #tpu.memory_space<hbm>> -> memref<80x125xi32, #tpu.memory_space<hbm>>
    tpu.enqueue_dma source(%dma_start3A_17 : memref<80x125xi32, #tpu.memory_space<hbm>>) target(%arg8 : memref<80x125xi32, #tpu.memory_space<vmem>>) target_semaphore(%arg20 : memref<!tpu.dma_semaphore, #tpu.memory_space<semaphore_mem>>)
    %mul3A_18 = arith.constant 624 : i32
    %mul3A_19 = arith.muli %arg1, %mul3A_18 : i32
    "tpu.region"() ({
      %run_scoped3A = tpu.sem_alloc : memref<!tpu.dma_semaphore, #tpu.memory_space<semaphore_mem>>
      %dma_start3A_126 = arith.constant 0 : i32
      %dma_start3A_127 = tpu.memref_slice %arg19[%mul3A_19, %dma_start3A_126] : memref<10000x16xf32, #tpu.memory_space<vmem_shared>> -> memref<624x16xf32, #tpu.memory_space<vmem_shared>>
      %dma_start3A_128 = arith.constant 0 : i32
      %dma_start3A_129 = tpu.memref_slice %arg4[%mul3A_19, %dma_start3A_128] : memref<10000x16xf32, #tpu.memory_space<hbm>> -> memref<624x16xf32, #tpu.memory_space<hbm>>
      tpu.enqueue_dma source(%dma_start3A_129 : memref<624x16xf32, #tpu.memory_space<hbm>>) target(%dma_start3A_127 : memref<624x16xf32, #tpu.memory_space<vmem_shared>>) target_semaphore(%run_scoped3A : memref<!tpu.dma_semaphore, #tpu.memory_space<semaphore_mem>>)
      %dma_wait3A_130 = arith.constant 0 : i32
      %dma_wait3A_131 = tpu.memref_slice %arg19[%mul3A_19, %dma_wait3A_130] : memref<10000x16xf32, #tpu.memory_space<vmem_shared>> -> memref<624x16xf32, #tpu.memory_space<vmem_shared>>
      %dma_wait3A_132 = arith.constant 0 : i32
      %dma_wait3A_133 = tpu.memref_slice %arg4[%mul3A_19, %dma_wait3A_132] : memref<10000x16xf32, #tpu.memory_space<hbm>> -> memref<624x16xf32, #tpu.memory_space<hbm>>
      tpu.wait_dma2 semaphore(%run_scoped3A : memref<!tpu.dma_semaphore, #tpu.memory_space<semaphore_mem>>) src(%dma_wait3A_133 : memref<624x16xf32, #tpu.memory_space<hbm>>) dst(%dma_wait3A_131 : memref<624x16xf32, #tpu.memory_space<vmem_shared>>)
      tpu.yield
    }) : () -> ()
    %eq3A = arith.constant 0 : i32
    %eq3A_20 = arith.cmpi eq, %arg1, %eq3A : i32
    %convert_element_type3A = arith.extui %eq3A_20 : i1 to i32
    %cond3A = arith.constant 0 : i32
    %cond3A_21 = arith.cmpi ne, %convert_element_type3A, %cond3A : i32
    scf.if %cond3A_21 {
      "tpu.region"() ({
        %run_scoped3A = tpu.sem_alloc : memref<!tpu.dma_semaphore, #tpu.memory_space<semaphore_mem>>
        %dma_start3A_126 = arith.constant 9984 : i32
        %dma_start3A_127 = arith.constant 0 : i32
        %dma_start3A_128 = tpu.memref_slice %arg19[%dma_start3A_126, %dma_start3A_127] : memref<10000x16xf32, #tpu.memory_space<vmem_shared>> -> memref<16x16xf32, #tpu.memory_space<vmem_shared>>
        %dma_start3A_129 = arith.constant 9984 : i32
        %dma_start3A_130 = arith.constant 0 : i32
        %dma_start3A_131 = tpu.memref_slice %arg4[%dma_start3A_129, %dma_start3A_130] : memref<10000x16xf32, #tpu.memory_space<hbm>> -> memref<16x16xf32, #tpu.memory_space<hbm>>
        tpu.enqueue_dma source(%dma_start3A_131 : memref<16x16xf32, #tpu.memory_space<hbm>>) target(%dma_start3A_128 : memref<16x16xf32, #tpu.memory_space<vmem_shared>>) target_semaphore(%run_scoped3A : memref<!tpu.dma_semaphore, #tpu.memory_space<semaphore_mem>>)
        %dma_wait3A_132 = arith.constant 9984 : i32
        %dma_wait3A_133 = arith.constant 0 : i32
        %dma_wait3A_134 = tpu.memref_slice %arg19[%dma_wait3A_132, %dma_wait3A_133] : memref<10000x16xf32, #tpu.memory_space<vmem_shared>> -> memref<16x16xf32, #tpu.memory_space<vmem_shared>>
        %dma_wait3A_135 = arith.constant 9984 : i32
        %dma_wait3A_136 = arith.constant 0 : i32
        %dma_wait3A_137 = tpu.memref_slice %arg4[%dma_wait3A_135, %dma_wait3A_136] : memref<10000x16xf32, #tpu.memory_space<hbm>> -> memref<16x16xf32, #tpu.memory_space<hbm>>
        tpu.wait_dma2 semaphore(%run_scoped3A : memref<!tpu.dma_semaphore, #tpu.memory_space<semaphore_mem>>) src(%dma_wait3A_137 : memref<16x16xf32, #tpu.memory_space<hbm>>) dst(%dma_wait3A_134 : memref<16x16xf32, #tpu.memory_space<vmem_shared>>)
        tpu.yield
      }) : () -> ()
    } else {
    }
    %dma_wait3A = arith.constant 0 : i32
    %dma_wait3A_22 = arith.constant 0 : i32
    %dma_wait3A_23 = arith.constant 0 : i32
    %dma_wait3A_24 = tpu.memref_slice %arg3[%dma_wait3A, %add3A, %dma_wait3A_22, %dma_wait3A_23] : memref<2x32x80x125xi32, #tpu.memory_space<hbm>> -> memref<1x1x80x125xi32, #tpu.memory_space<hbm>>
    %dma_wait3A_25 = tpu.memref_squeeze %dma_wait3A_24 : memref<1x1x80x125xi32, #tpu.memory_space<hbm>> -> memref<80x125xi32, #tpu.memory_space<hbm>>
    %dma_wait3A_26 = arith.constant 0 : i32
    %dma_wait3A_27 = arith.constant 0 : i32
    %dma_wait3A_28 = tpu.memref_slice %arg3[%dma_wait3A, %add3A, %dma_wait3A_26, %dma_wait3A_27] : memref<2x32x80x125xi32, #tpu.memory_space<hbm>> -> memref<1x1x80x125xi32, #tpu.memory_space<hbm>>
    %dma_wait3A_29 = tpu.memref_squeeze %dma_wait3A_28 : memref<1x1x80x125xi32, #tpu.memory_space<hbm>> -> memref<80x125xi32, #tpu.memory_space<hbm>>
    tpu.wait_dma2 semaphore(%arg20 : memref<!tpu.dma_semaphore, #tpu.memory_space<semaphore_mem>>) src(%dma_wait3A_29 : memref<80x125xi32, #tpu.memory_space<hbm>>) dst(%arg7 : memref<80x125xi32, #tpu.memory_space<vmem>>)
    %dma_wait3A_30 = arith.constant 1 : i32
    %dma_wait3A_31 = arith.constant 0 : i32
    %dma_wait3A_32 = arith.constant 0 : i32
    %dma_wait3A_33 = tpu.memref_slice %arg3[%dma_wait3A_30, %add3A, %dma_wait3A_31, %dma_wait3A_32] : memref<2x32x80x125xi32, #tpu.memory_space<hbm>> -> memref<1x1x80x125xi32, #tpu.memory_space<hbm>>
    %dma_wait3A_34 = tpu.memref_squeeze %dma_wait3A_33 : memref<1x1x80x125xi32, #tpu.memory_space<hbm>> -> memref<80x125xi32, #tpu.memory_space<hbm>>
    %dma_wait3A_35 = arith.constant 0 : i32
    %dma_wait3A_36 = arith.constant 0 : i32
    %dma_wait3A_37 = tpu.memref_slice %arg3[%dma_wait3A_30, %add3A, %dma_wait3A_35, %dma_wait3A_36] : memref<2x32x80x125xi32, #tpu.memory_space<hbm>> -> memref<1x1x80x125xi32, #tpu.memory_space<hbm>>
    %dma_wait3A_38 = tpu.memref_squeeze %dma_wait3A_37 : memref<1x1x80x125xi32, #tpu.memory_space<hbm>> -> memref<80x125xi32, #tpu.memory_space<hbm>>
    tpu.wait_dma2 semaphore(%arg20 : memref<!tpu.dma_semaphore, #tpu.memory_space<semaphore_mem>>) src(%dma_wait3A_38 : memref<80x125xi32, #tpu.memory_space<hbm>>) dst(%arg8 : memref<80x125xi32, #tpu.memory_space<vmem>>)
    %barrier3A = arith.constant 0 : index
    tpu.barrier barrier_id(%barrier3A)
    %dma_start3A_39 = arith.constant 0 : i32
    %dma_start3A_40 = arith.constant 0 : i32
    %dma_start3A_41 = tpu.memref_slice %arg7[%dma_start3A_39, %dma_start3A_40] : memref<80x125xi32, #tpu.memory_space<vmem>> -> memref<1x125xi32, #tpu.memory_space<vmem>>
    %dma_start3A_42 = tpu.memref_squeeze %dma_start3A_41 : memref<1x125xi32, #tpu.memory_space<vmem>> -> memref<125xi32, #tpu.memory_space<vmem>>
    %dma_start3A_43 = arith.constant 0 : i32
    %dma_start3A_44 = arith.constant 0 : i32
    %dma_start3A_45 = tpu.memref_slice %arg2[%dma_start3A_43, %dma_start3A_44] : memref<10000x16xf32, #tpu.memory_space<hbm>> -> memref<10000x16xf32, #tpu.memory_space<hbm>>
    tpu.enqueue_indirect_dma source(%dma_start3A_45 : memref<10000x16xf32, #tpu.memory_space<hbm>>) target(%arg9 : memref<125x16xf32, #tpu.memory_space<vmem>>) offsets(%dma_start3A_42 : memref<125xi32, #tpu.memory_space<vmem>>) semaphore(%arg21 : memref<!tpu.dma_semaphore, #tpu.memory_space<semaphore_mem>>)
    %dma_start3A_46 = arith.constant 1 : i32
    %dma_start3A_47 = arith.constant 0 : i32
    %dma_start3A_48 = tpu.memref_slice %arg7[%dma_start3A_46, %dma_start3A_47] : memref<80x125xi32, #tpu.memory_space<vmem>> -> memref<1x125xi32, #tpu.memory_space<vmem>>
    %dma_start3A_49 = tpu.memref_squeeze %dma_start3A_48 : memref<1x125xi32, #tpu.memory_space<vmem>> -> memref<125xi32, #tpu.memory_space<vmem>>
    %dma_start3A_50 = arith.constant 0 : i32
    %dma_start3A_51 = arith.constant 0 : i32
    %dma_start3A_52 = tpu.memref_slice %arg2[%dma_start3A_50, %dma_start3A_51] : memref<10000x16xf32, #tpu.memory_space<hbm>> -> memref<10000x16xf32, #tpu.memory_space<hbm>>
    tpu.enqueue_indirect_dma source(%dma_start3A_52 : memref<10000x16xf32, #tpu.memory_space<hbm>>) target(%arg10 : memref<125x16xf32, #tpu.memory_space<vmem>>) offsets(%dma_start3A_49 : memref<125xi32, #tpu.memory_space<vmem>>) semaphore(%arg22 : memref<!tpu.dma_semaphore, #tpu.memory_space<semaphore_mem>>)
    %dma_start3A_53 = arith.constant 2 : i32
    %dma_start3A_54 = arith.constant 0 : i32
    %dma_start3A_55 = tpu.memref_slice %arg7[%dma_start3A_53, %dma_start3A_54] : memref<80x125xi32, #tpu.memory_space<vmem>> -> memref<1x125xi32, #tpu.memory_space<vmem>>
    %dma_start3A_56 = tpu.memref_squeeze %dma_start3A_55 : memref<1x125xi32, #tpu.memory_space<vmem>> -> memref<125xi32, #tpu.memory_space<vmem>>
    %dma_start3A_57 = arith.constant 0 : i32
    %dma_start3A_58 = arith.constant 0 : i32
    %dma_start3A_59 = tpu.memref_slice %arg2[%dma_start3A_57, %dma_start3A_58] : memref<10000x16xf32, #tpu.memory_space<hbm>> -> memref<10000x16xf32, #tpu.memory_space<hbm>>
    tpu.enqueue_indirect_dma source(%dma_start3A_59 : memref<10000x16xf32, #tpu.memory_space<hbm>>) target(%arg11 : memref<125x16xf32, #tpu.memory_space<vmem>>) offsets(%dma_start3A_56 : memref<125xi32, #tpu.memory_space<vmem>>) semaphore(%arg23 : memref<!tpu.dma_semaphore, #tpu.memory_space<semaphore_mem>>)
    %dma_start3A_60 = arith.constant 3 : i32
    %dma_start3A_61 = arith.constant 0 : i32
    %dma_start3A_62 = tpu.memref_slice %arg7[%dma_start3A_60, %dma_start3A_61] : memref<80x125xi32, #tpu.memory_space<vmem>> -> memref<1x125xi32, #tpu.memory_space<vmem>>
    %dma_start3A_63 = tpu.memref_squeeze %dma_start3A_62 : memref<1x125xi32, #tpu.memory_space<vmem>> -> memref<125xi32, #tpu.memory_space<vmem>>
    %dma_start3A_64 = arith.constant 0 : i32
    %dma_start3A_65 = arith.constant 0 : i32
    %dma_start3A_66 = tpu.memref_slice %arg2[%dma_start3A_64, %dma_start3A_65] : memref<10000x16xf32, #tpu.memory_space<hbm>> -> memref<10000x16xf32, #tpu.memory_space<hbm>>
    tpu.enqueue_indirect_dma source(%dma_start3A_66 : memref<10000x16xf32, #tpu.memory_space<hbm>>) target(%arg12 : memref<125x16xf32, #tpu.memory_space<vmem>>) offsets(%dma_start3A_63 : memref<125xi32, #tpu.memory_space<vmem>>) semaphore(%arg24 : memref<!tpu.dma_semaphore, #tpu.memory_space<semaphore_mem>>)
    %dma_start3A_67 = arith.constant 4 : i32
    %dma_start3A_68 = arith.constant 0 : i32
    %dma_start3A_69 = tpu.memref_slice %arg7[%dma_start3A_67, %dma_start3A_68] : memref<80x125xi32, #tpu.memory_space<vmem>> -> memref<1x125xi32, #tpu.memory_space<vmem>>
    %dma_start3A_70 = tpu.memref_squeeze %dma_start3A_69 : memref<1x125xi32, #tpu.memory_space<vmem>> -> memref<125xi32, #tpu.memory_space<vmem>>
    %dma_start3A_71 = arith.constant 0 : i32
    %dma_start3A_72 = arith.constant 0 : i32
    %dma_start3A_73 = tpu.memref_slice %arg2[%dma_start3A_71, %dma_start3A_72] : memref<10000x16xf32, #tpu.memory_space<hbm>> -> memref<10000x16xf32, #tpu.memory_space<hbm>>
    tpu.enqueue_indirect_dma source(%dma_start3A_73 : memref<10000x16xf32, #tpu.memory_space<hbm>>) target(%arg13 : memref<125x16xf32, #tpu.memory_space<vmem>>) offsets(%dma_start3A_70 : memref<125xi32, #tpu.memory_space<vmem>>) semaphore(%arg25 : memref<!tpu.dma_semaphore, #tpu.memory_space<semaphore_mem>>)
    %dma_start3A_74 = arith.constant 5 : i32
    %dma_start3A_75 = arith.constant 0 : i32
    %dma_start3A_76 = tpu.memref_slice %arg7[%dma_start3A_74, %dma_start3A_75] : memref<80x125xi32, #tpu.memory_space<vmem>> -> memref<1x125xi32, #tpu.memory_space<vmem>>
    %dma_start3A_77 = tpu.memref_squeeze %dma_start3A_76 : memref<1x125xi32, #tpu.memory_space<vmem>> -> memref<125xi32, #tpu.memory_space<vmem>>
    %dma_start3A_78 = arith.constant 0 : i32
    %dma_start3A_79 = arith.constant 0 : i32
    %dma_start3A_80 = tpu.memref_slice %arg2[%dma_start3A_78, %dma_start3A_79] : memref<10000x16xf32, #tpu.memory_space<hbm>> -> memref<10000x16xf32, #tpu.memory_space<hbm>>
    tpu.enqueue_indirect_dma source(%dma_start3A_80 : memref<10000x16xf32, #tpu.memory_space<hbm>>) target(%arg14 : memref<125x16xf32, #tpu.memory_space<vmem>>) offsets(%dma_start3A_77 : memref<125xi32, #tpu.memory_space<vmem>>) semaphore(%arg26 : memref<!tpu.dma_semaphore, #tpu.memory_space<semaphore_mem>>)
    %dma_start3A_81 = arith.constant 6 : i32
    %dma_start3A_82 = arith.constant 0 : i32
    %dma_start3A_83 = tpu.memref_slice %arg7[%dma_start3A_81, %dma_start3A_82] : memref<80x125xi32, #tpu.memory_space<vmem>> -> memref<1x125xi32, #tpu.memory_space<vmem>>
    %dma_start3A_84 = tpu.memref_squeeze %dma_start3A_83 : memref<1x125xi32, #tpu.memory_space<vmem>> -> memref<125xi32, #tpu.memory_space<vmem>>
    %dma_start3A_85 = arith.constant 0 : i32
    %dma_start3A_86 = arith.constant 0 : i32
    %dma_start3A_87 = tpu.memref_slice %arg2[%dma_start3A_85, %dma_start3A_86] : memref<10000x16xf32, #tpu.memory_space<hbm>> -> memref<10000x16xf32, #tpu.memory_space<hbm>>
    tpu.enqueue_indirect_dma source(%dma_start3A_87 : memref<10000x16xf32, #tpu.memory_space<hbm>>) target(%arg15 : memref<125x16xf32, #tpu.memory_space<vmem>>) offsets(%dma_start3A_84 : memref<125xi32, #tpu.memory_space<vmem>>) semaphore(%arg27 : memref<!tpu.dma_semaphore, #tpu.memory_space<semaphore_mem>>)
    %dma_start3A_88 = arith.constant 7 : i32
    %dma_start3A_89 = arith.constant 0 : i32
    %dma_start3A_90 = tpu.memref_slice %arg7[%dma_start3A_88, %dma_start3A_89] : memref<80x125xi32, #tpu.memory_space<vmem>> -> memref<1x125xi32, #tpu.memory_space<vmem>>
    %dma_start3A_91 = tpu.memref_squeeze %dma_start3A_90 : memref<1x125xi32, #tpu.memory_space<vmem>> -> memref<125xi32, #tpu.memory_space<vmem>>
    %dma_start3A_92 = arith.constant 0 : i32
    %dma_start3A_93 = arith.constant 0 : i32
    %dma_start3A_94 = tpu.memref_slice %arg2[%dma_start3A_92, %dma_start3A_93] : memref<10000x16xf32, #tpu.memory_space<hbm>> -> memref<10000x16xf32, #tpu.memory_space<hbm>>
    tpu.enqueue_indirect_dma source(%dma_start3A_94 : memref<10000x16xf32, #tpu.memory_space<hbm>>) target(%arg16 : memref<125x16xf32, #tpu.memory_space<vmem>>) offsets(%dma_start3A_91 : memref<125xi32, #tpu.memory_space<vmem>>) semaphore(%arg28 : memref<!tpu.dma_semaphore, #tpu.memory_space<semaphore_mem>>)
    %dma_start3A_95 = arith.constant 8 : i32
    %dma_start3A_96 = arith.constant 0 : i32
    %dma_start3A_97 = tpu.memref_slice %arg7[%dma_start3A_95, %dma_start3A_96] : memref<80x125xi32, #tpu.memory_space<vmem>> -> memref<1x125xi32, #tpu.memory_space<vmem>>
    %dma_start3A_98 = tpu.memref_squeeze %dma_start3A_97 : memref<1x125xi32, #tpu.memory_space<vmem>> -> memref<125xi32, #tpu.memory_space<vmem>>
    %dma_start3A_99 = arith.constant 0 : i32
    %dma_start3A_100 = arith.constant 0 : i32
    %dma_start3A_101 = tpu.memref_slice %arg2[%dma_start3A_99, %dma_start3A_100] : memref<10000x16xf32, #tpu.memory_space<hbm>> -> memref<10000x16xf32, #tpu.memory_space<hbm>>
    tpu.enqueue_indirect_dma source(%dma_start3A_101 : memref<10000x16xf32, #tpu.memory_space<hbm>>) target(%arg17 : memref<125x16xf32, #tpu.memory_space<vmem>>) offsets(%dma_start3A_98 : memref<125xi32, #tpu.memory_space<vmem>>) semaphore(%arg29 : memref<!tpu.dma_semaphore, #tpu.memory_space<semaphore_mem>>)
    %dma_start3A_102 = arith.constant 9 : i32
    %dma_start3A_103 = arith.constant 0 : i32
    %dma_start3A_104 = tpu.memref_slice %arg7[%dma_start3A_102, %dma_start3A_103] : memref<80x125xi32, #tpu.memory_space<vmem>> -> memref<1x125xi32, #tpu.memory_space<vmem>>
    %dma_start3A_105 = tpu.memref_squeeze %dma_start3A_104 : memref<1x125xi32, #tpu.memory_space<vmem>> -> memref<125xi32, #tpu.memory_space<vmem>>
    %dma_start3A_106 = arith.constant 0 : i32
    %dma_start3A_107 = arith.constant 0 : i32
    %dma_start3A_108 = tpu.memref_slice %arg2[%dma_start3A_106, %dma_start3A_107] : memref<10000x16xf32, #tpu.memory_space<hbm>> -> memref<10000x16xf32, #tpu.memory_space<hbm>>
    tpu.enqueue_indirect_dma source(%dma_start3A_108 : memref<10000x16xf32, #tpu.memory_space<hbm>>) target(%arg18 : memref<125x16xf32, #tpu.memory_space<vmem>>) offsets(%dma_start3A_105 : memref<125xi32, #tpu.memory_space<vmem>>) semaphore(%arg30 : memref<!tpu.dma_semaphore, #tpu.memory_space<semaphore_mem>>)
    %scan3A = arith.constant 0 : i32
    %scan3A_109 = arith.constant 8 : i32
    %scan3A_110 = arith.addi %scan3A, %scan3A_109 : i32
    %scan3A_111 = arith.constant 1 : i32
    scf.for %scan3A_126 = %scan3A to %scan3A_110 step %scan3A_111  : i32 {
      %mul3A_127 = arith.constant 10 : i32
      %mul3A_128 = arith.muli %scan3A_126, %mul3A_127 : i32
      %add3A_129 = arith.constant 0 : i32
      %add3A_130 = arith.addi %add3A_129, %mul3A_128 : i32
      %add3A_131 = arith.constant 0 : i32
      %add3A_132 = arith.addi %add3A_130, %add3A_131 : i32
      %dma_wait3A_133 = arith.constant 0 : i32
      %dma_wait3A_134 = tpu.memref_slice %arg7[%add3A_132, %dma_wait3A_133] : memref<80x125xi32, #tpu.memory_space<vmem>> -> memref<1x125xi32, #tpu.memory_space<vmem>>
      %dma_wait3A_135 = tpu.memref_squeeze %dma_wait3A_134 : memref<1x125xi32, #tpu.memory_space<vmem>> -> memref<125xi32, #tpu.memory_space<vmem>>
      %dma_wait3A_136 = arith.constant 0 : i32
      %dma_wait3A_137 = arith.constant 0 : i32
      %dma_wait3A_138 = tpu.memref_slice %arg2[%dma_wait3A_136, %dma_wait3A_137] : memref<10000x16xf32, #tpu.memory_space<hbm>> -> memref<10000x16xf32, #tpu.memory_space<hbm>>
      tpu.wait_indirect_dma semaphore(%arg21 : memref<!tpu.dma_semaphore, #tpu.memory_space<semaphore_mem>>) src(%dma_wait3A_138 : memref<10000x16xf32, #tpu.memory_space<hbm>>) dst(%arg9 : memref<125x16xf32, #tpu.memory_space<vmem>>)
      %add3A_139 = arith.constant 0 : i32
      %add3A_140 = arith.addi %add3A_130, %add3A_139 : i32
      %dma_start3A_141 = arith.constant 0 : i32
      %dma_start3A_142 = tpu.memref_slice %arg8[%add3A_140, %dma_start3A_141] : memref<80x125xi32, #tpu.memory_space<vmem>> -> memref<1x125xi32, #tpu.memory_space<vmem>>
      %dma_start3A_143 = tpu.memref_squeeze %dma_start3A_142 : memref<1x125xi32, #tpu.memory_space<vmem>> -> memref<125xi32, #tpu.memory_space<vmem>>
      %dma_start3A_144 = arith.constant 0 : i32
      %dma_start3A_145 = arith.constant 0 : i32
      %dma_start3A_146 = tpu.memref_slice %arg19[%dma_start3A_144, %dma_start3A_145] : memref<10000x16xf32, #tpu.memory_space<vmem_shared>> -> memref<10000x16xf32, #tpu.memory_space<vmem_shared>>
      tpu.enqueue_indirect_dma source(%arg9 : memref<125x16xf32, #tpu.memory_space<vmem>>) target(%dma_start3A_146 : memref<10000x16xf32, #tpu.memory_space<vmem_shared>>) offsets(%dma_start3A_143 : memref<125xi32, #tpu.memory_space<vmem>>) semaphore(%arg31 : memref<!tpu.dma_semaphore, #tpu.memory_space<semaphore_mem>>) {add = true}
      %add3A_147 = arith.constant 1 : i32
      %add3A_148 = arith.addi %add3A_130, %add3A_147 : i32
      %dma_wait3A_149 = arith.constant 0 : i32
      %dma_wait3A_150 = tpu.memref_slice %arg7[%add3A_148, %dma_wait3A_149] : memref<80x125xi32, #tpu.memory_space<vmem>> -> memref<1x125xi32, #tpu.memory_space<vmem>>
      %dma_wait3A_151 = tpu.memref_squeeze %dma_wait3A_150 : memref<1x125xi32, #tpu.memory_space<vmem>> -> memref<125xi32, #tpu.memory_space<vmem>>
      %dma_wait3A_152 = arith.constant 0 : i32
      %dma_wait3A_153 = arith.constant 0 : i32
      %dma_wait3A_154 = tpu.memref_slice %arg2[%dma_wait3A_152, %dma_wait3A_153] : memref<10000x16xf32, #tpu.memory_space<hbm>> -> memref<10000x16xf32, #tpu.memory_space<hbm>>
      tpu.wait_indirect_dma semaphore(%arg22 : memref<!tpu.dma_semaphore, #tpu.memory_space<semaphore_mem>>) src(%dma_wait3A_154 : memref<10000x16xf32, #tpu.memory_space<hbm>>) dst(%arg10 : memref<125x16xf32, #tpu.memory_space<vmem>>)
      %add3A_155 = arith.constant 1 : i32
      %add3A_156 = arith.addi %add3A_130, %add3A_155 : i32
      %dma_start3A_157 = arith.constant 0 : i32
      %dma_start3A_158 = tpu.memref_slice %arg8[%add3A_156, %dma_start3A_157] : memref<80x125xi32, #tpu.memory_space<vmem>> -> memref<1x125xi32, #tpu.memory_space<vmem>>
      %dma_start3A_159 = tpu.memref_squeeze %dma_start3A_158 : memref<1x125xi32, #tpu.memory_space<vmem>> -> memref<125xi32, #tpu.memory_space<vmem>>
      %dma_start3A_160 = arith.constant 0 : i32
      %dma_start3A_161 = arith.constant 0 : i32
      %dma_start3A_162 = tpu.memref_slice %arg19[%dma_start3A_160, %dma_start3A_161] : memref<10000x16xf32, #tpu.memory_space<vmem_shared>> -> memref<10000x16xf32, #tpu.memory_space<vmem_shared>>
      tpu.enqueue_indirect_dma source(%arg10 : memref<125x16xf32, #tpu.memory_space<vmem>>) target(%dma_start3A_162 : memref<10000x16xf32, #tpu.memory_space<vmem_shared>>) offsets(%dma_start3A_159 : memref<125xi32, #tpu.memory_space<vmem>>) semaphore(%arg32 : memref<!tpu.dma_semaphore, #tpu.memory_space<semaphore_mem>>) {add = true}
      %add3A_163 = arith.constant 2 : i32
      %add3A_164 = arith.addi %add3A_130, %add3A_163 : i32
      %dma_wait3A_165 = arith.constant 0 : i32
      %dma_wait3A_166 = tpu.memref_slice %arg7[%add3A_164, %dma_wait3A_165] : memref<80x125xi32, #tpu.memory_space<vmem>> -> memref<1x125xi32, #tpu.memory_space<vmem>>
      %dma_wait3A_167 = tpu.memref_squeeze %dma_wait3A_166 : memref<1x125xi32, #tpu.memory_space<vmem>> -> memref<125xi32, #tpu.memory_space<vmem>>
      %dma_wait3A_168 = arith.constant 0 : i32
      %dma_wait3A_169 = arith.constant 0 : i32
      %dma_wait3A_170 = tpu.memref_slice %arg2[%dma_wait3A_168, %dma_wait3A_169] : memref<10000x16xf32, #tpu.memory_space<hbm>> -> memref<10000x16xf32, #tpu.memory_space<hbm>>
      tpu.wait_indirect_dma semaphore(%arg23 : memref<!tpu.dma_semaphore, #tpu.memory_space<semaphore_mem>>) src(%dma_wait3A_170 : memref<10000x16xf32, #tpu.memory_space<hbm>>) dst(%arg11 : memref<125x16xf32, #tpu.memory_space<vmem>>)
      %add3A_171 = arith.constant 2 : i32
      %add3A_172 = arith.addi %add3A_130, %add3A_171 : i32
      %dma_start3A_173 = arith.constant 0 : i32
      %dma_start3A_174 = tpu.memref_slice %arg8[%add3A_172, %dma_start3A_173] : memref<80x125xi32, #tpu.memory_space<vmem>> -> memref<1x125xi32, #tpu.memory_space<vmem>>
      %dma_start3A_175 = tpu.memref_squeeze %dma_start3A_174 : memref<1x125xi32, #tpu.memory_space<vmem>> -> memref<125xi32, #tpu.memory_space<vmem>>
      %dma_start3A_176 = arith.constant 0 : i32
      %dma_start3A_177 = arith.constant 0 : i32
      %dma_start3A_178 = tpu.memref_slice %arg19[%dma_start3A_176, %dma_start3A_177] : memref<10000x16xf32, #tpu.memory_space<vmem_shared>> -> memref<10000x16xf32, #tpu.memory_space<vmem_shared>>
      tpu.enqueue_indirect_dma source(%arg11 : memref<125x16xf32, #tpu.memory_space<vmem>>) target(%dma_start3A_178 : memref<10000x16xf32, #tpu.memory_space<vmem_shared>>) offsets(%dma_start3A_175 : memref<125xi32, #tpu.memory_space<vmem>>) semaphore(%arg33 : memref<!tpu.dma_semaphore, #tpu.memory_space<semaphore_mem>>) {add = true}
      %add3A_179 = arith.constant 3 : i32
      %add3A_180 = arith.addi %add3A_130, %add3A_179 : i32
      %dma_wait3A_181 = arith.constant 0 : i32
      %dma_wait3A_182 = tpu.memref_slice %arg7[%add3A_180, %dma_wait3A_181] : memref<80x125xi32, #tpu.memory_space<vmem>> -> memref<1x125xi32, #tpu.memory_space<vmem>>
      %dma_wait3A_183 = tpu.memref_squeeze %dma_wait3A_182 : memref<1x125xi32, #tpu.memory_space<vmem>> -> memref<125xi32, #tpu.memory_space<vmem>>
      %dma_wait3A_184 = arith.constant 0 : i32
      %dma_wait3A_185 = arith.constant 0 : i32
      %dma_wait3A_186 = tpu.memref_slice %arg2[%dma_wait3A_184, %dma_wait3A_185] : memref<10000x16xf32, #tpu.memory_space<hbm>> -> memref<10000x16xf32, #tpu.memory_space<hbm>>
      tpu.wait_indirect_dma semaphore(%arg24 : memref<!tpu.dma_semaphore, #tpu.memory_space<semaphore_mem>>) src(%dma_wait3A_186 : memref<10000x16xf32, #tpu.memory_space<hbm>>) dst(%arg12 : memref<125x16xf32, #tpu.memory_space<vmem>>)
      %add3A_187 = arith.constant 3 : i32
      %add3A_188 = arith.addi %add3A_130, %add3A_187 : i32
      %dma_start3A_189 = arith.constant 0 : i32
      %dma_start3A_190 = tpu.memref_slice %arg8[%add3A_188, %dma_start3A_189] : memref<80x125xi32, #tpu.memory_space<vmem>> -> memref<1x125xi32, #tpu.memory_space<vmem>>
      %dma_start3A_191 = tpu.memref_squeeze %dma_start3A_190 : memref<1x125xi32, #tpu.memory_space<vmem>> -> memref<125xi32, #tpu.memory_space<vmem>>
      %dma_start3A_192 = arith.constant 0 : i32
      %dma_start3A_193 = arith.constant 0 : i32
      %dma_start3A_194 = tpu.memref_slice %arg19[%dma_start3A_192, %dma_start3A_193] : memref<10000x16xf32, #tpu.memory_space<vmem_shared>> -> memref<10000x16xf32, #tpu.memory_space<vmem_shared>>
      tpu.enqueue_indirect_dma source(%arg12 : memref<125x16xf32, #tpu.memory_space<vmem>>) target(%dma_start3A_194 : memref<10000x16xf32, #tpu.memory_space<vmem_shared>>) offsets(%dma_start3A_191 : memref<125xi32, #tpu.memory_space<vmem>>) semaphore(%arg34 : memref<!tpu.dma_semaphore, #tpu.memory_space<semaphore_mem>>) {add = true}
      %add3A_195 = arith.constant 4 : i32
      %add3A_196 = arith.addi %add3A_130, %add3A_195 : i32
      %dma_wait3A_197 = arith.constant 0 : i32
      %dma_wait3A_198 = tpu.memref_slice %arg7[%add3A_196, %dma_wait3A_197] : memref<80x125xi32, #tpu.memory_space<vmem>> -> memref<1x125xi32, #tpu.memory_space<vmem>>
      %dma_wait3A_199 = tpu.memref_squeeze %dma_wait3A_198 : memref<1x125xi32, #tpu.memory_space<vmem>> -> memref<125xi32, #tpu.memory_space<vmem>>
      %dma_wait3A_200 = arith.constant 0 : i32
      %dma_wait3A_201 = arith.constant 0 : i32
      %dma_wait3A_202 = tpu.memref_slice %arg2[%dma_wait3A_200, %dma_wait3A_201] : memref<10000x16xf32, #tpu.memory_space<hbm>> -> memref<10000x16xf32, #tpu.memory_space<hbm>>
      tpu.wait_indirect_dma semaphore(%arg25 : memref<!tpu.dma_semaphore, #tpu.memory_space<semaphore_mem>>) src(%dma_wait3A_202 : memref<10000x16xf32, #tpu.memory_space<hbm>>) dst(%arg13 : memref<125x16xf32, #tpu.memory_space<vmem>>)
      %add3A_203 = arith.constant 4 : i32
      %add3A_204 = arith.addi %add3A_130, %add3A_203 : i32
      %dma_start3A_205 = arith.constant 0 : i32
      %dma_start3A_206 = tpu.memref_slice %arg8[%add3A_204, %dma_start3A_205] : memref<80x125xi32, #tpu.memory_space<vmem>> -> memref<1x125xi32, #tpu.memory_space<vmem>>
      %dma_start3A_207 = tpu.memref_squeeze %dma_start3A_206 : memref<1x125xi32, #tpu.memory_space<vmem>> -> memref<125xi32, #tpu.memory_space<vmem>>
      %dma_start3A_208 = arith.constant 0 : i32
      %dma_start3A_209 = arith.constant 0 : i32
      %dma_start3A_210 = tpu.memref_slice %arg19[%dma_start3A_208, %dma_start3A_209] : memref<10000x16xf32, #tpu.memory_space<vmem_shared>> -> memref<10000x16xf32, #tpu.memory_space<vmem_shared>>
      tpu.enqueue_indirect_dma source(%arg13 : memref<125x16xf32, #tpu.memory_space<vmem>>) target(%dma_start3A_210 : memref<10000x16xf32, #tpu.memory_space<vmem_shared>>) offsets(%dma_start3A_207 : memref<125xi32, #tpu.memory_space<vmem>>) semaphore(%arg35 : memref<!tpu.dma_semaphore, #tpu.memory_space<semaphore_mem>>) {add = true}
      %add3A_211 = arith.constant 5 : i32
      %add3A_212 = arith.addi %add3A_130, %add3A_211 : i32
      %dma_wait3A_213 = arith.constant 0 : i32
      %dma_wait3A_214 = tpu.memref_slice %arg7[%add3A_212, %dma_wait3A_213] : memref<80x125xi32, #tpu.memory_space<vmem>> -> memref<1x125xi32, #tpu.memory_space<vmem>>
      %dma_wait3A_215 = tpu.memref_squeeze %dma_wait3A_214 : memref<1x125xi32, #tpu.memory_space<vmem>> -> memref<125xi32, #tpu.memory_space<vmem>>
      %dma_wait3A_216 = arith.constant 0 : i32
      %dma_wait3A_217 = arith.constant 0 : i32
      %dma_wait3A_218 = tpu.memref_slice %arg2[%dma_wait3A_216, %dma_wait3A_217] : memref<10000x16xf32, #tpu.memory_space<hbm>> -> memref<10000x16xf32, #tpu.memory_space<hbm>>
      tpu.wait_indirect_dma semaphore(%arg26 : memref<!tpu.dma_semaphore, #tpu.memory_space<semaphore_mem>>) src(%dma_wait3A_218 : memref<10000x16xf32, #tpu.memory_space<hbm>>) dst(%arg14 : memref<125x16xf32, #tpu.memory_space<vmem>>)
      %add3A_219 = arith.constant 5 : i32
      %add3A_220 = arith.addi %add3A_130, %add3A_219 : i32
      %dma_start3A_221 = arith.constant 0 : i32
      %dma_start3A_222 = tpu.memref_slice %arg8[%add3A_220, %dma_start3A_221] : memref<80x125xi32, #tpu.memory_space<vmem>> -> memref<1x125xi32, #tpu.memory_space<vmem>>
      %dma_start3A_223 = tpu.memref_squeeze %dma_start3A_222 : memref<1x125xi32, #tpu.memory_space<vmem>> -> memref<125xi32, #tpu.memory_space<vmem>>
      %dma_start3A_224 = arith.constant 0 : i32
      %dma_start3A_225 = arith.constant 0 : i32
      %dma_start3A_226 = tpu.memref_slice %arg19[%dma_start3A_224, %dma_start3A_225] : memref<10000x16xf32, #tpu.memory_space<vmem_shared>> -> memref<10000x16xf32, #tpu.memory_space<vmem_shared>>
      tpu.enqueue_indirect_dma source(%arg14 : memref<125x16xf32, #tpu.memory_space<vmem>>) target(%dma_start3A_226 : memref<10000x16xf32, #tpu.memory_space<vmem_shared>>) offsets(%dma_start3A_223 : memref<125xi32, #tpu.memory_space<vmem>>) semaphore(%arg36 : memref<!tpu.dma_semaphore, #tpu.memory_space<semaphore_mem>>) {add = true}
      %add3A_227 = arith.constant 6 : i32
      %add3A_228 = arith.addi %add3A_130, %add3A_227 : i32
      %dma_wait3A_229 = arith.constant 0 : i32
      %dma_wait3A_230 = tpu.memref_slice %arg7[%add3A_228, %dma_wait3A_229] : memref<80x125xi32, #tpu.memory_space<vmem>> -> memref<1x125xi32, #tpu.memory_space<vmem>>
      %dma_wait3A_231 = tpu.memref_squeeze %dma_wait3A_230 : memref<1x125xi32, #tpu.memory_space<vmem>> -> memref<125xi32, #tpu.memory_space<vmem>>
      %dma_wait3A_232 = arith.constant 0 : i32
      %dma_wait3A_233 = arith.constant 0 : i32
      %dma_wait3A_234 = tpu.memref_slice %arg2[%dma_wait3A_232, %dma_wait3A_233] : memref<10000x16xf32, #tpu.memory_space<hbm>> -> memref<10000x16xf32, #tpu.memory_space<hbm>>
      tpu.wait_indirect_dma semaphore(%arg27 : memref<!tpu.dma_semaphore, #tpu.memory_space<semaphore_mem>>) src(%dma_wait3A_234 : memref<10000x16xf32, #tpu.memory_space<hbm>>) dst(%arg15 : memref<125x16xf32, #tpu.memory_space<vmem>>)
      %add3A_235 = arith.constant 6 : i32
      %add3A_236 = arith.addi %add3A_130, %add3A_235 : i32
      %dma_start3A_237 = arith.constant 0 : i32
      %dma_start3A_238 = tpu.memref_slice %arg8[%add3A_236, %dma_start3A_237] : memref<80x125xi32, #tpu.memory_space<vmem>> -> memref<1x125xi32, #tpu.memory_space<vmem>>
      %dma_start3A_239 = tpu.memref_squeeze %dma_start3A_238 : memref<1x125xi32, #tpu.memory_space<vmem>> -> memref<125xi32, #tpu.memory_space<vmem>>
      %dma_start3A_240 = arith.constant 0 : i32
      %dma_start3A_241 = arith.constant 0 : i32
      %dma_start3A_242 = tpu.memref_slice %arg19[%dma_start3A_240, %dma_start3A_241] : memref<10000x16xf32, #tpu.memory_space<vmem_shared>> -> memref<10000x16xf32, #tpu.memory_space<vmem_shared>>
      tpu.enqueue_indirect_dma source(%arg15 : memref<125x16xf32, #tpu.memory_space<vmem>>) target(%dma_start3A_242 : memref<10000x16xf32, #tpu.memory_space<vmem_shared>>) offsets(%dma_start3A_239 : memref<125xi32, #tpu.memory_space<vmem>>) semaphore(%arg37 : memref<!tpu.dma_semaphore, #tpu.memory_space<semaphore_mem>>) {add = true}
      %add3A_243 = arith.constant 7 : i32
      %add3A_244 = arith.addi %add3A_130, %add3A_243 : i32
      %dma_wait3A_245 = arith.constant 0 : i32
      %dma_wait3A_246 = tpu.memref_slice %arg7[%add3A_244, %dma_wait3A_245] : memref<80x125xi32, #tpu.memory_space<vmem>> -> memref<1x125xi32, #tpu.memory_space<vmem>>
      %dma_wait3A_247 = tpu.memref_squeeze %dma_wait3A_246 : memref<1x125xi32, #tpu.memory_space<vmem>> -> memref<125xi32, #tpu.memory_space<vmem>>
      %dma_wait3A_248 = arith.constant 0 : i32
      %dma_wait3A_249 = arith.constant 0 : i32
      %dma_wait3A_250 = tpu.memref_slice %arg2[%dma_wait3A_248, %dma_wait3A_249] : memref<10000x16xf32, #tpu.memory_space<hbm>> -> memref<10000x16xf32, #tpu.memory_space<hbm>>
      tpu.wait_indirect_dma semaphore(%arg28 : memref<!tpu.dma_semaphore, #tpu.memory_space<semaphore_mem>>) src(%dma_wait3A_250 : memref<10000x16xf32, #tpu.memory_space<hbm>>) dst(%arg16 : memref<125x16xf32, #tpu.memory_space<vmem>>)
      %add3A_251 = arith.constant 7 : i32
      %add3A_252 = arith.addi %add3A_130, %add3A_251 : i32
      %dma_start3A_253 = arith.constant 0 : i32
      %dma_start3A_254 = tpu.memref_slice %arg8[%add3A_252, %dma_start3A_253] : memref<80x125xi32, #tpu.memory_space<vmem>> -> memref<1x125xi32, #tpu.memory_space<vmem>>
      %dma_start3A_255 = tpu.memref_squeeze %dma_start3A_254 : memref<1x125xi32, #tpu.memory_space<vmem>> -> memref<125xi32, #tpu.memory_space<vmem>>
      %dma_start3A_256 = arith.constant 0 : i32
      %dma_start3A_257 = arith.constant 0 : i32
      %dma_start3A_258 = tpu.memref_slice %arg19[%dma_start3A_256, %dma_start3A_257] : memref<10000x16xf32, #tpu.memory_space<vmem_shared>> -> memref<10000x16xf32, #tpu.memory_space<vmem_shared>>
      tpu.enqueue_indirect_dma source(%arg16 : memref<125x16xf32, #tpu.memory_space<vmem>>) target(%dma_start3A_258 : memref<10000x16xf32, #tpu.memory_space<vmem_shared>>) offsets(%dma_start3A_255 : memref<125xi32, #tpu.memory_space<vmem>>) semaphore(%arg38 : memref<!tpu.dma_semaphore, #tpu.memory_space<semaphore_mem>>) {add = true}
      %add3A_259 = arith.constant 8 : i32
      %add3A_260 = arith.addi %add3A_130, %add3A_259 : i32
      %dma_wait3A_261 = arith.constant 0 : i32
      %dma_wait3A_262 = tpu.memref_slice %arg7[%add3A_260, %dma_wait3A_261] : memref<80x125xi32, #tpu.memory_space<vmem>> -> memref<1x125xi32, #tpu.memory_space<vmem>>
      %dma_wait3A_263 = tpu.memref_squeeze %dma_wait3A_262 : memref<1x125xi32, #tpu.memory_space<vmem>> -> memref<125xi32, #tpu.memory_space<vmem>>
      %dma_wait3A_264 = arith.constant 0 : i32
      %dma_wait3A_265 = arith.constant 0 : i32
      %dma_wait3A_266 = tpu.memref_slice %arg2[%dma_wait3A_264, %dma_wait3A_265] : memref<10000x16xf32, #tpu.memory_space<hbm>> -> memref<10000x16xf32, #tpu.memory_space<hbm>>
      tpu.wait_indirect_dma semaphore(%arg29 : memref<!tpu.dma_semaphore, #tpu.memory_space<semaphore_mem>>) src(%dma_wait3A_266 : memref<10000x16xf32, #tpu.memory_space<hbm>>) dst(%arg17 : memref<125x16xf32, #tpu.memory_space<vmem>>)
      %add3A_267 = arith.constant 8 : i32
      %add3A_268 = arith.addi %add3A_130, %add3A_267 : i32
      %dma_start3A_269 = arith.constant 0 : i32
      %dma_start3A_270 = tpu.memref_slice %arg8[%add3A_268, %dma_start3A_269] : memref<80x125xi32, #tpu.memory_space<vmem>> -> memref<1x125xi32, #tpu.memory_space<vmem>>
      %dma_start3A_271 = tpu.memref_squeeze %dma_start3A_270 : memref<1x125xi32, #tpu.memory_space<vmem>> -> memref<125xi32, #tpu.memory_space<vmem>>
      %dma_start3A_272 = arith.constant 0 : i32
      %dma_start3A_273 = arith.constant 0 : i32
      %dma_start3A_274 = tpu.memref_slice %arg19[%dma_start3A_272, %dma_start3A_273] : memref<10000x16xf32, #tpu.memory_space<vmem_shared>> -> memref<10000x16xf32, #tpu.memory_space<vmem_shared>>
      tpu.enqueue_indirect_dma source(%arg17 : memref<125x16xf32, #tpu.memory_space<vmem>>) target(%dma_start3A_274 : memref<10000x16xf32, #tpu.memory_space<vmem_shared>>) offsets(%dma_start3A_271 : memref<125xi32, #tpu.memory_space<vmem>>) semaphore(%arg39 : memref<!tpu.dma_semaphore, #tpu.memory_space<semaphore_mem>>) {add = true}
      %add3A_275 = arith.constant 9 : i32
      %add3A_276 = arith.addi %add3A_130, %add3A_275 : i32
      %dma_wait3A_277 = arith.constant 0 : i32
      %dma_wait3A_278 = tpu.memref_slice %arg7[%add3A_276, %dma_wait3A_277] : memref<80x125xi32, #tpu.memory_space<vmem>> -> memref<1x125xi32, #tpu.memory_space<vmem>>
      %dma_wait3A_279 = tpu.memref_squeeze %dma_wait3A_278 : memref<1x125xi32, #tpu.memory_space<vmem>> -> memref<125xi32, #tpu.memory_space<vmem>>
      %dma_wait3A_280 = arith.constant 0 : i32
      %dma_wait3A_281 = arith.constant 0 : i32
      %dma_wait3A_282 = tpu.memref_slice %arg2[%dma_wait3A_280, %dma_wait3A_281] : memref<10000x16xf32, #tpu.memory_space<hbm>> -> memref<10000x16xf32, #tpu.memory_space<hbm>>
      tpu.wait_indirect_dma semaphore(%arg30 : memref<!tpu.dma_semaphore, #tpu.memory_space<semaphore_mem>>) src(%dma_wait3A_282 : memref<10000x16xf32, #tpu.memory_space<hbm>>) dst(%arg18 : memref<125x16xf32, #tpu.memory_space<vmem>>)
      %add3A_283 = arith.constant 9 : i32
      %add3A_284 = arith.addi %add3A_130, %add3A_283 : i32
      %dma_start3A_285 = arith.constant 0 : i32
      %dma_start3A_286 = tpu.memref_slice %arg8[%add3A_284, %dma_start3A_285] : memref<80x125xi32, #tpu.memory_space<vmem>> -> memref<1x125xi32, #tpu.memory_space<vmem>>
      %dma_start3A_287 = tpu.memref_squeeze %dma_start3A_286 : memref<1x125xi32, #tpu.memory_space<vmem>> -> memref<125xi32, #tpu.memory_space<vmem>>
      %dma_start3A_288 = arith.constant 0 : i32
      %dma_start3A_289 = arith.constant 0 : i32
      %dma_start3A_290 = tpu.memref_slice %arg19[%dma_start3A_288, %dma_start3A_289] : memref<10000x16xf32, #tpu.memory_space<vmem_shared>> -> memref<10000x16xf32, #tpu.memory_space<vmem_shared>>
      tpu.enqueue_indirect_dma source(%arg18 : memref<125x16xf32, #tpu.memory_space<vmem>>) target(%dma_start3A_290 : memref<10000x16xf32, #tpu.memory_space<vmem_shared>>) offsets(%dma_start3A_287 : memref<125xi32, #tpu.memory_space<vmem>>) semaphore(%arg40 : memref<!tpu.dma_semaphore, #tpu.memory_space<semaphore_mem>>) {add = true}
      %add3A_291 = arith.constant 0 : i32
      %add3A_292 = arith.addi %add3A_130, %add3A_291 : i32
      %dma_wait3A_293 = arith.constant 0 : i32
      %dma_wait3A_294 = tpu.memref_slice %arg8[%add3A_292, %dma_wait3A_293] : memref<80x125xi32, #tpu.memory_space<vmem>> -> memref<1x125xi32, #tpu.memory_space<vmem>>
      %dma_wait3A_295 = tpu.memref_squeeze %dma_wait3A_294 : memref<1x125xi32, #tpu.memory_space<vmem>> -> memref<125xi32, #tpu.memory_space<vmem>>
      %dma_wait3A_296 = arith.constant 0 : i32
      %dma_wait3A_297 = arith.constant 0 : i32
      %dma_wait3A_298 = tpu.memref_slice %arg19[%dma_wait3A_296, %dma_wait3A_297] : memref<10000x16xf32, #tpu.memory_space<vmem_shared>> -> memref<10000x16xf32, #tpu.memory_space<vmem_shared>>
      tpu.wait_indirect_dma semaphore(%arg31 : memref<!tpu.dma_semaphore, #tpu.memory_space<semaphore_mem>>) src(%arg9 : memref<125x16xf32, #tpu.memory_space<vmem>>) dst(%dma_wait3A_298 : memref<10000x16xf32, #tpu.memory_space<vmem_shared>>)
      %add3A_299 = arith.constant 0 : i32
      %add3A_300 = arith.addi %add3A_130, %add3A_299 : i32
      %add3A_301 = arith.constant 10 : i32
      %add3A_302 = arith.addi %add3A_300, %add3A_301 : i32
      %lt3A = arith.constant 80 : i32
      %lt3A_303 = arith.cmpi slt, %add3A_302, %lt3A : i32
      %convert_element_type3A_304 = arith.extui %lt3A_303 : i1 to i32
      %cond3A_305 = arith.constant 0 : i32
      %cond3A_306 = arith.cmpi ne, %convert_element_type3A_304, %cond3A_305 : i32
      scf.if %cond3A_306 {
        %dma_start3A_460 = arith.constant 0 : i32
        %dma_start3A_461 = tpu.memref_slice %arg7[%add3A_302, %dma_start3A_460] : memref<80x125xi32, #tpu.memory_space<vmem>> -> memref<1x125xi32, #tpu.memory_space<vmem>>
        %dma_start3A_462 = tpu.memref_squeeze %dma_start3A_461 : memref<1x125xi32, #tpu.memory_space<vmem>> -> memref<125xi32, #tpu.memory_space<vmem>>
        %dma_start3A_463 = arith.constant 0 : i32
        %dma_start3A_464 = arith.constant 0 : i32
        %dma_start3A_465 = tpu.memref_slice %arg2[%dma_start3A_463, %dma_start3A_464] : memref<10000x16xf32, #tpu.memory_space<hbm>> -> memref<10000x16xf32, #tpu.memory_space<hbm>>
        tpu.enqueue_indirect_dma source(%dma_start3A_465 : memref<10000x16xf32, #tpu.memory_space<hbm>>) target(%arg9 : memref<125x16xf32, #tpu.memory_space<vmem>>) offsets(%dma_start3A_462 : memref<125xi32, #tpu.memory_space<vmem>>) semaphore(%arg21 : memref<!tpu.dma_semaphore, #tpu.memory_space<semaphore_mem>>)
      } else {
      }
      %add3A_307 = arith.constant 1 : i32
      %add3A_308 = arith.addi %add3A_130, %add3A_307 : i32
      %dma_wait3A_309 = arith.constant 0 : i32
      %dma_wait3A_310 = tpu.memref_slice %arg8[%add3A_308, %dma_wait3A_309] : memref<80x125xi32, #tpu.memory_space<vmem>> -> memref<1x125xi32, #tpu.memory_space<vmem>>
      %dma_wait3A_311 = tpu.memref_squeeze %dma_wait3A_310 : memref<1x125xi32, #tpu.memory_space<vmem>> -> memref<125xi32, #tpu.memory_space<vmem>>
      %dma_wait3A_312 = arith.constant 0 : i32
      %dma_wait3A_313 = arith.constant 0 : i32
      %dma_wait3A_314 = tpu.memref_slice %arg19[%dma_wait3A_312, %dma_wait3A_313] : memref<10000x16xf32, #tpu.memory_space<vmem_shared>> -> memref<10000x16xf32, #tpu.memory_space<vmem_shared>>
      tpu.wait_indirect_dma semaphore(%arg32 : memref<!tpu.dma_semaphore, #tpu.memory_space<semaphore_mem>>) src(%arg10 : memref<125x16xf32, #tpu.memory_space<vmem>>) dst(%dma_wait3A_314 : memref<10000x16xf32, #tpu.memory_space<vmem_shared>>)
      %add3A_315 = arith.constant 1 : i32
      %add3A_316 = arith.addi %add3A_130, %add3A_315 : i32
      %add3A_317 = arith.constant 10 : i32
      %add3A_318 = arith.addi %add3A_316, %add3A_317 : i32
      %lt3A_319 = arith.constant 80 : i32
      %lt3A_320 = arith.cmpi slt, %add3A_318, %lt3A_319 : i32
      %convert_element_type3A_321 = arith.extui %lt3A_320 : i1 to i32
      %cond3A_322 = arith.constant 0 : i32
      %cond3A_323 = arith.cmpi ne, %convert_element_type3A_321, %cond3A_322 : i32
      scf.if %cond3A_323 {
        %dma_start3A_460 = arith.constant 0 : i32
        %dma_start3A_461 = tpu.memref_slice %arg7[%add3A_318, %dma_start3A_460] : memref<80x125xi32, #tpu.memory_space<vmem>> -> memref<1x125xi32, #tpu.memory_space<vmem>>
        %dma_start3A_462 = tpu.memref_squeeze %dma_start3A_461 : memref<1x125xi32, #tpu.memory_space<vmem>> -> memref<125xi32, #tpu.memory_space<vmem>>
        %dma_start3A_463 = arith.constant 0 : i32
        %dma_start3A_464 = arith.constant 0 : i32
        %dma_start3A_465 = tpu.memref_slice %arg2[%dma_start3A_463, %dma_start3A_464] : memref<10000x16xf32, #tpu.memory_space<hbm>> -> memref<10000x16xf32, #tpu.memory_space<hbm>>
        tpu.enqueue_indirect_dma source(%dma_start3A_465 : memref<10000x16xf32, #tpu.memory_space<hbm>>) target(%arg10 : memref<125x16xf32, #tpu.memory_space<vmem>>) offsets(%dma_start3A_462 : memref<125xi32, #tpu.memory_space<vmem>>) semaphore(%arg22 : memref<!tpu.dma_semaphore, #tpu.memory_space<semaphore_mem>>)
      } else {
      }
      %add3A_324 = arith.constant 2 : i32
      %add3A_325 = arith.addi %add3A_130, %add3A_324 : i32
      %dma_wait3A_326 = arith.constant 0 : i32
      %dma_wait3A_327 = tpu.memref_slice %arg8[%add3A_325, %dma_wait3A_326] : memref<80x125xi32, #tpu.memory_space<vmem>> -> memref<1x125xi32, #tpu.memory_space<vmem>>
      %dma_wait3A_328 = tpu.memref_squeeze %dma_wait3A_327 : memref<1x125xi32, #tpu.memory_space<vmem>> -> memref<125xi32, #tpu.memory_space<vmem>>
      %dma_wait3A_329 = arith.constant 0 : i32
      %dma_wait3A_330 = arith.constant 0 : i32
      %dma_wait3A_331 = tpu.memref_slice %arg19[%dma_wait3A_329, %dma_wait3A_330] : memref<10000x16xf32, #tpu.memory_space<vmem_shared>> -> memref<10000x16xf32, #tpu.memory_space<vmem_shared>>
      tpu.wait_indirect_dma semaphore(%arg33 : memref<!tpu.dma_semaphore, #tpu.memory_space<semaphore_mem>>) src(%arg11 : memref<125x16xf32, #tpu.memory_space<vmem>>) dst(%dma_wait3A_331 : memref<10000x16xf32, #tpu.memory_space<vmem_shared>>)
      %add3A_332 = arith.constant 2 : i32
      %add3A_333 = arith.addi %add3A_130, %add3A_332 : i32
      %add3A_334 = arith.constant 10 : i32
      %add3A_335 = arith.addi %add3A_333, %add3A_334 : i32
      %lt3A_336 = arith.constant 80 : i32
      %lt3A_337 = arith.cmpi slt, %add3A_335, %lt3A_336 : i32
      %convert_element_type3A_338 = arith.extui %lt3A_337 : i1 to i32
      %cond3A_339 = arith.constant 0 : i32
      %cond3A_340 = arith.cmpi ne, %convert_element_type3A_338, %cond3A_339 : i32
      scf.if %cond3A_340 {
        %dma_start3A_460 = arith.constant 0 : i32
        %dma_start3A_461 = tpu.memref_slice %arg7[%add3A_335, %dma_start3A_460] : memref<80x125xi32, #tpu.memory_space<vmem>> -> memref<1x125xi32, #tpu.memory_space<vmem>>
        %dma_start3A_462 = tpu.memref_squeeze %dma_start3A_461 : memref<1x125xi32, #tpu.memory_space<vmem>> -> memref<125xi32, #tpu.memory_space<vmem>>
        %dma_start3A_463 = arith.constant 0 : i32
        %dma_start3A_464 = arith.constant 0 : i32
        %dma_start3A_465 = tpu.memref_slice %arg2[%dma_start3A_463, %dma_start3A_464] : memref<10000x16xf32, #tpu.memory_space<hbm>> -> memref<10000x16xf32, #tpu.memory_space<hbm>>
        tpu.enqueue_indirect_dma source(%dma_start3A_465 : memref<10000x16xf32, #tpu.memory_space<hbm>>) target(%arg11 : memref<125x16xf32, #tpu.memory_space<vmem>>) offsets(%dma_start3A_462 : memref<125xi32, #tpu.memory_space<vmem>>) semaphore(%arg23 : memref<!tpu.dma_semaphore, #tpu.memory_space<semaphore_mem>>)
      } else {
      }
      %add3A_341 = arith.constant 3 : i32
      %add3A_342 = arith.addi %add3A_130, %add3A_341 : i32
      %dma_wait3A_343 = arith.constant 0 : i32
      %dma_wait3A_344 = tpu.memref_slice %arg8[%add3A_342, %dma_wait3A_343] : memref<80x125xi32, #tpu.memory_space<vmem>> -> memref<1x125xi32, #tpu.memory_space<vmem>>
      %dma_wait3A_345 = tpu.memref_squeeze %dma_wait3A_344 : memref<1x125xi32, #tpu.memory_space<vmem>> -> memref<125xi32, #tpu.memory_space<vmem>>
      %dma_wait3A_346 = arith.constant 0 : i32
      %dma_wait3A_347 = arith.constant 0 : i32
      %dma_wait3A_348 = tpu.memref_slice %arg19[%dma_wait3A_346, %dma_wait3A_347] : memref<10000x16xf32, #tpu.memory_space<vmem_shared>> -> memref<10000x16xf32, #tpu.memory_space<vmem_shared>>
      tpu.wait_indirect_dma semaphore(%arg34 : memref<!tpu.dma_semaphore, #tpu.memory_space<semaphore_mem>>) src(%arg12 : memref<125x16xf32, #tpu.memory_space<vmem>>) dst(%dma_wait3A_348 : memref<10000x16xf32, #tpu.memory_space<vmem_shared>>)
      %add3A_349 = arith.constant 3 : i32
      %add3A_350 = arith.addi %add3A_130, %add3A_349 : i32
      %add3A_351 = arith.constant 10 : i32
      %add3A_352 = arith.addi %add3A_350, %add3A_351 : i32
      %lt3A_353 = arith.constant 80 : i32
      %lt3A_354 = arith.cmpi slt, %add3A_352, %lt3A_353 : i32
      %convert_element_type3A_355 = arith.extui %lt3A_354 : i1 to i32
      %cond3A_356 = arith.constant 0 : i32
      %cond3A_357 = arith.cmpi ne, %convert_element_type3A_355, %cond3A_356 : i32
      scf.if %cond3A_357 {
        %dma_start3A_460 = arith.constant 0 : i32
        %dma_start3A_461 = tpu.memref_slice %arg7[%add3A_352, %dma_start3A_460] : memref<80x125xi32, #tpu.memory_space<vmem>> -> memref<1x125xi32, #tpu.memory_space<vmem>>
        %dma_start3A_462 = tpu.memref_squeeze %dma_start3A_461 : memref<1x125xi32, #tpu.memory_space<vmem>> -> memref<125xi32, #tpu.memory_space<vmem>>
        %dma_start3A_463 = arith.constant 0 : i32
        %dma_start3A_464 = arith.constant 0 : i32
        %dma_start3A_465 = tpu.memref_slice %arg2[%dma_start3A_463, %dma_start3A_464] : memref<10000x16xf32, #tpu.memory_space<hbm>> -> memref<10000x16xf32, #tpu.memory_space<hbm>>
        tpu.enqueue_indirect_dma source(%dma_start3A_465 : memref<10000x16xf32, #tpu.memory_space<hbm>>) target(%arg12 : memref<125x16xf32, #tpu.memory_space<vmem>>) offsets(%dma_start3A_462 : memref<125xi32, #tpu.memory_space<vmem>>) semaphore(%arg24 : memref<!tpu.dma_semaphore, #tpu.memory_space<semaphore_mem>>)
      } else {
      }
      %add3A_358 = arith.constant 4 : i32
      %add3A_359 = arith.addi %add3A_130, %add3A_358 : i32
      %dma_wait3A_360 = arith.constant 0 : i32
      %dma_wait3A_361 = tpu.memref_slice %arg8[%add3A_359, %dma_wait3A_360] : memref<80x125xi32, #tpu.memory_space<vmem>> -> memref<1x125xi32, #tpu.memory_space<vmem>>
      %dma_wait3A_362 = tpu.memref_squeeze %dma_wait3A_361 : memref<1x125xi32, #tpu.memory_space<vmem>> -> memref<125xi32, #tpu.memory_space<vmem>>
      %dma_wait3A_363 = arith.constant 0 : i32
      %dma_wait3A_364 = arith.constant 0 : i32
      %dma_wait3A_365 = tpu.memref_slice %arg19[%dma_wait3A_363, %dma_wait3A_364] : memref<10000x16xf32, #tpu.memory_space<vmem_shared>> -> memref<10000x16xf32, #tpu.memory_space<vmem_shared>>
      tpu.wait_indirect_dma semaphore(%arg35 : memref<!tpu.dma_semaphore, #tpu.memory_space<semaphore_mem>>) src(%arg13 : memref<125x16xf32, #tpu.memory_space<vmem>>) dst(%dma_wait3A_365 : memref<10000x16xf32, #tpu.memory_space<vmem_shared>>)
      %add3A_366 = arith.constant 4 : i32
      %add3A_367 = arith.addi %add3A_130, %add3A_366 : i32
      %add3A_368 = arith.constant 10 : i32
      %add3A_369 = arith.addi %add3A_367, %add3A_368 : i32
      %lt3A_370 = arith.constant 80 : i32
      %lt3A_371 = arith.cmpi slt, %add3A_369, %lt3A_370 : i32
      %convert_element_type3A_372 = arith.extui %lt3A_371 : i1 to i32
      %cond3A_373 = arith.constant 0 : i32
      %cond3A_374 = arith.cmpi ne, %convert_element_type3A_372, %cond3A_373 : i32
      scf.if %cond3A_374 {
        %dma_start3A_460 = arith.constant 0 : i32
        %dma_start3A_461 = tpu.memref_slice %arg7[%add3A_369, %dma_start3A_460] : memref<80x125xi32, #tpu.memory_space<vmem>> -> memref<1x125xi32, #tpu.memory_space<vmem>>
        %dma_start3A_462 = tpu.memref_squeeze %dma_start3A_461 : memref<1x125xi32, #tpu.memory_space<vmem>> -> memref<125xi32, #tpu.memory_space<vmem>>
        %dma_start3A_463 = arith.constant 0 : i32
        %dma_start3A_464 = arith.constant 0 : i32
        %dma_start3A_465 = tpu.memref_slice %arg2[%dma_start3A_463, %dma_start3A_464] : memref<10000x16xf32, #tpu.memory_space<hbm>> -> memref<10000x16xf32, #tpu.memory_space<hbm>>
        tpu.enqueue_indirect_dma source(%dma_start3A_465 : memref<10000x16xf32, #tpu.memory_space<hbm>>) target(%arg13 : memref<125x16xf32, #tpu.memory_space<vmem>>) offsets(%dma_start3A_462 : memref<125xi32, #tpu.memory_space<vmem>>) semaphore(%arg25 : memref<!tpu.dma_semaphore, #tpu.memory_space<semaphore_mem>>)
      } else {
      }
      %add3A_375 = arith.constant 5 : i32
      %add3A_376 = arith.addi %add3A_130, %add3A_375 : i32
      %dma_wait3A_377 = arith.constant 0 : i32
      %dma_wait3A_378 = tpu.memref_slice %arg8[%add3A_376, %dma_wait3A_377] : memref<80x125xi32, #tpu.memory_space<vmem>> -> memref<1x125xi32, #tpu.memory_space<vmem>>
      %dma_wait3A_379 = tpu.memref_squeeze %dma_wait3A_378 : memref<1x125xi32, #tpu.memory_space<vmem>> -> memref<125xi32, #tpu.memory_space<vmem>>
      %dma_wait3A_380 = arith.constant 0 : i32
      %dma_wait3A_381 = arith.constant 0 : i32
      %dma_wait3A_382 = tpu.memref_slice %arg19[%dma_wait3A_380, %dma_wait3A_381] : memref<10000x16xf32, #tpu.memory_space<vmem_shared>> -> memref<10000x16xf32, #tpu.memory_space<vmem_shared>>
      tpu.wait_indirect_dma semaphore(%arg36 : memref<!tpu.dma_semaphore, #tpu.memory_space<semaphore_mem>>) src(%arg14 : memref<125x16xf32, #tpu.memory_space<vmem>>) dst(%dma_wait3A_382 : memref<10000x16xf32, #tpu.memory_space<vmem_shared>>)
      %add3A_383 = arith.constant 5 : i32
      %add3A_384 = arith.addi %add3A_130, %add3A_383 : i32
      %add3A_385 = arith.constant 10 : i32
      %add3A_386 = arith.addi %add3A_384, %add3A_385 : i32
      %lt3A_387 = arith.constant 80 : i32
      %lt3A_388 = arith.cmpi slt, %add3A_386, %lt3A_387 : i32
      %convert_element_type3A_389 = arith.extui %lt3A_388 : i1 to i32
      %cond3A_390 = arith.constant 0 : i32
      %cond3A_391 = arith.cmpi ne, %convert_element_type3A_389, %cond3A_390 : i32
      scf.if %cond3A_391 {
        %dma_start3A_460 = arith.constant 0 : i32
        %dma_start3A_461 = tpu.memref_slice %arg7[%add3A_386, %dma_start3A_460] : memref<80x125xi32, #tpu.memory_space<vmem>> -> memref<1x125xi32, #tpu.memory_space<vmem>>
        %dma_start3A_462 = tpu.memref_squeeze %dma_start3A_461 : memref<1x125xi32, #tpu.memory_space<vmem>> -> memref<125xi32, #tpu.memory_space<vmem>>
        %dma_start3A_463 = arith.constant 0 : i32
        %dma_start3A_464 = arith.constant 0 : i32
        %dma_start3A_465 = tpu.memref_slice %arg2[%dma_start3A_463, %dma_start3A_464] : memref<10000x16xf32, #tpu.memory_space<hbm>> -> memref<10000x16xf32, #tpu.memory_space<hbm>>
        tpu.enqueue_indirect_dma source(%dma_start3A_465 : memref<10000x16xf32, #tpu.memory_space<hbm>>) target(%arg14 : memref<125x16xf32, #tpu.memory_space<vmem>>) offsets(%dma_start3A_462 : memref<125xi32, #tpu.memory_space<vmem>>) semaphore(%arg26 : memref<!tpu.dma_semaphore, #tpu.memory_space<semaphore_mem>>)
      } else {
      }
      %add3A_392 = arith.constant 6 : i32
      %add3A_393 = arith.addi %add3A_130, %add3A_392 : i32
      %dma_wait3A_394 = arith.constant 0 : i32
      %dma_wait3A_395 = tpu.memref_slice %arg8[%add3A_393, %dma_wait3A_394] : memref<80x125xi32, #tpu.memory_space<vmem>> -> memref<1x125xi32, #tpu.memory_space<vmem>>
      %dma_wait3A_396 = tpu.memref_squeeze %dma_wait3A_395 : memref<1x125xi32, #tpu.memory_space<vmem>> -> memref<125xi32, #tpu.memory_space<vmem>>
      %dma_wait3A_397 = arith.constant 0 : i32
      %dma_wait3A_398 = arith.constant 0 : i32
      %dma_wait3A_399 = tpu.memref_slice %arg19[%dma_wait3A_397, %dma_wait3A_398] : memref<10000x16xf32, #tpu.memory_space<vmem_shared>> -> memref<10000x16xf32, #tpu.memory_space<vmem_shared>>
      tpu.wait_indirect_dma semaphore(%arg37 : memref<!tpu.dma_semaphore, #tpu.memory_space<semaphore_mem>>) src(%arg15 : memref<125x16xf32, #tpu.memory_space<vmem>>) dst(%dma_wait3A_399 : memref<10000x16xf32, #tpu.memory_space<vmem_shared>>)
      %add3A_400 = arith.constant 6 : i32
      %add3A_401 = arith.addi %add3A_130, %add3A_400 : i32
      %add3A_402 = arith.constant 10 : i32
      %add3A_403 = arith.addi %add3A_401, %add3A_402 : i32
      %lt3A_404 = arith.constant 80 : i32
      %lt3A_405 = arith.cmpi slt, %add3A_403, %lt3A_404 : i32
      %convert_element_type3A_406 = arith.extui %lt3A_405 : i1 to i32
      %cond3A_407 = arith.constant 0 : i32
      %cond3A_408 = arith.cmpi ne, %convert_element_type3A_406, %cond3A_407 : i32
      scf.if %cond3A_408 {
        %dma_start3A_460 = arith.constant 0 : i32
        %dma_start3A_461 = tpu.memref_slice %arg7[%add3A_403, %dma_start3A_460] : memref<80x125xi32, #tpu.memory_space<vmem>> -> memref<1x125xi32, #tpu.memory_space<vmem>>
        %dma_start3A_462 = tpu.memref_squeeze %dma_start3A_461 : memref<1x125xi32, #tpu.memory_space<vmem>> -> memref<125xi32, #tpu.memory_space<vmem>>
        %dma_start3A_463 = arith.constant 0 : i32
        %dma_start3A_464 = arith.constant 0 : i32
        %dma_start3A_465 = tpu.memref_slice %arg2[%dma_start3A_463, %dma_start3A_464] : memref<10000x16xf32, #tpu.memory_space<hbm>> -> memref<10000x16xf32, #tpu.memory_space<hbm>>
        tpu.enqueue_indirect_dma source(%dma_start3A_465 : memref<10000x16xf32, #tpu.memory_space<hbm>>) target(%arg15 : memref<125x16xf32, #tpu.memory_space<vmem>>) offsets(%dma_start3A_462 : memref<125xi32, #tpu.memory_space<vmem>>) semaphore(%arg27 : memref<!tpu.dma_semaphore, #tpu.memory_space<semaphore_mem>>)
      } else {
      }
      %add3A_409 = arith.constant 7 : i32
      %add3A_410 = arith.addi %add3A_130, %add3A_409 : i32
      %dma_wait3A_411 = arith.constant 0 : i32
      %dma_wait3A_412 = tpu.memref_slice %arg8[%add3A_410, %dma_wait3A_411] : memref<80x125xi32, #tpu.memory_space<vmem>> -> memref<1x125xi32, #tpu.memory_space<vmem>>
      %dma_wait3A_413 = tpu.memref_squeeze %dma_wait3A_412 : memref<1x125xi32, #tpu.memory_space<vmem>> -> memref<125xi32, #tpu.memory_space<vmem>>
      %dma_wait3A_414 = arith.constant 0 : i32
      %dma_wait3A_415 = arith.constant 0 : i32
      %dma_wait3A_416 = tpu.memref_slice %arg19[%dma_wait3A_414, %dma_wait3A_415] : memref<10000x16xf32, #tpu.memory_space<vmem_shared>> -> memref<10000x16xf32, #tpu.memory_space<vmem_shared>>
      tpu.wait_indirect_dma semaphore(%arg38 : memref<!tpu.dma_semaphore, #tpu.memory_space<semaphore_mem>>) src(%arg16 : memref<125x16xf32, #tpu.memory_space<vmem>>) dst(%dma_wait3A_416 : memref<10000x16xf32, #tpu.memory_space<vmem_shared>>)
      %add3A_417 = arith.constant 7 : i32
      %add3A_418 = arith.addi %add3A_130, %add3A_417 : i32
      %add3A_419 = arith.constant 10 : i32
      %add3A_420 = arith.addi %add3A_418, %add3A_419 : i32
      %lt3A_421 = arith.constant 80 : i32
      %lt3A_422 = arith.cmpi slt, %add3A_420, %lt3A_421 : i32
      %convert_element_type3A_423 = arith.extui %lt3A_422 : i1 to i32
      %cond3A_424 = arith.constant 0 : i32
      %cond3A_425 = arith.cmpi ne, %convert_element_type3A_423, %cond3A_424 : i32
      scf.if %cond3A_425 {
        %dma_start3A_460 = arith.constant 0 : i32
        %dma_start3A_461 = tpu.memref_slice %arg7[%add3A_420, %dma_start3A_460] : memref<80x125xi32, #tpu.memory_space<vmem>> -> memref<1x125xi32, #tpu.memory_space<vmem>>
        %dma_start3A_462 = tpu.memref_squeeze %dma_start3A_461 : memref<1x125xi32, #tpu.memory_space<vmem>> -> memref<125xi32, #tpu.memory_space<vmem>>
        %dma_start3A_463 = arith.constant 0 : i32
        %dma_start3A_464 = arith.constant 0 : i32
        %dma_start3A_465 = tpu.memref_slice %arg2[%dma_start3A_463, %dma_start3A_464] : memref<10000x16xf32, #tpu.memory_space<hbm>> -> memref<10000x16xf32, #tpu.memory_space<hbm>>
        tpu.enqueue_indirect_dma source(%dma_start3A_465 : memref<10000x16xf32, #tpu.memory_space<hbm>>) target(%arg16 : memref<125x16xf32, #tpu.memory_space<vmem>>) offsets(%dma_start3A_462 : memref<125xi32, #tpu.memory_space<vmem>>) semaphore(%arg28 : memref<!tpu.dma_semaphore, #tpu.memory_space<semaphore_mem>>)
      } else {
      }
      %add3A_426 = arith.constant 8 : i32
      %add3A_427 = arith.addi %add3A_130, %add3A_426 : i32
      %dma_wait3A_428 = arith.constant 0 : i32
      %dma_wait3A_429 = tpu.memref_slice %arg8[%add3A_427, %dma_wait3A_428] : memref<80x125xi32, #tpu.memory_space<vmem>> -> memref<1x125xi32, #tpu.memory_space<vmem>>
      %dma_wait3A_430 = tpu.memref_squeeze %dma_wait3A_429 : memref<1x125xi32, #tpu.memory_space<vmem>> -> memref<125xi32, #tpu.memory_space<vmem>>
      %dma_wait3A_431 = arith.constant 0 : i32
      %dma_wait3A_432 = arith.constant 0 : i32
      %dma_wait3A_433 = tpu.memref_slice %arg19[%dma_wait3A_431, %dma_wait3A_432] : memref<10000x16xf32, #tpu.memory_space<vmem_shared>> -> memref<10000x16xf32, #tpu.memory_space<vmem_shared>>
      tpu.wait_indirect_dma semaphore(%arg39 : memref<!tpu.dma_semaphore, #tpu.memory_space<semaphore_mem>>) src(%arg17 : memref<125x16xf32, #tpu.memory_space<vmem>>) dst(%dma_wait3A_433 : memref<10000x16xf32, #tpu.memory_space<vmem_shared>>)
      %add3A_434 = arith.constant 8 : i32
      %add3A_435 = arith.addi %add3A_130, %add3A_434 : i32
      %add3A_436 = arith.constant 10 : i32
      %add3A_437 = arith.addi %add3A_435, %add3A_436 : i32
      %lt3A_438 = arith.constant 80 : i32
      %lt3A_439 = arith.cmpi slt, %add3A_437, %lt3A_438 : i32
      %convert_element_type3A_440 = arith.extui %lt3A_439 : i1 to i32
      %cond3A_441 = arith.constant 0 : i32
      %cond3A_442 = arith.cmpi ne, %convert_element_type3A_440, %cond3A_441 : i32
      scf.if %cond3A_442 {
        %dma_start3A_460 = arith.constant 0 : i32
        %dma_start3A_461 = tpu.memref_slice %arg7[%add3A_437, %dma_start3A_460] : memref<80x125xi32, #tpu.memory_space<vmem>> -> memref<1x125xi32, #tpu.memory_space<vmem>>
        %dma_start3A_462 = tpu.memref_squeeze %dma_start3A_461 : memref<1x125xi32, #tpu.memory_space<vmem>> -> memref<125xi32, #tpu.memory_space<vmem>>
        %dma_start3A_463 = arith.constant 0 : i32
        %dma_start3A_464 = arith.constant 0 : i32
        %dma_start3A_465 = tpu.memref_slice %arg2[%dma_start3A_463, %dma_start3A_464] : memref<10000x16xf32, #tpu.memory_space<hbm>> -> memref<10000x16xf32, #tpu.memory_space<hbm>>
        tpu.enqueue_indirect_dma source(%dma_start3A_465 : memref<10000x16xf32, #tpu.memory_space<hbm>>) target(%arg17 : memref<125x16xf32, #tpu.memory_space<vmem>>) offsets(%dma_start3A_462 : memref<125xi32, #tpu.memory_space<vmem>>) semaphore(%arg29 : memref<!tpu.dma_semaphore, #tpu.memory_space<semaphore_mem>>)
      } else {
      }
      %add3A_443 = arith.constant 9 : i32
      %add3A_444 = arith.addi %add3A_130, %add3A_443 : i32
      %dma_wait3A_445 = arith.constant 0 : i32
      %dma_wait3A_446 = tpu.memref_slice %arg8[%add3A_444, %dma_wait3A_445] : memref<80x125xi32, #tpu.memory_space<vmem>> -> memref<1x125xi32, #tpu.memory_space<vmem>>
      %dma_wait3A_447 = tpu.memref_squeeze %dma_wait3A_446 : memref<1x125xi32, #tpu.memory_space<vmem>> -> memref<125xi32, #tpu.memory_space<vmem>>
      %dma_wait3A_448 = arith.constant 0 : i32
      %dma_wait3A_449 = arith.constant 0 : i32
      %dma_wait3A_450 = tpu.memref_slice %arg19[%dma_wait3A_448, %dma_wait3A_449] : memref<10000x16xf32, #tpu.memory_space<vmem_shared>> -> memref<10000x16xf32, #tpu.memory_space<vmem_shared>>
      tpu.wait_indirect_dma semaphore(%arg40 : memref<!tpu.dma_semaphore, #tpu.memory_space<semaphore_mem>>) src(%arg18 : memref<125x16xf32, #tpu.memory_space<vmem>>) dst(%dma_wait3A_450 : memref<10000x16xf32, #tpu.memory_space<vmem_shared>>)
      %add3A_451 = arith.constant 9 : i32
      %add3A_452 = arith.addi %add3A_130, %add3A_451 : i32
      %add3A_453 = arith.constant 10 : i32
      %add3A_454 = arith.addi %add3A_452, %add3A_453 : i32
      %lt3A_455 = arith.constant 80 : i32
      %lt3A_456 = arith.cmpi slt, %add3A_454, %lt3A_455 : i32
      %convert_element_type3A_457 = arith.extui %lt3A_456 : i1 to i32
      %cond3A_458 = arith.constant 0 : i32
      %cond3A_459 = arith.cmpi ne, %convert_element_type3A_457, %cond3A_458 : i32
      scf.if %cond3A_459 {
        %dma_start3A_460 = arith.constant 0 : i32
        %dma_start3A_461 = tpu.memref_slice %arg7[%add3A_454, %dma_start3A_460] : memref<80x125xi32, #tpu.memory_space<vmem>> -> memref<1x125xi32, #tpu.memory_space<vmem>>
        %dma_start3A_462 = tpu.memref_squeeze %dma_start3A_461 : memref<1x125xi32, #tpu.memory_space<vmem>> -> memref<125xi32, #tpu.memory_space<vmem>>
        %dma_start3A_463 = arith.constant 0 : i32
        %dma_start3A_464 = arith.constant 0 : i32
        %dma_start3A_465 = tpu.memref_slice %arg2[%dma_start3A_463, %dma_start3A_464] : memref<10000x16xf32, #tpu.memory_space<hbm>> -> memref<10000x16xf32, #tpu.memory_space<hbm>>
        tpu.enqueue_indirect_dma source(%dma_start3A_465 : memref<10000x16xf32, #tpu.memory_space<hbm>>) target(%arg18 : memref<125x16xf32, #tpu.memory_space<vmem>>) offsets(%dma_start3A_462 : memref<125xi32, #tpu.memory_space<vmem>>) semaphore(%arg30 : memref<!tpu.dma_semaphore, #tpu.memory_space<semaphore_mem>>)
      } else {
      }
    }
    %scan3A_112 = arith.constant 8 : i32
    %barrier3A_113 = arith.constant 0 : index
    tpu.barrier barrier_id(%barrier3A_113)
    %mul3A_114 = arith.constant 624 : i32
    %mul3A_115 = arith.muli %arg1, %mul3A_114 : i32
    %eq3A_116 = arith.constant 0 : i32
    %eq3A_117 = arith.cmpi eq, %arg0, %eq3A_116 : i32
    %convert_element_type3A_118 = arith.extui %eq3A_117 : i1 to i32
    %cond3A_119 = arith.constant 0 : i32
    %cond3A_120 = arith.cmpi ne, %convert_element_type3A_118, %cond3A_119 : i32
    scf.if %cond3A_120 {
      "tpu.region"() ({
        %run_scoped3A = tpu.sem_alloc : memref<!tpu.dma_semaphore, #tpu.memory_space<semaphore_mem>>
        %dma_start3A_131 = arith.constant 0 : i32
        %dma_start3A_132 = tpu.memref_slice %arg5[%mul3A_115, %dma_start3A_131] : memref<10000x16xf32, #tpu.memory_space<hbm>> -> memref<624x16xf32, #tpu.memory_space<hbm>>
        %dma_start3A_133 = arith.constant 0 : i32
        %dma_start3A_134 = tpu.memref_slice %arg19[%mul3A_115, %dma_start3A_133] : memref<10000x16xf32, #tpu.memory_space<vmem_shared>> -> memref<624x16xf32, #tpu.memory_space<vmem_shared>>
        tpu.enqueue_dma source(%dma_start3A_134 : memref<624x16xf32, #tpu.memory_space<vmem_shared>>) target(%dma_start3A_132 : memref<624x16xf32, #tpu.memory_space<hbm>>) target_semaphore(%run_scoped3A : memref<!tpu.dma_semaphore, #tpu.memory_space<semaphore_mem>>)
        %dma_wait3A_135 = arith.constant 0 : i32
        %dma_wait3A_136 = tpu.memref_slice %arg5[%mul3A_115, %dma_wait3A_135] : memref<10000x16xf32, #tpu.memory_space<hbm>> -> memref<624x16xf32, #tpu.memory_space<hbm>>
        %dma_wait3A_137 = arith.constant 0 : i32
        %dma_wait3A_138 = tpu.memref_slice %arg19[%mul3A_115, %dma_wait3A_137] : memref<10000x16xf32, #tpu.memory_space<vmem_shared>> -> memref<624x16xf32, #tpu.memory_space<vmem_shared>>
        tpu.wait_dma2 semaphore(%run_scoped3A : memref<!tpu.dma_semaphore, #tpu.memory_space<semaphore_mem>>) src(%dma_wait3A_138 : memref<624x16xf32, #tpu.memory_space<vmem_shared>>) dst(%dma_wait3A_136 : memref<624x16xf32, #tpu.memory_space<hbm>>)
        tpu.yield
      }) : () -> ()
      %eq3A_126 = arith.constant 0 : i32
      %eq3A_127 = arith.cmpi eq, %arg1, %eq3A_126 : i32
      %convert_element_type3A_128 = arith.extui %eq3A_127 : i1 to i32
      %cond3A_129 = arith.constant 0 : i32
      %cond3A_130 = arith.cmpi ne, %convert_element_type3A_128, %cond3A_129 : i32
      scf.if %cond3A_130 {
        "tpu.region"() ({
          %run_scoped3A = tpu.sem_alloc : memref<!tpu.dma_semaphore, #tpu.memory_space<semaphore_mem>>
          %dma_start3A_131 = arith.constant 9984 : i32
          %dma_start3A_132 = arith.constant 0 : i32
          %dma_start3A_133 = tpu.memref_slice %arg5[%dma_start3A_131, %dma_start3A_132] : memref<10000x16xf32, #tpu.memory_space<hbm>> -> memref<16x16xf32, #tpu.memory_space<hbm>>
          %dma_start3A_134 = arith.constant 9984 : i32
          %dma_start3A_135 = arith.constant 0 : i32
          %dma_start3A_136 = tpu.memref_slice %arg19[%dma_start3A_134, %dma_start3A_135] : memref<10000x16xf32, #tpu.memory_space<vmem_shared>> -> memref<16x16xf32, #tpu.memory_space<vmem_shared>>
          tpu.enqueue_dma source(%dma_start3A_136 : memref<16x16xf32, #tpu.memory_space<vmem_shared>>) target(%dma_start3A_133 : memref<16x16xf32, #tpu.memory_space<hbm>>) target_semaphore(%run_scoped3A : memref<!tpu.dma_semaphore, #tpu.memory_space<semaphore_mem>>)
          %dma_wait3A_137 = arith.constant 9984 : i32
          %dma_wait3A_138 = arith.constant 0 : i32
          %dma_wait3A_139 = tpu.memref_slice %arg5[%dma_wait3A_137, %dma_wait3A_138] : memref<10000x16xf32, #tpu.memory_space<hbm>> -> memref<16x16xf32, #tpu.memory_space<hbm>>
          %dma_wait3A_140 = arith.constant 9984 : i32
          %dma_wait3A_141 = arith.constant 0 : i32
          %dma_wait3A_142 = tpu.memref_slice %arg19[%dma_wait3A_140, %dma_wait3A_141] : memref<10000x16xf32, #tpu.memory_space<vmem_shared>> -> memref<16x16xf32, #tpu.memory_space<vmem_shared>>
          tpu.wait_dma2 semaphore(%run_scoped3A : memref<!tpu.dma_semaphore, #tpu.memory_space<semaphore_mem>>) src(%dma_wait3A_142 : memref<16x16xf32, #tpu.memory_space<vmem_shared>>) dst(%dma_wait3A_139 : memref<16x16xf32, #tpu.memory_space<hbm>>)
          tpu.yield
        }) : () -> ()
      } else {
      }
    } else {
    }
    %eq3A_121 = arith.constant 1 : i32
    %eq3A_122 = arith.cmpi eq, %arg0, %eq3A_121 : i32
    %convert_element_type3A_123 = arith.extui %eq3A_122 : i1 to i32
    %cond3A_124 = arith.constant 0 : i32
    %cond3A_125 = arith.cmpi ne, %convert_element_type3A_123, %cond3A_124 : i32
    scf.if %cond3A_125 {
      "tpu.region"() ({
        %run_scoped3A = tpu.sem_alloc : memref<!tpu.dma_semaphore, #tpu.memory_space<semaphore_mem>>
        %dma_start3A_131 = arith.constant 0 : i32
        %dma_start3A_132 = tpu.memref_slice %arg6[%mul3A_115, %dma_start3A_131] : memref<10000x16xf32, #tpu.memory_space<hbm>> -> memref<624x16xf32, #tpu.memory_space<hbm>>
        %dma_start3A_133 = arith.constant 0 : i32
        %dma_start3A_134 = tpu.memref_slice %arg19[%mul3A_115, %dma_start3A_133] : memref<10000x16xf32, #tpu.memory_space<vmem_shared>> -> memref<624x16xf32, #tpu.memory_space<vmem_shared>>
        tpu.enqueue_dma source(%dma_start3A_134 : memref<624x16xf32, #tpu.memory_space<vmem_shared>>) target(%dma_start3A_132 : memref<624x16xf32, #tpu.memory_space<hbm>>) target_semaphore(%run_scoped3A : memref<!tpu.dma_semaphore, #tpu.memory_space<semaphore_mem>>)
        %dma_wait3A_135 = arith.constant 0 : i32
        %dma_wait3A_136 = tpu.memref_slice %arg6[%mul3A_115, %dma_wait3A_135] : memref<10000x16xf32, #tpu.memory_space<hbm>> -> memref<624x16xf32, #tpu.memory_space<hbm>>
        %dma_wait3A_137 = arith.constant 0 : i32
        %dma_wait3A_138 = tpu.memref_slice %arg19[%mul3A_115, %dma_wait3A_137] : memref<10000x16xf32, #tpu.memory_space<vmem_shared>> -> memref<624x16xf32, #tpu.memory_space<vmem_shared>>
        tpu.wait_dma2 semaphore(%run_scoped3A : memref<!tpu.dma_semaphore, #tpu.memory_space<semaphore_mem>>) src(%dma_wait3A_138 : memref<624x16xf32, #tpu.memory_space<vmem_shared>>) dst(%dma_wait3A_136 : memref<624x16xf32, #tpu.memory_space<hbm>>)
        tpu.yield
      }) : () -> ()
      %eq3A_126 = arith.constant 0 : i32
      %eq3A_127 = arith.cmpi eq, %arg1, %eq3A_126 : i32
      %convert_element_type3A_128 = arith.extui %eq3A_127 : i1 to i32
      %cond3A_129 = arith.constant 0 : i32
      %cond3A_130 = arith.cmpi ne, %convert_element_type3A_128, %cond3A_129 : i32
      scf.if %cond3A_130 {
        "tpu.region"() ({
          %run_scoped3A = tpu.sem_alloc : memref<!tpu.dma_semaphore, #tpu.memory_space<semaphore_mem>>
          %dma_start3A_131 = arith.constant 9984 : i32
          %dma_start3A_132 = arith.constant 0 : i32
          %dma_start3A_133 = tpu.memref_slice %arg6[%dma_start3A_131, %dma_start3A_132] : memref<10000x16xf32, #tpu.memory_space<hbm>> -> memref<16x16xf32, #tpu.memory_space<hbm>>
          %dma_start3A_134 = arith.constant 9984 : i32
          %dma_start3A_135 = arith.constant 0 : i32
          %dma_start3A_136 = tpu.memref_slice %arg19[%dma_start3A_134, %dma_start3A_135] : memref<10000x16xf32, #tpu.memory_space<vmem_shared>> -> memref<16x16xf32, #tpu.memory_space<vmem_shared>>
          tpu.enqueue_dma source(%dma_start3A_136 : memref<16x16xf32, #tpu.memory_space<vmem_shared>>) target(%dma_start3A_133 : memref<16x16xf32, #tpu.memory_space<hbm>>) target_semaphore(%run_scoped3A : memref<!tpu.dma_semaphore, #tpu.memory_space<semaphore_mem>>)
          %dma_wait3A_137 = arith.constant 9984 : i32
          %dma_wait3A_138 = arith.constant 0 : i32
          %dma_wait3A_139 = tpu.memref_slice %arg6[%dma_wait3A_137, %dma_wait3A_138] : memref<10000x16xf32, #tpu.memory_space<hbm>> -> memref<16x16xf32, #tpu.memory_space<hbm>>
          %dma_wait3A_140 = arith.constant 9984 : i32
          %dma_wait3A_141 = arith.constant 0 : i32
          %dma_wait3A_142 = tpu.memref_slice %arg19[%dma_wait3A_140, %dma_wait3A_141] : memref<10000x16xf32, #tpu.memory_space<vmem_shared>> -> memref<16x16xf32, #tpu.memory_space<vmem_shared>>
          tpu.wait_dma2 semaphore(%run_scoped3A : memref<!tpu.dma_semaphore, #tpu.memory_space<semaphore_mem>>) src(%dma_wait3A_142 : memref<16x16xf32, #tpu.memory_space<vmem_shared>>) dst(%dma_wait3A_139 : memref<16x16xf32, #tpu.memory_space<hbm>>)
          tpu.yield
        }) : () -> ()
      } else {
      }
    } else {
    }
    return
  }
}

#map = affine_map<(d0, d1) -> (0, 0)>
#map1 = affine_map<(d0, d1) -> (0, 0, 0, 0)>
module attributes {stable_mosaic.version = 14 : i64} {
  func.func @seg(%arg0: i32, %arg1: i32, %arg2: memref<10000x16xf32, #tpu.memory_space<hbm>>, %arg3: memref<2x32x80x125xi32, #tpu.memory_space<hbm>>, %arg4: memref<10000x16xf32, #tpu.memory_space<hbm>>, %arg5: memref<10000x16xf32, #tpu.memory_space<hbm>>, %arg6: memref<10000x16xf32, #tpu.memory_space<hbm>>, %arg7: memref<80x125xi32, #tpu.memory_space<vmem>>, %arg8: memref<80x125xi32, #tpu.memory_space<vmem>>, %arg9: memref<125x16xf32, #tpu.memory_space<vmem>>, %arg10: memref<125x16xf32, #tpu.memory_space<vmem>>, %arg11: memref<125x16xf32, #tpu.memory_space<vmem>>, %arg12: memref<125x16xf32, #tpu.memory_space<vmem>>, %arg13: memref<125x16xf32, #tpu.memory_space<vmem>>, %arg14: memref<125x16xf32, #tpu.memory_space<vmem>>, %arg15: memref<125x16xf32, #tpu.memory_space<vmem>>, %arg16: memref<125x16xf32, #tpu.memory_space<vmem>>, %arg17: memref<125x16xf32, #tpu.memory_space<vmem>>, %arg18: memref<125x16xf32, #tpu.memory_space<vmem>>, %arg19: memref<10000x16xf32, #tpu.memory_space<vmem_shared>>, %arg20: memref<!tpu.dma_semaphore, #tpu.memory_space<semaphore_mem>>, %arg21: memref<!tpu.dma_semaphore, #tpu.memory_space<semaphore_mem>>, %arg22: memref<!tpu.dma_semaphore, #tpu.memory_space<semaphore_mem>>, %arg23: memref<!tpu.dma_semaphore, #tpu.memory_space<semaphore_mem>>, %arg24: memref<!tpu.dma_semaphore, #tpu.memory_space<semaphore_mem>>, %arg25: memref<!tpu.dma_semaphore, #tpu.memory_space<semaphore_mem>>, %arg26: memref<!tpu.dma_semaphore, #tpu.memory_space<semaphore_mem>>, %arg27: memref<!tpu.dma_semaphore, #tpu.memory_space<semaphore_mem>>, %arg28: memref<!tpu.dma_semaphore, #tpu.memory_space<semaphore_mem>>, %arg29: memref<!tpu.dma_semaphore, #tpu.memory_space<semaphore_mem>>, %arg30: memref<!tpu.dma_semaphore, #tpu.memory_space<semaphore_mem>>, %arg31: memref<!tpu.dma_semaphore, #tpu.memory_space<semaphore_mem>>, %arg32: memref<!tpu.dma_semaphore, #tpu.memory_space<semaphore_mem>>, %arg33: memref<!tpu.dma_semaphore, #tpu.memory_space<semaphore_mem>>, %arg34: memref<!tpu.dma_semaphore, #tpu.memory_space<semaphore_mem>>, %arg35: memref<!tpu.dma_semaphore, #tpu.memory_space<semaphore_mem>>, %arg36: memref<!tpu.dma_semaphore, #tpu.memory_space<semaphore_mem>>, %arg37: memref<!tpu.dma_semaphore, #tpu.memory_space<semaphore_mem>>, %arg38: memref<!tpu.dma_semaphore, #tpu.memory_space<semaphore_mem>>, %arg39: memref<!tpu.dma_semaphore, #tpu.memory_space<semaphore_mem>>, %arg40: memref<!tpu.dma_semaphore, #tpu.memory_space<semaphore_mem>>) attributes {dimension_semantics = [#tpu.dimension_semantics<core_parallel>, #tpu.dimension_semantics<subcore_parallel>], iteration_bounds = array<i64: 2, 16>, scalar_prefetch = 0 : i64, scratch_operands = 34 : i64, tpu.core_type = #tpu.core_type<sc_vector_subcore>, window_params = [{transform_indices = #map}, {transform_indices = #map1}, {transform_indices = #map}, {transform_indices = #map}, {transform_indices = #map}]} {
    %mul3A = arith.constant 16 : i32
    %mul3A_0 = arith.muli %arg0, %mul3A : i32
    %add3A = arith.addi %mul3A_0, %arg1 : i32
    %dma_start3A = arith.constant 0 : i32
    %dma_start3A_1 = arith.constant 0 : i32
    %dma_start3A_2 = arith.constant 0 : i32
    %dma_start3A_3 = tpu.memref_slice %arg3[%dma_start3A, %add3A, %dma_start3A_1, %dma_start3A_2] : memref<2x32x80x125xi32, #tpu.memory_space<hbm>> -> memref<1x1x80x125xi32, #tpu.memory_space<hbm>>
    %dma_start3A_4 = tpu.memref_squeeze %dma_start3A_3 : memref<1x1x80x125xi32, #tpu.memory_space<hbm>> -> memref<80x125xi32, #tpu.memory_space<hbm>>
    %dma_start3A_5 = arith.constant 0 : i32
    %dma_start3A_6 = arith.constant 0 : i32
    %dma_start3A_7 = tpu.memref_slice %arg3[%dma_start3A, %add3A, %dma_start3A_5, %dma_start3A_6] : memref<2x32x80x125xi32, #tpu.memory_space<hbm>> -> memref<1x1x80x125xi32, #tpu.memory_space<hbm>>
    %dma_start3A_8 = tpu.memref_squeeze %dma_start3A_7 : memref<1x1x80x125xi32, #tpu.memory_space<hbm>> -> memref<80x125xi32, #tpu.memory_space<hbm>>
    tpu.enqueue_dma source(%dma_start3A_8 : memref<80x125xi32, #tpu.memory_space<hbm>>) target(%arg7 : memref<80x125xi32, #tpu.memory_space<vmem>>) target_semaphore(%arg20 : memref<!tpu.dma_semaphore, #tpu.memory_space<semaphore_mem>>)
    %dma_start3A_9 = arith.constant 1 : i32
    %dma_start3A_10 = arith.constant 0 : i32
    %dma_start3A_11 = arith.constant 0 : i32
    %dma_start3A_12 = tpu.memref_slice %arg3[%dma_start3A_9, %add3A, %dma_start3A_10, %dma_start3A_11] : memref<2x32x80x125xi32, #tpu.memory_space<hbm>> -> memref<1x1x80x125xi32, #tpu.memory_space<hbm>>
    %dma_start3A_13 = tpu.memref_squeeze %dma_start3A_12 : memref<1x1x80x125xi32, #tpu.memory_space<hbm>> -> memref<80x125xi32, #tpu.memory_space<hbm>>
    %dma_start3A_14 = arith.constant 0 : i32
    %dma_start3A_15 = arith.constant 0 : i32
    %dma_start3A_16 = tpu.memref_slice %arg3[%dma_start3A_9, %add3A, %dma_start3A_14, %dma_start3A_15] : memref<2x32x80x125xi32, #tpu.memory_space<hbm>> -> memref<1x1x80x125xi32, #tpu.memory_space<hbm>>
    %dma_start3A_17 = tpu.memref_squeeze %dma_start3A_16 : memref<1x1x80x125xi32, #tpu.memory_space<hbm>> -> memref<80x125xi32, #tpu.memory_space<hbm>>
    tpu.enqueue_dma source(%dma_start3A_17 : memref<80x125xi32, #tpu.memory_space<hbm>>) target(%arg8 : memref<80x125xi32, #tpu.memory_space<vmem>>) target_semaphore(%arg20 : memref<!tpu.dma_semaphore, #tpu.memory_space<semaphore_mem>>)
    %mul3A_18 = arith.constant 624 : i32
    %mul3A_19 = arith.muli %arg1, %mul3A_18 : i32
    "tpu.region"() ({
      %run_scoped3A = tpu.sem_alloc : memref<!tpu.dma_semaphore, #tpu.memory_space<semaphore_mem>>
      %dma_start3A_126 = arith.constant 0 : i32
      %dma_start3A_127 = tpu.memref_slice %arg19[%mul3A_19, %dma_start3A_126] : memref<10000x16xf32, #tpu.memory_space<vmem_shared>> -> memref<624x16xf32, #tpu.memory_space<vmem_shared>>
      %dma_start3A_128 = arith.constant 0 : i32
      %dma_start3A_129 = tpu.memref_slice %arg4[%mul3A_19, %dma_start3A_128] : memref<10000x16xf32, #tpu.memory_space<hbm>> -> memref<624x16xf32, #tpu.memory_space<hbm>>
      tpu.enqueue_dma source(%dma_start3A_129 : memref<624x16xf32, #tpu.memory_space<hbm>>) target(%dma_start3A_127 : memref<624x16xf32, #tpu.memory_space<vmem_shared>>) target_semaphore(%run_scoped3A : memref<!tpu.dma_semaphore, #tpu.memory_space<semaphore_mem>>)
      %dma_wait3A_130 = arith.constant 0 : i32
      %dma_wait3A_131 = tpu.memref_slice %arg19[%mul3A_19, %dma_wait3A_130] : memref<10000x16xf32, #tpu.memory_space<vmem_shared>> -> memref<624x16xf32, #tpu.memory_space<vmem_shared>>
      %dma_wait3A_132 = arith.constant 0 : i32
      %dma_wait3A_133 = tpu.memref_slice %arg4[%mul3A_19, %dma_wait3A_132] : memref<10000x16xf32, #tpu.memory_space<hbm>> -> memref<624x16xf32, #tpu.memory_space<hbm>>
      tpu.wait_dma2 semaphore(%run_scoped3A : memref<!tpu.dma_semaphore, #tpu.memory_space<semaphore_mem>>) src(%dma_wait3A_133 : memref<624x16xf32, #tpu.memory_space<hbm>>) dst(%dma_wait3A_131 : memref<624x16xf32, #tpu.memory_space<vmem_shared>>)
      tpu.yield
    }) : () -> ()
    %eq3A = arith.constant 0 : i32
    %eq3A_20 = arith.cmpi eq, %arg1, %eq3A : i32
    %convert_element_type3A = arith.extui %eq3A_20 : i1 to i32
    %cond3A = arith.constant 0 : i32
    %cond3A_21 = arith.cmpi ne, %convert_element_type3A, %cond3A : i32
    scf.if %cond3A_21 {
      "tpu.region"() ({
        %run_scoped3A = tpu.sem_alloc : memref<!tpu.dma_semaphore, #tpu.memory_space<semaphore_mem>>
        %dma_start3A_126 = arith.constant 9984 : i32
        %dma_start3A_127 = arith.constant 0 : i32
        %dma_start3A_128 = tpu.memref_slice %arg19[%dma_start3A_126, %dma_start3A_127] : memref<10000x16xf32, #tpu.memory_space<vmem_shared>> -> memref<16x16xf32, #tpu.memory_space<vmem_shared>>
        %dma_start3A_129 = arith.constant 9984 : i32
        %dma_start3A_130 = arith.constant 0 : i32
        %dma_start3A_131 = tpu.memref_slice %arg4[%dma_start3A_129, %dma_start3A_130] : memref<10000x16xf32, #tpu.memory_space<hbm>> -> memref<16x16xf32, #tpu.memory_space<hbm>>
        tpu.enqueue_dma source(%dma_start3A_131 : memref<16x16xf32, #tpu.memory_space<hbm>>) target(%dma_start3A_128 : memref<16x16xf32, #tpu.memory_space<vmem_shared>>) target_semaphore(%run_scoped3A : memref<!tpu.dma_semaphore, #tpu.memory_space<semaphore_mem>>)
        %dma_wait3A_132 = arith.constant 9984 : i32
        %dma_wait3A_133 = arith.constant 0 : i32
        %dma_wait3A_134 = tpu.memref_slice %arg19[%dma_wait3A_132, %dma_wait3A_133] : memref<10000x16xf32, #tpu.memory_space<vmem_shared>> -> memref<16x16xf32, #tpu.memory_space<vmem_shared>>
        %dma_wait3A_135 = arith.constant 9984 : i32
        %dma_wait3A_136 = arith.constant 0 : i32
        %dma_wait3A_137 = tpu.memref_slice %arg4[%dma_wait3A_135, %dma_wait3A_136] : memref<10000x16xf32, #tpu.memory_space<hbm>> -> memref<16x16xf32, #tpu.memory_space<hbm>>
        tpu.wait_dma2 semaphore(%run_scoped3A : memref<!tpu.dma_semaphore, #tpu.memory_space<semaphore_mem>>) src(%dma_wait3A_137 : memref<16x16xf32, #tpu.memory_space<hbm>>) dst(%dma_wait3A_134 : memref<16x16xf32, #tpu.memory_space<vmem_shared>>)
        tpu.yield
      }) : () -> ()
    } else {
    }
    %dma_wait3A = arith.constant 0 : i32
    %dma_wait3A_22 = arith.constant 0 : i32
    %dma_wait3A_23 = arith.constant 0 : i32
    %dma_wait3A_24 = tpu.memref_slice %arg3[%dma_wait3A, %add3A, %dma_wait3A_22, %dma_wait3A_23] : memref<2x32x80x125xi32, #tpu.memory_space<hbm>> -> memref<1x1x80x125xi32, #tpu.memory_space<hbm>>
    %dma_wait3A_25 = tpu.memref_squeeze %dma_wait3A_24 : memref<1x1x80x125xi32, #tpu.memory_space<hbm>> -> memref<80x125xi32, #tpu.memory_space<hbm>>
    %dma_wait3A_26 = arith.constant 0 : i32
    %dma_wait3A_27 = arith.constant 0 : i32
    %dma_wait3A_28 = tpu.memref_slice %arg3[%dma_wait3A, %add3A, %dma_wait3A_26, %dma_wait3A_27] : memref<2x32x80x125xi32, #tpu.memory_space<hbm>> -> memref<1x1x80x125xi32, #tpu.memory_space<hbm>>
    %dma_wait3A_29 = tpu.memref_squeeze %dma_wait3A_28 : memref<1x1x80x125xi32, #tpu.memory_space<hbm>> -> memref<80x125xi32, #tpu.memory_space<hbm>>
    tpu.wait_dma2 semaphore(%arg20 : memref<!tpu.dma_semaphore, #tpu.memory_space<semaphore_mem>>) src(%dma_wait3A_29 : memref<80x125xi32, #tpu.memory_space<hbm>>) dst(%arg7 : memref<80x125xi32, #tpu.memory_space<vmem>>)
    %dma_wait3A_30 = arith.constant 1 : i32
    %dma_wait3A_31 = arith.constant 0 : i32
    %dma_wait3A_32 = arith.constant 0 : i32
    %dma_wait3A_33 = tpu.memref_slice %arg3[%dma_wait3A_30, %add3A, %dma_wait3A_31, %dma_wait3A_32] : memref<2x32x80x125xi32, #tpu.memory_space<hbm>> -> memref<1x1x80x125xi32, #tpu.memory_space<hbm>>
    %dma_wait3A_34 = tpu.memref_squeeze %dma_wait3A_33 : memref<1x1x80x125xi32, #tpu.memory_space<hbm>> -> memref<80x125xi32, #tpu.memory_space<hbm>>
    %dma_wait3A_35 = arith.constant 0 : i32
    %dma_wait3A_36 = arith.constant 0 : i32
    %dma_wait3A_37 = tpu.memref_slice %arg3[%dma_wait3A_30, %add3A, %dma_wait3A_35, %dma_wait3A_36] : memref<2x32x80x125xi32, #tpu.memory_space<hbm>> -> memref<1x1x80x125xi32, #tpu.memory_space<hbm>>
    %dma_wait3A_38 = tpu.memref_squeeze %dma_wait3A_37 : memref<1x1x80x125xi32, #tpu.memory_space<hbm>> -> memref<80x125xi32, #tpu.memory_space<hbm>>
    tpu.wait_dma2 semaphore(%arg20 : memref<!tpu.dma_semaphore, #tpu.memory_space<semaphore_mem>>) src(%dma_wait3A_38 : memref<80x125xi32, #tpu.memory_space<hbm>>) dst(%arg8 : memref<80x125xi32, #tpu.memory_space<vmem>>)
    %barrier3A = arith.constant 0 : index
    tpu.barrier barrier_id(%barrier3A)
    %dma_start3A_39 = arith.constant 0 : i32
    %dma_start3A_40 = arith.constant 0 : i32
    %dma_start3A_41 = tpu.memref_slice %arg7[%dma_start3A_39, %dma_start3A_40] : memref<80x125xi32, #tpu.memory_space<vmem>> -> memref<1x125xi32, #tpu.memory_space<vmem>>
    %dma_start3A_42 = tpu.memref_squeeze %dma_start3A_41 : memref<1x125xi32, #tpu.memory_space<vmem>> -> memref<125xi32, #tpu.memory_space<vmem>>
    %dma_start3A_43 = arith.constant 0 : i32
    %dma_start3A_44 = arith.constant 0 : i32
    %dma_start3A_45 = tpu.memref_slice %arg2[%dma_start3A_43, %dma_start3A_44] : memref<10000x16xf32, #tpu.memory_space<hbm>> -> memref<10000x16xf32, #tpu.memory_space<hbm>>
    tpu.enqueue_indirect_dma source(%dma_start3A_45 : memref<10000x16xf32, #tpu.memory_space<hbm>>) target(%arg9 : memref<125x16xf32, #tpu.memory_space<vmem>>) offsets(%dma_start3A_42 : memref<125xi32, #tpu.memory_space<vmem>>) semaphore(%arg21 : memref<!tpu.dma_semaphore, #tpu.memory_space<semaphore_mem>>)
    %dma_start3A_46 = arith.constant 1 : i32
    %dma_start3A_47 = arith.constant 0 : i32
    %dma_start3A_48 = tpu.memref_slice %arg7[%dma_start3A_46, %dma_start3A_47] : memref<80x125xi32, #tpu.memory_space<vmem>> -> memref<1x125xi32, #tpu.memory_space<vmem>>
    %dma_start3A_49 = tpu.memref_squeeze %dma_start3A_48 : memref<1x125xi32, #tpu.memory_space<vmem>> -> memref<125xi32, #tpu.memory_space<vmem>>
    %dma_start3A_50 = arith.constant 0 : i32
    %dma_start3A_51 = arith.constant 0 : i32
    %dma_start3A_52 = tpu.memref_slice %arg2[%dma_start3A_50, %dma_start3A_51] : memref<10000x16xf32, #tpu.memory_space<hbm>> -> memref<10000x16xf32, #tpu.memory_space<hbm>>
    tpu.enqueue_indirect_dma source(%dma_start3A_52 : memref<10000x16xf32, #tpu.memory_space<hbm>>) target(%arg10 : memref<125x16xf32, #tpu.memory_space<vmem>>) offsets(%dma_start3A_49 : memref<125xi32, #tpu.memory_space<vmem>>) semaphore(%arg22 : memref<!tpu.dma_semaphore, #tpu.memory_space<semaphore_mem>>)
    %dma_start3A_53 = arith.constant 2 : i32
    %dma_start3A_54 = arith.constant 0 : i32
    %dma_start3A_55 = tpu.memref_slice %arg7[%dma_start3A_53, %dma_start3A_54] : memref<80x125xi32, #tpu.memory_space<vmem>> -> memref<1x125xi32, #tpu.memory_space<vmem>>
    %dma_start3A_56 = tpu.memref_squeeze %dma_start3A_55 : memref<1x125xi32, #tpu.memory_space<vmem>> -> memref<125xi32, #tpu.memory_space<vmem>>
    %dma_start3A_57 = arith.constant 0 : i32
    %dma_start3A_58 = arith.constant 0 : i32
    %dma_start3A_59 = tpu.memref_slice %arg2[%dma_start3A_57, %dma_start3A_58] : memref<10000x16xf32, #tpu.memory_space<hbm>> -> memref<10000x16xf32, #tpu.memory_space<hbm>>
    tpu.enqueue_indirect_dma source(%dma_start3A_59 : memref<10000x16xf32, #tpu.memory_space<hbm>>) target(%arg11 : memref<125x16xf32, #tpu.memory_space<vmem>>) offsets(%dma_start3A_56 : memref<125xi32, #tpu.memory_space<vmem>>) semaphore(%arg23 : memref<!tpu.dma_semaphore, #tpu.memory_space<semaphore_mem>>)
    %dma_start3A_60 = arith.constant 3 : i32
    %dma_start3A_61 = arith.constant 0 : i32
    %dma_start3A_62 = tpu.memref_slice %arg7[%dma_start3A_60, %dma_start3A_61] : memref<80x125xi32, #tpu.memory_space<vmem>> -> memref<1x125xi32, #tpu.memory_space<vmem>>
    %dma_start3A_63 = tpu.memref_squeeze %dma_start3A_62 : memref<1x125xi32, #tpu.memory_space<vmem>> -> memref<125xi32, #tpu.memory_space<vmem>>
    %dma_start3A_64 = arith.constant 0 : i32
    %dma_start3A_65 = arith.constant 0 : i32
    %dma_start3A_66 = tpu.memref_slice %arg2[%dma_start3A_64, %dma_start3A_65] : memref<10000x16xf32, #tpu.memory_space<hbm>> -> memref<10000x16xf32, #tpu.memory_space<hbm>>
    tpu.enqueue_indirect_dma source(%dma_start3A_66 : memref<10000x16xf32, #tpu.memory_space<hbm>>) target(%arg12 : memref<125x16xf32, #tpu.memory_space<vmem>>) offsets(%dma_start3A_63 : memref<125xi32, #tpu.memory_space<vmem>>) semaphore(%arg24 : memref<!tpu.dma_semaphore, #tpu.memory_space<semaphore_mem>>)
    %dma_start3A_67 = arith.constant 4 : i32
    %dma_start3A_68 = arith.constant 0 : i32
    %dma_start3A_69 = tpu.memref_slice %arg7[%dma_start3A_67, %dma_start3A_68] : memref<80x125xi32, #tpu.memory_space<vmem>> -> memref<1x125xi32, #tpu.memory_space<vmem>>
    %dma_start3A_70 = tpu.memref_squeeze %dma_start3A_69 : memref<1x125xi32, #tpu.memory_space<vmem>> -> memref<125xi32, #tpu.memory_space<vmem>>
    %dma_start3A_71 = arith.constant 0 : i32
    %dma_start3A_72 = arith.constant 0 : i32
    %dma_start3A_73 = tpu.memref_slice %arg2[%dma_start3A_71, %dma_start3A_72] : memref<10000x16xf32, #tpu.memory_space<hbm>> -> memref<10000x16xf32, #tpu.memory_space<hbm>>
    tpu.enqueue_indirect_dma source(%dma_start3A_73 : memref<10000x16xf32, #tpu.memory_space<hbm>>) target(%arg13 : memref<125x16xf32, #tpu.memory_space<vmem>>) offsets(%dma_start3A_70 : memref<125xi32, #tpu.memory_space<vmem>>) semaphore(%arg25 : memref<!tpu.dma_semaphore, #tpu.memory_space<semaphore_mem>>)
    %dma_start3A_74 = arith.constant 5 : i32
    %dma_start3A_75 = arith.constant 0 : i32
    %dma_start3A_76 = tpu.memref_slice %arg7[%dma_start3A_74, %dma_start3A_75] : memref<80x125xi32, #tpu.memory_space<vmem>> -> memref<1x125xi32, #tpu.memory_space<vmem>>
    %dma_start3A_77 = tpu.memref_squeeze %dma_start3A_76 : memref<1x125xi32, #tpu.memory_space<vmem>> -> memref<125xi32, #tpu.memory_space<vmem>>
    %dma_start3A_78 = arith.constant 0 : i32
    %dma_start3A_79 = arith.constant 0 : i32
    %dma_start3A_80 = tpu.memref_slice %arg2[%dma_start3A_78, %dma_start3A_79] : memref<10000x16xf32, #tpu.memory_space<hbm>> -> memref<10000x16xf32, #tpu.memory_space<hbm>>
    tpu.enqueue_indirect_dma source(%dma_start3A_80 : memref<10000x16xf32, #tpu.memory_space<hbm>>) target(%arg14 : memref<125x16xf32, #tpu.memory_space<vmem>>) offsets(%dma_start3A_77 : memref<125xi32, #tpu.memory_space<vmem>>) semaphore(%arg26 : memref<!tpu.dma_semaphore, #tpu.memory_space<semaphore_mem>>)
    %dma_start3A_81 = arith.constant 6 : i32
    %dma_start3A_82 = arith.constant 0 : i32
    %dma_start3A_83 = tpu.memref_slice %arg7[%dma_start3A_81, %dma_start3A_82] : memref<80x125xi32, #tpu.memory_space<vmem>> -> memref<1x125xi32, #tpu.memory_space<vmem>>
    %dma_start3A_84 = tpu.memref_squeeze %dma_start3A_83 : memref<1x125xi32, #tpu.memory_space<vmem>> -> memref<125xi32, #tpu.memory_space<vmem>>
    %dma_start3A_85 = arith.constant 0 : i32
    %dma_start3A_86 = arith.constant 0 : i32
    %dma_start3A_87 = tpu.memref_slice %arg2[%dma_start3A_85, %dma_start3A_86] : memref<10000x16xf32, #tpu.memory_space<hbm>> -> memref<10000x16xf32, #tpu.memory_space<hbm>>
    tpu.enqueue_indirect_dma source(%dma_start3A_87 : memref<10000x16xf32, #tpu.memory_space<hbm>>) target(%arg15 : memref<125x16xf32, #tpu.memory_space<vmem>>) offsets(%dma_start3A_84 : memref<125xi32, #tpu.memory_space<vmem>>) semaphore(%arg27 : memref<!tpu.dma_semaphore, #tpu.memory_space<semaphore_mem>>)
    %dma_start3A_88 = arith.constant 7 : i32
    %dma_start3A_89 = arith.constant 0 : i32
    %dma_start3A_90 = tpu.memref_slice %arg7[%dma_start3A_88, %dma_start3A_89] : memref<80x125xi32, #tpu.memory_space<vmem>> -> memref<1x125xi32, #tpu.memory_space<vmem>>
    %dma_start3A_91 = tpu.memref_squeeze %dma_start3A_90 : memref<1x125xi32, #tpu.memory_space<vmem>> -> memref<125xi32, #tpu.memory_space<vmem>>
    %dma_start3A_92 = arith.constant 0 : i32
    %dma_start3A_93 = arith.constant 0 : i32
    %dma_start3A_94 = tpu.memref_slice %arg2[%dma_start3A_92, %dma_start3A_93] : memref<10000x16xf32, #tpu.memory_space<hbm>> -> memref<10000x16xf32, #tpu.memory_space<hbm>>
    tpu.enqueue_indirect_dma source(%dma_start3A_94 : memref<10000x16xf32, #tpu.memory_space<hbm>>) target(%arg16 : memref<125x16xf32, #tpu.memory_space<vmem>>) offsets(%dma_start3A_91 : memref<125xi32, #tpu.memory_space<vmem>>) semaphore(%arg28 : memref<!tpu.dma_semaphore, #tpu.memory_space<semaphore_mem>>)
    %dma_start3A_95 = arith.constant 8 : i32
    %dma_start3A_96 = arith.constant 0 : i32
    %dma_start3A_97 = tpu.memref_slice %arg7[%dma_start3A_95, %dma_start3A_96] : memref<80x125xi32, #tpu.memory_space<vmem>> -> memref<1x125xi32, #tpu.memory_space<vmem>>
    %dma_start3A_98 = tpu.memref_squeeze %dma_start3A_97 : memref<1x125xi32, #tpu.memory_space<vmem>> -> memref<125xi32, #tpu.memory_space<vmem>>
    %dma_start3A_99 = arith.constant 0 : i32
    %dma_start3A_100 = arith.constant 0 : i32
    %dma_start3A_101 = tpu.memref_slice %arg2[%dma_start3A_99, %dma_start3A_100] : memref<10000x16xf32, #tpu.memory_space<hbm>> -> memref<10000x16xf32, #tpu.memory_space<hbm>>
    tpu.enqueue_indirect_dma source(%dma_start3A_101 : memref<10000x16xf32, #tpu.memory_space<hbm>>) target(%arg17 : memref<125x16xf32, #tpu.memory_space<vmem>>) offsets(%dma_start3A_98 : memref<125xi32, #tpu.memory_space<vmem>>) semaphore(%arg29 : memref<!tpu.dma_semaphore, #tpu.memory_space<semaphore_mem>>)
    %dma_start3A_102 = arith.constant 9 : i32
    %dma_start3A_103 = arith.constant 0 : i32
    %dma_start3A_104 = tpu.memref_slice %arg7[%dma_start3A_102, %dma_start3A_103] : memref<80x125xi32, #tpu.memory_space<vmem>> -> memref<1x125xi32, #tpu.memory_space<vmem>>
    %dma_start3A_105 = tpu.memref_squeeze %dma_start3A_104 : memref<1x125xi32, #tpu.memory_space<vmem>> -> memref<125xi32, #tpu.memory_space<vmem>>
    %dma_start3A_106 = arith.constant 0 : i32
    %dma_start3A_107 = arith.constant 0 : i32
    %dma_start3A_108 = tpu.memref_slice %arg2[%dma_start3A_106, %dma_start3A_107] : memref<10000x16xf32, #tpu.memory_space<hbm>> -> memref<10000x16xf32, #tpu.memory_space<hbm>>
    tpu.enqueue_indirect_dma source(%dma_start3A_108 : memref<10000x16xf32, #tpu.memory_space<hbm>>) target(%arg18 : memref<125x16xf32, #tpu.memory_space<vmem>>) offsets(%dma_start3A_105 : memref<125xi32, #tpu.memory_space<vmem>>) semaphore(%arg30 : memref<!tpu.dma_semaphore, #tpu.memory_space<semaphore_mem>>)
    %scan3A = arith.constant 0 : i32
    %scan3A_109 = arith.constant 8 : i32
    %scan3A_110 = arith.addi %scan3A, %scan3A_109 : i32
    %scan3A_111 = arith.constant 1 : i32
    scf.for %scan3A_126 = %scan3A to %scan3A_110 step %scan3A_111  : i32 {
      %mul3A_127 = arith.constant 10 : i32
      %mul3A_128 = arith.muli %scan3A_126, %mul3A_127 : i32
      %add3A_129 = arith.constant 0 : i32
      %add3A_130 = arith.addi %add3A_129, %mul3A_128 : i32
      %add3A_131 = arith.constant 0 : i32
      %add3A_132 = arith.addi %add3A_130, %add3A_131 : i32
      %dma_wait3A_133 = arith.constant 0 : i32
      %dma_wait3A_134 = tpu.memref_slice %arg7[%add3A_132, %dma_wait3A_133] : memref<80x125xi32, #tpu.memory_space<vmem>> -> memref<1x125xi32, #tpu.memory_space<vmem>>
      %dma_wait3A_135 = tpu.memref_squeeze %dma_wait3A_134 : memref<1x125xi32, #tpu.memory_space<vmem>> -> memref<125xi32, #tpu.memory_space<vmem>>
      %dma_wait3A_136 = arith.constant 0 : i32
      %dma_wait3A_137 = arith.constant 0 : i32
      %dma_wait3A_138 = tpu.memref_slice %arg2[%dma_wait3A_136, %dma_wait3A_137] : memref<10000x16xf32, #tpu.memory_space<hbm>> -> memref<10000x16xf32, #tpu.memory_space<hbm>>
      tpu.wait_indirect_dma semaphore(%arg21 : memref<!tpu.dma_semaphore, #tpu.memory_space<semaphore_mem>>) src(%dma_wait3A_138 : memref<10000x16xf32, #tpu.memory_space<hbm>>) dst(%arg9 : memref<125x16xf32, #tpu.memory_space<vmem>>)
      %add3A_139 = arith.constant 0 : i32
      %add3A_140 = arith.addi %add3A_130, %add3A_139 : i32
      %dma_start3A_141 = arith.constant 0 : i32
      %dma_start3A_142 = tpu.memref_slice %arg8[%add3A_140, %dma_start3A_141] : memref<80x125xi32, #tpu.memory_space<vmem>> -> memref<1x125xi32, #tpu.memory_space<vmem>>
      %dma_start3A_143 = tpu.memref_squeeze %dma_start3A_142 : memref<1x125xi32, #tpu.memory_space<vmem>> -> memref<125xi32, #tpu.memory_space<vmem>>
      %dma_start3A_144 = arith.constant 0 : i32
      %dma_start3A_145 = arith.constant 0 : i32
      %dma_start3A_146 = tpu.memref_slice %arg19[%dma_start3A_144, %dma_start3A_145] : memref<10000x16xf32, #tpu.memory_space<vmem_shared>> -> memref<10000x16xf32, #tpu.memory_space<vmem_shared>>
      tpu.enqueue_indirect_dma source(%arg9 : memref<125x16xf32, #tpu.memory_space<vmem>>) target(%dma_start3A_146 : memref<10000x16xf32, #tpu.memory_space<vmem_shared>>) offsets(%dma_start3A_143 : memref<125xi32, #tpu.memory_space<vmem>>) semaphore(%arg31 : memref<!tpu.dma_semaphore, #tpu.memory_space<semaphore_mem>>) {add = true}
      %add3A_147 = arith.constant 1 : i32
      %add3A_148 = arith.addi %add3A_130, %add3A_147 : i32
      %dma_wait3A_149 = arith.constant 0 : i32
      %dma_wait3A_150 = tpu.memref_slice %arg7[%add3A_148, %dma_wait3A_149] : memref<80x125xi32, #tpu.memory_space<vmem>> -> memref<1x125xi32, #tpu.memory_space<vmem>>
      %dma_wait3A_151 = tpu.memref_squeeze %dma_wait3A_150 : memref<1x125xi32, #tpu.memory_space<vmem>> -> memref<125xi32, #tpu.memory_space<vmem>>
      %dma_wait3A_152 = arith.constant 0 : i32
      %dma_wait3A_153 = arith.constant 0 : i32
      %dma_wait3A_154 = tpu.memref_slice %arg2[%dma_wait3A_152, %dma_wait3A_153] : memref<10000x16xf32, #tpu.memory_space<hbm>> -> memref<10000x16xf32, #tpu.memory_space<hbm>>
      tpu.wait_indirect_dma semaphore(%arg22 : memref<!tpu.dma_semaphore, #tpu.memory_space<semaphore_mem>>) src(%dma_wait3A_154 : memref<10000x16xf32, #tpu.memory_space<hbm>>) dst(%arg10 : memref<125x16xf32, #tpu.memory_space<vmem>>)
      %add3A_155 = arith.constant 1 : i32
      %add3A_156 = arith.addi %add3A_130, %add3A_155 : i32
      %dma_start3A_157 = arith.constant 0 : i32
      %dma_start3A_158 = tpu.memref_slice %arg8[%add3A_156, %dma_start3A_157] : memref<80x125xi32, #tpu.memory_space<vmem>> -> memref<1x125xi32, #tpu.memory_space<vmem>>
      %dma_start3A_159 = tpu.memref_squeeze %dma_start3A_158 : memref<1x125xi32, #tpu.memory_space<vmem>> -> memref<125xi32, #tpu.memory_space<vmem>>
      %dma_start3A_160 = arith.constant 0 : i32
      %dma_start3A_161 = arith.constant 0 : i32
      %dma_start3A_162 = tpu.memref_slice %arg19[%dma_start3A_160, %dma_start3A_161] : memref<10000x16xf32, #tpu.memory_space<vmem_shared>> -> memref<10000x16xf32, #tpu.memory_space<vmem_shared>>
      tpu.enqueue_indirect_dma source(%arg10 : memref<125x16xf32, #tpu.memory_space<vmem>>) target(%dma_start3A_162 : memref<10000x16xf32, #tpu.memory_space<vmem_shared>>) offsets(%dma_start3A_159 : memref<125xi32, #tpu.memory_space<vmem>>) semaphore(%arg32 : memref<!tpu.dma_semaphore, #tpu.memory_space<semaphore_mem>>) {add = true}
      %add3A_163 = arith.constant 2 : i32
      %add3A_164 = arith.addi %add3A_130, %add3A_163 : i32
      %dma_wait3A_165 = arith.constant 0 : i32
      %dma_wait3A_166 = tpu.memref_slice %arg7[%add3A_164, %dma_wait3A_165] : memref<80x125xi32, #tpu.memory_space<vmem>> -> memref<1x125xi32, #tpu.memory_space<vmem>>
      %dma_wait3A_167 = tpu.memref_squeeze %dma_wait3A_166 : memref<1x125xi32, #tpu.memory_space<vmem>> -> memref<125xi32, #tpu.memory_space<vmem>>
      %dma_wait3A_168 = arith.constant 0 : i32
      %dma_wait3A_169 = arith.constant 0 : i32
      %dma_wait3A_170 = tpu.memref_slice %arg2[%dma_wait3A_168, %dma_wait3A_169] : memref<10000x16xf32, #tpu.memory_space<hbm>> -> memref<10000x16xf32, #tpu.memory_space<hbm>>
      tpu.wait_indirect_dma semaphore(%arg23 : memref<!tpu.dma_semaphore, #tpu.memory_space<semaphore_mem>>) src(%dma_wait3A_170 : memref<10000x16xf32, #tpu.memory_space<hbm>>) dst(%arg11 : memref<125x16xf32, #tpu.memory_space<vmem>>)
      %add3A_171 = arith.constant 2 : i32
      %add3A_172 = arith.addi %add3A_130, %add3A_171 : i32
      %dma_start3A_173 = arith.constant 0 : i32
      %dma_start3A_174 = tpu.memref_slice %arg8[%add3A_172, %dma_start3A_173] : memref<80x125xi32, #tpu.memory_space<vmem>> -> memref<1x125xi32, #tpu.memory_space<vmem>>
      %dma_start3A_175 = tpu.memref_squeeze %dma_start3A_174 : memref<1x125xi32, #tpu.memory_space<vmem>> -> memref<125xi32, #tpu.memory_space<vmem>>
      %dma_start3A_176 = arith.constant 0 : i32
      %dma_start3A_177 = arith.constant 0 : i32
      %dma_start3A_178 = tpu.memref_slice %arg19[%dma_start3A_176, %dma_start3A_177] : memref<10000x16xf32, #tpu.memory_space<vmem_shared>> -> memref<10000x16xf32, #tpu.memory_space<vmem_shared>>
      tpu.enqueue_indirect_dma source(%arg11 : memref<125x16xf32, #tpu.memory_space<vmem>>) target(%dma_start3A_178 : memref<10000x16xf32, #tpu.memory_space<vmem_shared>>) offsets(%dma_start3A_175 : memref<125xi32, #tpu.memory_space<vmem>>) semaphore(%arg33 : memref<!tpu.dma_semaphore, #tpu.memory_space<semaphore_mem>>) {add = true}
      %add3A_179 = arith.constant 3 : i32
      %add3A_180 = arith.addi %add3A_130, %add3A_179 : i32
      %dma_wait3A_181 = arith.constant 0 : i32
      %dma_wait3A_182 = tpu.memref_slice %arg7[%add3A_180, %dma_wait3A_181] : memref<80x125xi32, #tpu.memory_space<vmem>> -> memref<1x125xi32, #tpu.memory_space<vmem>>
      %dma_wait3A_183 = tpu.memref_squeeze %dma_wait3A_182 : memref<1x125xi32, #tpu.memory_space<vmem>> -> memref<125xi32, #tpu.memory_space<vmem>>
      %dma_wait3A_184 = arith.constant 0 : i32
      %dma_wait3A_185 = arith.constant 0 : i32
      %dma_wait3A_186 = tpu.memref_slice %arg2[%dma_wait3A_184, %dma_wait3A_185] : memref<10000x16xf32, #tpu.memory_space<hbm>> -> memref<10000x16xf32, #tpu.memory_space<hbm>>
      tpu.wait_indirect_dma semaphore(%arg24 : memref<!tpu.dma_semaphore, #tpu.memory_space<semaphore_mem>>) src(%dma_wait3A_186 : memref<10000x16xf32, #tpu.memory_space<hbm>>) dst(%arg12 : memref<125x16xf32, #tpu.memory_space<vmem>>)
      %add3A_187 = arith.constant 3 : i32
      %add3A_188 = arith.addi %add3A_130, %add3A_187 : i32
      %dma_start3A_189 = arith.constant 0 : i32
      %dma_start3A_190 = tpu.memref_slice %arg8[%add3A_188, %dma_start3A_189] : memref<80x125xi32, #tpu.memory_space<vmem>> -> memref<1x125xi32, #tpu.memory_space<vmem>>
      %dma_start3A_191 = tpu.memref_squeeze %dma_start3A_190 : memref<1x125xi32, #tpu.memory_space<vmem>> -> memref<125xi32, #tpu.memory_space<vmem>>
      %dma_start3A_192 = arith.constant 0 : i32
      %dma_start3A_193 = arith.constant 0 : i32
      %dma_start3A_194 = tpu.memref_slice %arg19[%dma_start3A_192, %dma_start3A_193] : memref<10000x16xf32, #tpu.memory_space<vmem_shared>> -> memref<10000x16xf32, #tpu.memory_space<vmem_shared>>
      tpu.enqueue_indirect_dma source(%arg12 : memref<125x16xf32, #tpu.memory_space<vmem>>) target(%dma_start3A_194 : memref<10000x16xf32, #tpu.memory_space<vmem_shared>>) offsets(%dma_start3A_191 : memref<125xi32, #tpu.memory_space<vmem>>) semaphore(%arg34 : memref<!tpu.dma_semaphore, #tpu.memory_space<semaphore_mem>>) {add = true}
      %add3A_195 = arith.constant 4 : i32
      %add3A_196 = arith.addi %add3A_130, %add3A_195 : i32
      %dma_wait3A_197 = arith.constant 0 : i32
      %dma_wait3A_198 = tpu.memref_slice %arg7[%add3A_196, %dma_wait3A_197] : memref<80x125xi32, #tpu.memory_space<vmem>> -> memref<1x125xi32, #tpu.memory_space<vmem>>
      %dma_wait3A_199 = tpu.memref_squeeze %dma_wait3A_198 : memref<1x125xi32, #tpu.memory_space<vmem>> -> memref<125xi32, #tpu.memory_space<vmem>>
      %dma_wait3A_200 = arith.constant 0 : i32
      %dma_wait3A_201 = arith.constant 0 : i32
      %dma_wait3A_202 = tpu.memref_slice %arg2[%dma_wait3A_200, %dma_wait3A_201] : memref<10000x16xf32, #tpu.memory_space<hbm>> -> memref<10000x16xf32, #tpu.memory_space<hbm>>
      tpu.wait_indirect_dma semaphore(%arg25 : memref<!tpu.dma_semaphore, #tpu.memory_space<semaphore_mem>>) src(%dma_wait3A_202 : memref<10000x16xf32, #tpu.memory_space<hbm>>) dst(%arg13 : memref<125x16xf32, #tpu.memory_space<vmem>>)
      %add3A_203 = arith.constant 4 : i32
      %add3A_204 = arith.addi %add3A_130, %add3A_203 : i32
      %dma_start3A_205 = arith.constant 0 : i32
      %dma_start3A_206 = tpu.memref_slice %arg8[%add3A_204, %dma_start3A_205] : memref<80x125xi32, #tpu.memory_space<vmem>> -> memref<1x125xi32, #tpu.memory_space<vmem>>
      %dma_start3A_207 = tpu.memref_squeeze %dma_start3A_206 : memref<1x125xi32, #tpu.memory_space<vmem>> -> memref<125xi32, #tpu.memory_space<vmem>>
      %dma_start3A_208 = arith.constant 0 : i32
      %dma_start3A_209 = arith.constant 0 : i32
      %dma_start3A_210 = tpu.memref_slice %arg19[%dma_start3A_208, %dma_start3A_209] : memref<10000x16xf32, #tpu.memory_space<vmem_shared>> -> memref<10000x16xf32, #tpu.memory_space<vmem_shared>>
      tpu.enqueue_indirect_dma source(%arg13 : memref<125x16xf32, #tpu.memory_space<vmem>>) target(%dma_start3A_210 : memref<10000x16xf32, #tpu.memory_space<vmem_shared>>) offsets(%dma_start3A_207 : memref<125xi32, #tpu.memory_space<vmem>>) semaphore(%arg35 : memref<!tpu.dma_semaphore, #tpu.memory_space<semaphore_mem>>) {add = true}
      %add3A_211 = arith.constant 5 : i32
      %add3A_212 = arith.addi %add3A_130, %add3A_211 : i32
      %dma_wait3A_213 = arith.constant 0 : i32
      %dma_wait3A_214 = tpu.memref_slice %arg7[%add3A_212, %dma_wait3A_213] : memref<80x125xi32, #tpu.memory_space<vmem>> -> memref<1x125xi32, #tpu.memory_space<vmem>>
      %dma_wait3A_215 = tpu.memref_squeeze %dma_wait3A_214 : memref<1x125xi32, #tpu.memory_space<vmem>> -> memref<125xi32, #tpu.memory_space<vmem>>
      %dma_wait3A_216 = arith.constant 0 : i32
      %dma_wait3A_217 = arith.constant 0 : i32
      %dma_wait3A_218 = tpu.memref_slice %arg2[%dma_wait3A_216, %dma_wait3A_217] : memref<10000x16xf32, #tpu.memory_space<hbm>> -> memref<10000x16xf32, #tpu.memory_space<hbm>>
      tpu.wait_indirect_dma semaphore(%arg26 : memref<!tpu.dma_semaphore, #tpu.memory_space<semaphore_mem>>) src(%dma_wait3A_218 : memref<10000x16xf32, #tpu.memory_space<hbm>>) dst(%arg14 : memref<125x16xf32, #tpu.memory_space<vmem>>)
      %add3A_219 = arith.constant 5 : i32
      %add3A_220 = arith.addi %add3A_130, %add3A_219 : i32
      %dma_start3A_221 = arith.constant 0 : i32
      %dma_start3A_222 = tpu.memref_slice %arg8[%add3A_220, %dma_start3A_221] : memref<80x125xi32, #tpu.memory_space<vmem>> -> memref<1x125xi32, #tpu.memory_space<vmem>>
      %dma_start3A_223 = tpu.memref_squeeze %dma_start3A_222 : memref<1x125xi32, #tpu.memory_space<vmem>> -> memref<125xi32, #tpu.memory_space<vmem>>
      %dma_start3A_224 = arith.constant 0 : i32
      %dma_start3A_225 = arith.constant 0 : i32
      %dma_start3A_226 = tpu.memref_slice %arg19[%dma_start3A_224, %dma_start3A_225] : memref<10000x16xf32, #tpu.memory_space<vmem_shared>> -> memref<10000x16xf32, #tpu.memory_space<vmem_shared>>
      tpu.enqueue_indirect_dma source(%arg14 : memref<125x16xf32, #tpu.memory_space<vmem>>) target(%dma_start3A_226 : memref<10000x16xf32, #tpu.memory_space<vmem_shared>>) offsets(%dma_start3A_223 : memref<125xi32, #tpu.memory_space<vmem>>) semaphore(%arg36 : memref<!tpu.dma_semaphore, #tpu.memory_space<semaphore_mem>>) {add = true}
      %add3A_227 = arith.constant 6 : i32
      %add3A_228 = arith.addi %add3A_130, %add3A_227 : i32
      %dma_wait3A_229 = arith.constant 0 : i32
      %dma_wait3A_230 = tpu.memref_slice %arg7[%add3A_228, %dma_wait3A_229] : memref<80x125xi32, #tpu.memory_space<vmem>> -> memref<1x125xi32, #tpu.memory_space<vmem>>
      %dma_wait3A_231 = tpu.memref_squeeze %dma_wait3A_230 : memref<1x125xi32, #tpu.memory_space<vmem>> -> memref<125xi32, #tpu.memory_space<vmem>>
      %dma_wait3A_232 = arith.constant 0 : i32
      %dma_wait3A_233 = arith.constant 0 : i32
      %dma_wait3A_234 = tpu.memref_slice %arg2[%dma_wait3A_232, %dma_wait3A_233] : memref<10000x16xf32, #tpu.memory_space<hbm>> -> memref<10000x16xf32, #tpu.memory_space<hbm>>
      tpu.wait_indirect_dma semaphore(%arg27 : memref<!tpu.dma_semaphore, #tpu.memory_space<semaphore_mem>>) src(%dma_wait3A_234 : memref<10000x16xf32, #tpu.memory_space<hbm>>) dst(%arg15 : memref<125x16xf32, #tpu.memory_space<vmem>>)
      %add3A_235 = arith.constant 6 : i32
      %add3A_236 = arith.addi %add3A_130, %add3A_235 : i32
      %dma_start3A_237 = arith.constant 0 : i32
      %dma_start3A_238 = tpu.memref_slice %arg8[%add3A_236, %dma_start3A_237] : memref<80x125xi32, #tpu.memory_space<vmem>> -> memref<1x125xi32, #tpu.memory_space<vmem>>
      %dma_start3A_239 = tpu.memref_squeeze %dma_start3A_238 : memref<1x125xi32, #tpu.memory_space<vmem>> -> memref<125xi32, #tpu.memory_space<vmem>>
      %dma_start3A_240 = arith.constant 0 : i32
      %dma_start3A_241 = arith.constant 0 : i32
      %dma_start3A_242 = tpu.memref_slice %arg19[%dma_start3A_240, %dma_start3A_241] : memref<10000x16xf32, #tpu.memory_space<vmem_shared>> -> memref<10000x16xf32, #tpu.memory_space<vmem_shared>>
      tpu.enqueue_indirect_dma source(%arg15 : memref<125x16xf32, #tpu.memory_space<vmem>>) target(%dma_start3A_242 : memref<10000x16xf32, #tpu.memory_space<vmem_shared>>) offsets(%dma_start3A_239 : memref<125xi32, #tpu.memory_space<vmem>>) semaphore(%arg37 : memref<!tpu.dma_semaphore, #tpu.memory_space<semaphore_mem>>) {add = true}
      %add3A_243 = arith.constant 7 : i32
      %add3A_244 = arith.addi %add3A_130, %add3A_243 : i32
      %dma_wait3A_245 = arith.constant 0 : i32
      %dma_wait3A_246 = tpu.memref_slice %arg7[%add3A_244, %dma_wait3A_245] : memref<80x125xi32, #tpu.memory_space<vmem>> -> memref<1x125xi32, #tpu.memory_space<vmem>>
      %dma_wait3A_247 = tpu.memref_squeeze %dma_wait3A_246 : memref<1x125xi32, #tpu.memory_space<vmem>> -> memref<125xi32, #tpu.memory_space<vmem>>
      %dma_wait3A_248 = arith.constant 0 : i32
      %dma_wait3A_249 = arith.constant 0 : i32
      %dma_wait3A_250 = tpu.memref_slice %arg2[%dma_wait3A_248, %dma_wait3A_249] : memref<10000x16xf32, #tpu.memory_space<hbm>> -> memref<10000x16xf32, #tpu.memory_space<hbm>>
      tpu.wait_indirect_dma semaphore(%arg28 : memref<!tpu.dma_semaphore, #tpu.memory_space<semaphore_mem>>) src(%dma_wait3A_250 : memref<10000x16xf32, #tpu.memory_space<hbm>>) dst(%arg16 : memref<125x16xf32, #tpu.memory_space<vmem>>)
      %add3A_251 = arith.constant 7 : i32
      %add3A_252 = arith.addi %add3A_130, %add3A_251 : i32
      %dma_start3A_253 = arith.constant 0 : i32
      %dma_start3A_254 = tpu.memref_slice %arg8[%add3A_252, %dma_start3A_253] : memref<80x125xi32, #tpu.memory_space<vmem>> -> memref<1x125xi32, #tpu.memory_space<vmem>>
      %dma_start3A_255 = tpu.memref_squeeze %dma_start3A_254 : memref<1x125xi32, #tpu.memory_space<vmem>> -> memref<125xi32, #tpu.memory_space<vmem>>
      %dma_start3A_256 = arith.constant 0 : i32
      %dma_start3A_257 = arith.constant 0 : i32
      %dma_start3A_258 = tpu.memref_slice %arg19[%dma_start3A_256, %dma_start3A_257] : memref<10000x16xf32, #tpu.memory_space<vmem_shared>> -> memref<10000x16xf32, #tpu.memory_space<vmem_shared>>
      tpu.enqueue_indirect_dma source(%arg16 : memref<125x16xf32, #tpu.memory_space<vmem>>) target(%dma_start3A_258 : memref<10000x16xf32, #tpu.memory_space<vmem_shared>>) offsets(%dma_start3A_255 : memref<125xi32, #tpu.memory_space<vmem>>) semaphore(%arg38 : memref<!tpu.dma_semaphore, #tpu.memory_space<semaphore_mem>>) {add = true}
      %add3A_259 = arith.constant 8 : i32
      %add3A_260 = arith.addi %add3A_130, %add3A_259 : i32
      %dma_wait3A_261 = arith.constant 0 : i32
      %dma_wait3A_262 = tpu.memref_slice %arg7[%add3A_260, %dma_wait3A_261] : memref<80x125xi32, #tpu.memory_space<vmem>> -> memref<1x125xi32, #tpu.memory_space<vmem>>
      %dma_wait3A_263 = tpu.memref_squeeze %dma_wait3A_262 : memref<1x125xi32, #tpu.memory_space<vmem>> -> memref<125xi32, #tpu.memory_space<vmem>>
      %dma_wait3A_264 = arith.constant 0 : i32
      %dma_wait3A_265 = arith.constant 0 : i32
      %dma_wait3A_266 = tpu.memref_slice %arg2[%dma_wait3A_264, %dma_wait3A_265] : memref<10000x16xf32, #tpu.memory_space<hbm>> -> memref<10000x16xf32, #tpu.memory_space<hbm>>
      tpu.wait_indirect_dma semaphore(%arg29 : memref<!tpu.dma_semaphore, #tpu.memory_space<semaphore_mem>>) src(%dma_wait3A_266 : memref<10000x16xf32, #tpu.memory_space<hbm>>) dst(%arg17 : memref<125x16xf32, #tpu.memory_space<vmem>>)
      %add3A_267 = arith.constant 8 : i32
      %add3A_268 = arith.addi %add3A_130, %add3A_267 : i32
      %dma_start3A_269 = arith.constant 0 : i32
      %dma_start3A_270 = tpu.memref_slice %arg8[%add3A_268, %dma_start3A_269] : memref<80x125xi32, #tpu.memory_space<vmem>> -> memref<1x125xi32, #tpu.memory_space<vmem>>
      %dma_start3A_271 = tpu.memref_squeeze %dma_start3A_270 : memref<1x125xi32, #tpu.memory_space<vmem>> -> memref<125xi32, #tpu.memory_space<vmem>>
      %dma_start3A_272 = arith.constant 0 : i32
      %dma_start3A_273 = arith.constant 0 : i32
      %dma_start3A_274 = tpu.memref_slice %arg19[%dma_start3A_272, %dma_start3A_273] : memref<10000x16xf32, #tpu.memory_space<vmem_shared>> -> memref<10000x16xf32, #tpu.memory_space<vmem_shared>>
      tpu.enqueue_indirect_dma source(%arg17 : memref<125x16xf32, #tpu.memory_space<vmem>>) target(%dma_start3A_274 : memref<10000x16xf32, #tpu.memory_space<vmem_shared>>) offsets(%dma_start3A_271 : memref<125xi32, #tpu.memory_space<vmem>>) semaphore(%arg39 : memref<!tpu.dma_semaphore, #tpu.memory_space<semaphore_mem>>) {add = true}
      %add3A_275 = arith.constant 9 : i32
      %add3A_276 = arith.addi %add3A_130, %add3A_275 : i32
      %dma_wait3A_277 = arith.constant 0 : i32
      %dma_wait3A_278 = tpu.memref_slice %arg7[%add3A_276, %dma_wait3A_277] : memref<80x125xi32, #tpu.memory_space<vmem>> -> memref<1x125xi32, #tpu.memory_space<vmem>>
      %dma_wait3A_279 = tpu.memref_squeeze %dma_wait3A_278 : memref<1x125xi32, #tpu.memory_space<vmem>> -> memref<125xi32, #tpu.memory_space<vmem>>
      %dma_wait3A_280 = arith.constant 0 : i32
      %dma_wait3A_281 = arith.constant 0 : i32
      %dma_wait3A_282 = tpu.memref_slice %arg2[%dma_wait3A_280, %dma_wait3A_281] : memref<10000x16xf32, #tpu.memory_space<hbm>> -> memref<10000x16xf32, #tpu.memory_space<hbm>>
      tpu.wait_indirect_dma semaphore(%arg30 : memref<!tpu.dma_semaphore, #tpu.memory_space<semaphore_mem>>) src(%dma_wait3A_282 : memref<10000x16xf32, #tpu.memory_space<hbm>>) dst(%arg18 : memref<125x16xf32, #tpu.memory_space<vmem>>)
      %add3A_283 = arith.constant 9 : i32
      %add3A_284 = arith.addi %add3A_130, %add3A_283 : i32
      %dma_start3A_285 = arith.constant 0 : i32
      %dma_start3A_286 = tpu.memref_slice %arg8[%add3A_284, %dma_start3A_285] : memref<80x125xi32, #tpu.memory_space<vmem>> -> memref<1x125xi32, #tpu.memory_space<vmem>>
      %dma_start3A_287 = tpu.memref_squeeze %dma_start3A_286 : memref<1x125xi32, #tpu.memory_space<vmem>> -> memref<125xi32, #tpu.memory_space<vmem>>
      %dma_start3A_288 = arith.constant 0 : i32
      %dma_start3A_289 = arith.constant 0 : i32
      %dma_start3A_290 = tpu.memref_slice %arg19[%dma_start3A_288, %dma_start3A_289] : memref<10000x16xf32, #tpu.memory_space<vmem_shared>> -> memref<10000x16xf32, #tpu.memory_space<vmem_shared>>
      tpu.enqueue_indirect_dma source(%arg18 : memref<125x16xf32, #tpu.memory_space<vmem>>) target(%dma_start3A_290 : memref<10000x16xf32, #tpu.memory_space<vmem_shared>>) offsets(%dma_start3A_287 : memref<125xi32, #tpu.memory_space<vmem>>) semaphore(%arg40 : memref<!tpu.dma_semaphore, #tpu.memory_space<semaphore_mem>>) {add = true}
      %add3A_291 = arith.constant 0 : i32
      %add3A_292 = arith.addi %add3A_130, %add3A_291 : i32
      %dma_wait3A_293 = arith.constant 0 : i32
      %dma_wait3A_294 = tpu.memref_slice %arg8[%add3A_292, %dma_wait3A_293] : memref<80x125xi32, #tpu.memory_space<vmem>> -> memref<1x125xi32, #tpu.memory_space<vmem>>
      %dma_wait3A_295 = tpu.memref_squeeze %dma_wait3A_294 : memref<1x125xi32, #tpu.memory_space<vmem>> -> memref<125xi32, #tpu.memory_space<vmem>>
      %dma_wait3A_296 = arith.constant 0 : i32
      %dma_wait3A_297 = arith.constant 0 : i32
      %dma_wait3A_298 = tpu.memref_slice %arg19[%dma_wait3A_296, %dma_wait3A_297] : memref<10000x16xf32, #tpu.memory_space<vmem_shared>> -> memref<10000x16xf32, #tpu.memory_space<vmem_shared>>
      tpu.wait_indirect_dma semaphore(%arg31 : memref<!tpu.dma_semaphore, #tpu.memory_space<semaphore_mem>>) src(%arg9 : memref<125x16xf32, #tpu.memory_space<vmem>>) dst(%dma_wait3A_298 : memref<10000x16xf32, #tpu.memory_space<vmem_shared>>)
      %add3A_299 = arith.constant 0 : i32
      %add3A_300 = arith.addi %add3A_130, %add3A_299 : i32
      %add3A_301 = arith.constant 10 : i32
      %add3A_302 = arith.addi %add3A_300, %add3A_301 : i32
      %lt3A = arith.constant 80 : i32
      %lt3A_303 = arith.cmpi slt, %add3A_302, %lt3A : i32
      %convert_element_type3A_304 = arith.extui %lt3A_303 : i1 to i32
      %cond3A_305 = arith.constant 0 : i32
      %cond3A_306 = arith.cmpi ne, %convert_element_type3A_304, %cond3A_305 : i32
      scf.if %cond3A_306 {
        %dma_start3A_460 = arith.constant 0 : i32
        %dma_start3A_461 = tpu.memref_slice %arg7[%add3A_302, %dma_start3A_460] : memref<80x125xi32, #tpu.memory_space<vmem>> -> memref<1x125xi32, #tpu.memory_space<vmem>>
        %dma_start3A_462 = tpu.memref_squeeze %dma_start3A_461 : memref<1x125xi32, #tpu.memory_space<vmem>> -> memref<125xi32, #tpu.memory_space<vmem>>
        %dma_start3A_463 = arith.constant 0 : i32
        %dma_start3A_464 = arith.constant 0 : i32
        %dma_start3A_465 = tpu.memref_slice %arg2[%dma_start3A_463, %dma_start3A_464] : memref<10000x16xf32, #tpu.memory_space<hbm>> -> memref<10000x16xf32, #tpu.memory_space<hbm>>
        tpu.enqueue_indirect_dma source(%dma_start3A_465 : memref<10000x16xf32, #tpu.memory_space<hbm>>) target(%arg9 : memref<125x16xf32, #tpu.memory_space<vmem>>) offsets(%dma_start3A_462 : memref<125xi32, #tpu.memory_space<vmem>>) semaphore(%arg21 : memref<!tpu.dma_semaphore, #tpu.memory_space<semaphore_mem>>)
      } else {
      }
      %add3A_307 = arith.constant 1 : i32
      %add3A_308 = arith.addi %add3A_130, %add3A_307 : i32
      %dma_wait3A_309 = arith.constant 0 : i32
      %dma_wait3A_310 = tpu.memref_slice %arg8[%add3A_308, %dma_wait3A_309] : memref<80x125xi32, #tpu.memory_space<vmem>> -> memref<1x125xi32, #tpu.memory_space<vmem>>
      %dma_wait3A_311 = tpu.memref_squeeze %dma_wait3A_310 : memref<1x125xi32, #tpu.memory_space<vmem>> -> memref<125xi32, #tpu.memory_space<vmem>>
      %dma_wait3A_312 = arith.constant 0 : i32
      %dma_wait3A_313 = arith.constant 0 : i32
      %dma_wait3A_314 = tpu.memref_slice %arg19[%dma_wait3A_312, %dma_wait3A_313] : memref<10000x16xf32, #tpu.memory_space<vmem_shared>> -> memref<10000x16xf32, #tpu.memory_space<vmem_shared>>
      tpu.wait_indirect_dma semaphore(%arg32 : memref<!tpu.dma_semaphore, #tpu.memory_space<semaphore_mem>>) src(%arg10 : memref<125x16xf32, #tpu.memory_space<vmem>>) dst(%dma_wait3A_314 : memref<10000x16xf32, #tpu.memory_space<vmem_shared>>)
      %add3A_315 = arith.constant 1 : i32
      %add3A_316 = arith.addi %add3A_130, %add3A_315 : i32
      %add3A_317 = arith.constant 10 : i32
      %add3A_318 = arith.addi %add3A_316, %add3A_317 : i32
      %lt3A_319 = arith.constant 80 : i32
      %lt3A_320 = arith.cmpi slt, %add3A_318, %lt3A_319 : i32
      %convert_element_type3A_321 = arith.extui %lt3A_320 : i1 to i32
      %cond3A_322 = arith.constant 0 : i32
      %cond3A_323 = arith.cmpi ne, %convert_element_type3A_321, %cond3A_322 : i32
      scf.if %cond3A_323 {
        %dma_start3A_460 = arith.constant 0 : i32
        %dma_start3A_461 = tpu.memref_slice %arg7[%add3A_318, %dma_start3A_460] : memref<80x125xi32, #tpu.memory_space<vmem>> -> memref<1x125xi32, #tpu.memory_space<vmem>>
        %dma_start3A_462 = tpu.memref_squeeze %dma_start3A_461 : memref<1x125xi32, #tpu.memory_space<vmem>> -> memref<125xi32, #tpu.memory_space<vmem>>
        %dma_start3A_463 = arith.constant 0 : i32
        %dma_start3A_464 = arith.constant 0 : i32
        %dma_start3A_465 = tpu.memref_slice %arg2[%dma_start3A_463, %dma_start3A_464] : memref<10000x16xf32, #tpu.memory_space<hbm>> -> memref<10000x16xf32, #tpu.memory_space<hbm>>
        tpu.enqueue_indirect_dma source(%dma_start3A_465 : memref<10000x16xf32, #tpu.memory_space<hbm>>) target(%arg10 : memref<125x16xf32, #tpu.memory_space<vmem>>) offsets(%dma_start3A_462 : memref<125xi32, #tpu.memory_space<vmem>>) semaphore(%arg22 : memref<!tpu.dma_semaphore, #tpu.memory_space<semaphore_mem>>)
      } else {
      }
      %add3A_324 = arith.constant 2 : i32
      %add3A_325 = arith.addi %add3A_130, %add3A_324 : i32
      %dma_wait3A_326 = arith.constant 0 : i32
      %dma_wait3A_327 = tpu.memref_slice %arg8[%add3A_325, %dma_wait3A_326] : memref<80x125xi32, #tpu.memory_space<vmem>> -> memref<1x125xi32, #tpu.memory_space<vmem>>
      %dma_wait3A_328 = tpu.memref_squeeze %dma_wait3A_327 : memref<1x125xi32, #tpu.memory_space<vmem>> -> memref<125xi32, #tpu.memory_space<vmem>>
      %dma_wait3A_329 = arith.constant 0 : i32
      %dma_wait3A_330 = arith.constant 0 : i32
      %dma_wait3A_331 = tpu.memref_slice %arg19[%dma_wait3A_329, %dma_wait3A_330] : memref<10000x16xf32, #tpu.memory_space<vmem_shared>> -> memref<10000x16xf32, #tpu.memory_space<vmem_shared>>
      tpu.wait_indirect_dma semaphore(%arg33 : memref<!tpu.dma_semaphore, #tpu.memory_space<semaphore_mem>>) src(%arg11 : memref<125x16xf32, #tpu.memory_space<vmem>>) dst(%dma_wait3A_331 : memref<10000x16xf32, #tpu.memory_space<vmem_shared>>)
      %add3A_332 = arith.constant 2 : i32
      %add3A_333 = arith.addi %add3A_130, %add3A_332 : i32
      %add3A_334 = arith.constant 10 : i32
      %add3A_335 = arith.addi %add3A_333, %add3A_334 : i32
      %lt3A_336 = arith.constant 80 : i32
      %lt3A_337 = arith.cmpi slt, %add3A_335, %lt3A_336 : i32
      %convert_element_type3A_338 = arith.extui %lt3A_337 : i1 to i32
      %cond3A_339 = arith.constant 0 : i32
      %cond3A_340 = arith.cmpi ne, %convert_element_type3A_338, %cond3A_339 : i32
      scf.if %cond3A_340 {
        %dma_start3A_460 = arith.constant 0 : i32
        %dma_start3A_461 = tpu.memref_slice %arg7[%add3A_335, %dma_start3A_460] : memref<80x125xi32, #tpu.memory_space<vmem>> -> memref<1x125xi32, #tpu.memory_space<vmem>>
        %dma_start3A_462 = tpu.memref_squeeze %dma_start3A_461 : memref<1x125xi32, #tpu.memory_space<vmem>> -> memref<125xi32, #tpu.memory_space<vmem>>
        %dma_start3A_463 = arith.constant 0 : i32
        %dma_start3A_464 = arith.constant 0 : i32
        %dma_start3A_465 = tpu.memref_slice %arg2[%dma_start3A_463, %dma_start3A_464] : memref<10000x16xf32, #tpu.memory_space<hbm>> -> memref<10000x16xf32, #tpu.memory_space<hbm>>
        tpu.enqueue_indirect_dma source(%dma_start3A_465 : memref<10000x16xf32, #tpu.memory_space<hbm>>) target(%arg11 : memref<125x16xf32, #tpu.memory_space<vmem>>) offsets(%dma_start3A_462 : memref<125xi32, #tpu.memory_space<vmem>>) semaphore(%arg23 : memref<!tpu.dma_semaphore, #tpu.memory_space<semaphore_mem>>)
      } else {
      }
      %add3A_341 = arith.constant 3 : i32
      %add3A_342 = arith.addi %add3A_130, %add3A_341 : i32
      %dma_wait3A_343 = arith.constant 0 : i32
      %dma_wait3A_344 = tpu.memref_slice %arg8[%add3A_342, %dma_wait3A_343] : memref<80x125xi32, #tpu.memory_space<vmem>> -> memref<1x125xi32, #tpu.memory_space<vmem>>
      %dma_wait3A_345 = tpu.memref_squeeze %dma_wait3A_344 : memref<1x125xi32, #tpu.memory_space<vmem>> -> memref<125xi32, #tpu.memory_space<vmem>>
      %dma_wait3A_346 = arith.constant 0 : i32
      %dma_wait3A_347 = arith.constant 0 : i32
      %dma_wait3A_348 = tpu.memref_slice %arg19[%dma_wait3A_346, %dma_wait3A_347] : memref<10000x16xf32, #tpu.memory_space<vmem_shared>> -> memref<10000x16xf32, #tpu.memory_space<vmem_shared>>
      tpu.wait_indirect_dma semaphore(%arg34 : memref<!tpu.dma_semaphore, #tpu.memory_space<semaphore_mem>>) src(%arg12 : memref<125x16xf32, #tpu.memory_space<vmem>>) dst(%dma_wait3A_348 : memref<10000x16xf32, #tpu.memory_space<vmem_shared>>)
      %add3A_349 = arith.constant 3 : i32
      %add3A_350 = arith.addi %add3A_130, %add3A_349 : i32
      %add3A_351 = arith.constant 10 : i32
      %add3A_352 = arith.addi %add3A_350, %add3A_351 : i32
      %lt3A_353 = arith.constant 80 : i32
      %lt3A_354 = arith.cmpi slt, %add3A_352, %lt3A_353 : i32
      %convert_element_type3A_355 = arith.extui %lt3A_354 : i1 to i32
      %cond3A_356 = arith.constant 0 : i32
      %cond3A_357 = arith.cmpi ne, %convert_element_type3A_355, %cond3A_356 : i32
      scf.if %cond3A_357 {
        %dma_start3A_460 = arith.constant 0 : i32
        %dma_start3A_461 = tpu.memref_slice %arg7[%add3A_352, %dma_start3A_460] : memref<80x125xi32, #tpu.memory_space<vmem>> -> memref<1x125xi32, #tpu.memory_space<vmem>>
        %dma_start3A_462 = tpu.memref_squeeze %dma_start3A_461 : memref<1x125xi32, #tpu.memory_space<vmem>> -> memref<125xi32, #tpu.memory_space<vmem>>
        %dma_start3A_463 = arith.constant 0 : i32
        %dma_start3A_464 = arith.constant 0 : i32
        %dma_start3A_465 = tpu.memref_slice %arg2[%dma_start3A_463, %dma_start3A_464] : memref<10000x16xf32, #tpu.memory_space<hbm>> -> memref<10000x16xf32, #tpu.memory_space<hbm>>
        tpu.enqueue_indirect_dma source(%dma_start3A_465 : memref<10000x16xf32, #tpu.memory_space<hbm>>) target(%arg12 : memref<125x16xf32, #tpu.memory_space<vmem>>) offsets(%dma_start3A_462 : memref<125xi32, #tpu.memory_space<vmem>>) semaphore(%arg24 : memref<!tpu.dma_semaphore, #tpu.memory_space<semaphore_mem>>)
      } else {
      }
      %add3A_358 = arith.constant 4 : i32
      %add3A_359 = arith.addi %add3A_130, %add3A_358 : i32
      %dma_wait3A_360 = arith.constant 0 : i32
      %dma_wait3A_361 = tpu.memref_slice %arg8[%add3A_359, %dma_wait3A_360] : memref<80x125xi32, #tpu.memory_space<vmem>> -> memref<1x125xi32, #tpu.memory_space<vmem>>
      %dma_wait3A_362 = tpu.memref_squeeze %dma_wait3A_361 : memref<1x125xi32, #tpu.memory_space<vmem>> -> memref<125xi32, #tpu.memory_space<vmem>>
      %dma_wait3A_363 = arith.constant 0 : i32
      %dma_wait3A_364 = arith.constant 0 : i32
      %dma_wait3A_365 = tpu.memref_slice %arg19[%dma_wait3A_363, %dma_wait3A_364] : memref<10000x16xf32, #tpu.memory_space<vmem_shared>> -> memref<10000x16xf32, #tpu.memory_space<vmem_shared>>
      tpu.wait_indirect_dma semaphore(%arg35 : memref<!tpu.dma_semaphore, #tpu.memory_space<semaphore_mem>>) src(%arg13 : memref<125x16xf32, #tpu.memory_space<vmem>>) dst(%dma_wait3A_365 : memref<10000x16xf32, #tpu.memory_space<vmem_shared>>)
      %add3A_366 = arith.constant 4 : i32
      %add3A_367 = arith.addi %add3A_130, %add3A_366 : i32
      %add3A_368 = arith.constant 10 : i32
      %add3A_369 = arith.addi %add3A_367, %add3A_368 : i32
      %lt3A_370 = arith.constant 80 : i32
      %lt3A_371 = arith.cmpi slt, %add3A_369, %lt3A_370 : i32
      %convert_element_type3A_372 = arith.extui %lt3A_371 : i1 to i32
      %cond3A_373 = arith.constant 0 : i32
      %cond3A_374 = arith.cmpi ne, %convert_element_type3A_372, %cond3A_373 : i32
      scf.if %cond3A_374 {
        %dma_start3A_460 = arith.constant 0 : i32
        %dma_start3A_461 = tpu.memref_slice %arg7[%add3A_369, %dma_start3A_460] : memref<80x125xi32, #tpu.memory_space<vmem>> -> memref<1x125xi32, #tpu.memory_space<vmem>>
        %dma_start3A_462 = tpu.memref_squeeze %dma_start3A_461 : memref<1x125xi32, #tpu.memory_space<vmem>> -> memref<125xi32, #tpu.memory_space<vmem>>
        %dma_start3A_463 = arith.constant 0 : i32
        %dma_start3A_464 = arith.constant 0 : i32
        %dma_start3A_465 = tpu.memref_slice %arg2[%dma_start3A_463, %dma_start3A_464] : memref<10000x16xf32, #tpu.memory_space<hbm>> -> memref<10000x16xf32, #tpu.memory_space<hbm>>
        tpu.enqueue_indirect_dma source(%dma_start3A_465 : memref<10000x16xf32, #tpu.memory_space<hbm>>) target(%arg13 : memref<125x16xf32, #tpu.memory_space<vmem>>) offsets(%dma_start3A_462 : memref<125xi32, #tpu.memory_space<vmem>>) semaphore(%arg25 : memref<!tpu.dma_semaphore, #tpu.memory_space<semaphore_mem>>)
      } else {
      }
      %add3A_375 = arith.constant 5 : i32
      %add3A_376 = arith.addi %add3A_130, %add3A_375 : i32
      %dma_wait3A_377 = arith.constant 0 : i32
      %dma_wait3A_378 = tpu.memref_slice %arg8[%add3A_376, %dma_wait3A_377] : memref<80x125xi32, #tpu.memory_space<vmem>> -> memref<1x125xi32, #tpu.memory_space<vmem>>
      %dma_wait3A_379 = tpu.memref_squeeze %dma_wait3A_378 : memref<1x125xi32, #tpu.memory_space<vmem>> -> memref<125xi32, #tpu.memory_space<vmem>>
      %dma_wait3A_380 = arith.constant 0 : i32
      %dma_wait3A_381 = arith.constant 0 : i32
      %dma_wait3A_382 = tpu.memref_slice %arg19[%dma_wait3A_380, %dma_wait3A_381] : memref<10000x16xf32, #tpu.memory_space<vmem_shared>> -> memref<10000x16xf32, #tpu.memory_space<vmem_shared>>
      tpu.wait_indirect_dma semaphore(%arg36 : memref<!tpu.dma_semaphore, #tpu.memory_space<semaphore_mem>>) src(%arg14 : memref<125x16xf32, #tpu.memory_space<vmem>>) dst(%dma_wait3A_382 : memref<10000x16xf32, #tpu.memory_space<vmem_shared>>)
      %add3A_383 = arith.constant 5 : i32
      %add3A_384 = arith.addi %add3A_130, %add3A_383 : i32
      %add3A_385 = arith.constant 10 : i32
      %add3A_386 = arith.addi %add3A_384, %add3A_385 : i32
      %lt3A_387 = arith.constant 80 : i32
      %lt3A_388 = arith.cmpi slt, %add3A_386, %lt3A_387 : i32
      %convert_element_type3A_389 = arith.extui %lt3A_388 : i1 to i32
      %cond3A_390 = arith.constant 0 : i32
      %cond3A_391 = arith.cmpi ne, %convert_element_type3A_389, %cond3A_390 : i32
      scf.if %cond3A_391 {
        %dma_start3A_460 = arith.constant 0 : i32
        %dma_start3A_461 = tpu.memref_slice %arg7[%add3A_386, %dma_start3A_460] : memref<80x125xi32, #tpu.memory_space<vmem>> -> memref<1x125xi32, #tpu.memory_space<vmem>>
        %dma_start3A_462 = tpu.memref_squeeze %dma_start3A_461 : memref<1x125xi32, #tpu.memory_space<vmem>> -> memref<125xi32, #tpu.memory_space<vmem>>
        %dma_start3A_463 = arith.constant 0 : i32
        %dma_start3A_464 = arith.constant 0 : i32
        %dma_start3A_465 = tpu.memref_slice %arg2[%dma_start3A_463, %dma_start3A_464] : memref<10000x16xf32, #tpu.memory_space<hbm>> -> memref<10000x16xf32, #tpu.memory_space<hbm>>
        tpu.enqueue_indirect_dma source(%dma_start3A_465 : memref<10000x16xf32, #tpu.memory_space<hbm>>) target(%arg14 : memref<125x16xf32, #tpu.memory_space<vmem>>) offsets(%dma_start3A_462 : memref<125xi32, #tpu.memory_space<vmem>>) semaphore(%arg26 : memref<!tpu.dma_semaphore, #tpu.memory_space<semaphore_mem>>)
      } else {
      }
      %add3A_392 = arith.constant 6 : i32
      %add3A_393 = arith.addi %add3A_130, %add3A_392 : i32
      %dma_wait3A_394 = arith.constant 0 : i32
      %dma_wait3A_395 = tpu.memref_slice %arg8[%add3A_393, %dma_wait3A_394] : memref<80x125xi32, #tpu.memory_space<vmem>> -> memref<1x125xi32, #tpu.memory_space<vmem>>
      %dma_wait3A_396 = tpu.memref_squeeze %dma_wait3A_395 : memref<1x125xi32, #tpu.memory_space<vmem>> -> memref<125xi32, #tpu.memory_space<vmem>>
      %dma_wait3A_397 = arith.constant 0 : i32
      %dma_wait3A_398 = arith.constant 0 : i32
      %dma_wait3A_399 = tpu.memref_slice %arg19[%dma_wait3A_397, %dma_wait3A_398] : memref<10000x16xf32, #tpu.memory_space<vmem_shared>> -> memref<10000x16xf32, #tpu.memory_space<vmem_shared>>
      tpu.wait_indirect_dma semaphore(%arg37 : memref<!tpu.dma_semaphore, #tpu.memory_space<semaphore_mem>>) src(%arg15 : memref<125x16xf32, #tpu.memory_space<vmem>>) dst(%dma_wait3A_399 : memref<10000x16xf32, #tpu.memory_space<vmem_shared>>)
      %add3A_400 = arith.constant 6 : i32
      %add3A_401 = arith.addi %add3A_130, %add3A_400 : i32
      %add3A_402 = arith.constant 10 : i32
      %add3A_403 = arith.addi %add3A_401, %add3A_402 : i32
      %lt3A_404 = arith.constant 80 : i32
      %lt3A_405 = arith.cmpi slt, %add3A_403, %lt3A_404 : i32
      %convert_element_type3A_406 = arith.extui %lt3A_405 : i1 to i32
      %cond3A_407 = arith.constant 0 : i32
      %cond3A_408 = arith.cmpi ne, %convert_element_type3A_406, %cond3A_407 : i32
      scf.if %cond3A_408 {
        %dma_start3A_460 = arith.constant 0 : i32
        %dma_start3A_461 = tpu.memref_slice %arg7[%add3A_403, %dma_start3A_460] : memref<80x125xi32, #tpu.memory_space<vmem>> -> memref<1x125xi32, #tpu.memory_space<vmem>>
        %dma_start3A_462 = tpu.memref_squeeze %dma_start3A_461 : memref<1x125xi32, #tpu.memory_space<vmem>> -> memref<125xi32, #tpu.memory_space<vmem>>
        %dma_start3A_463 = arith.constant 0 : i32
        %dma_start3A_464 = arith.constant 0 : i32
        %dma_start3A_465 = tpu.memref_slice %arg2[%dma_start3A_463, %dma_start3A_464] : memref<10000x16xf32, #tpu.memory_space<hbm>> -> memref<10000x16xf32, #tpu.memory_space<hbm>>
        tpu.enqueue_indirect_dma source(%dma_start3A_465 : memref<10000x16xf32, #tpu.memory_space<hbm>>) target(%arg15 : memref<125x16xf32, #tpu.memory_space<vmem>>) offsets(%dma_start3A_462 : memref<125xi32, #tpu.memory_space<vmem>>) semaphore(%arg27 : memref<!tpu.dma_semaphore, #tpu.memory_space<semaphore_mem>>)
      } else {
      }
      %add3A_409 = arith.constant 7 : i32
      %add3A_410 = arith.addi %add3A_130, %add3A_409 : i32
      %dma_wait3A_411 = arith.constant 0 : i32
      %dma_wait3A_412 = tpu.memref_slice %arg8[%add3A_410, %dma_wait3A_411] : memref<80x125xi32, #tpu.memory_space<vmem>> -> memref<1x125xi32, #tpu.memory_space<vmem>>
      %dma_wait3A_413 = tpu.memref_squeeze %dma_wait3A_412 : memref<1x125xi32, #tpu.memory_space<vmem>> -> memref<125xi32, #tpu.memory_space<vmem>>
      %dma_wait3A_414 = arith.constant 0 : i32
      %dma_wait3A_415 = arith.constant 0 : i32
      %dma_wait3A_416 = tpu.memref_slice %arg19[%dma_wait3A_414, %dma_wait3A_415] : memref<10000x16xf32, #tpu.memory_space<vmem_shared>> -> memref<10000x16xf32, #tpu.memory_space<vmem_shared>>
      tpu.wait_indirect_dma semaphore(%arg38 : memref<!tpu.dma_semaphore, #tpu.memory_space<semaphore_mem>>) src(%arg16 : memref<125x16xf32, #tpu.memory_space<vmem>>) dst(%dma_wait3A_416 : memref<10000x16xf32, #tpu.memory_space<vmem_shared>>)
      %add3A_417 = arith.constant 7 : i32
      %add3A_418 = arith.addi %add3A_130, %add3A_417 : i32
      %add3A_419 = arith.constant 10 : i32
      %add3A_420 = arith.addi %add3A_418, %add3A_419 : i32
      %lt3A_421 = arith.constant 80 : i32
      %lt3A_422 = arith.cmpi slt, %add3A_420, %lt3A_421 : i32
      %convert_element_type3A_423 = arith.extui %lt3A_422 : i1 to i32
      %cond3A_424 = arith.constant 0 : i32
      %cond3A_425 = arith.cmpi ne, %convert_element_type3A_423, %cond3A_424 : i32
      scf.if %cond3A_425 {
        %dma_start3A_460 = arith.constant 0 : i32
        %dma_start3A_461 = tpu.memref_slice %arg7[%add3A_420, %dma_start3A_460] : memref<80x125xi32, #tpu.memory_space<vmem>> -> memref<1x125xi32, #tpu.memory_space<vmem>>
        %dma_start3A_462 = tpu.memref_squeeze %dma_start3A_461 : memref<1x125xi32, #tpu.memory_space<vmem>> -> memref<125xi32, #tpu.memory_space<vmem>>
        %dma_start3A_463 = arith.constant 0 : i32
        %dma_start3A_464 = arith.constant 0 : i32
        %dma_start3A_465 = tpu.memref_slice %arg2[%dma_start3A_463, %dma_start3A_464] : memref<10000x16xf32, #tpu.memory_space<hbm>> -> memref<10000x16xf32, #tpu.memory_space<hbm>>
        tpu.enqueue_indirect_dma source(%dma_start3A_465 : memref<10000x16xf32, #tpu.memory_space<hbm>>) target(%arg16 : memref<125x16xf32, #tpu.memory_space<vmem>>) offsets(%dma_start3A_462 : memref<125xi32, #tpu.memory_space<vmem>>) semaphore(%arg28 : memref<!tpu.dma_semaphore, #tpu.memory_space<semaphore_mem>>)
      } else {
      }
      %add3A_426 = arith.constant 8 : i32
      %add3A_427 = arith.addi %add3A_130, %add3A_426 : i32
      %dma_wait3A_428 = arith.constant 0 : i32
      %dma_wait3A_429 = tpu.memref_slice %arg8[%add3A_427, %dma_wait3A_428] : memref<80x125xi32, #tpu.memory_space<vmem>> -> memref<1x125xi32, #tpu.memory_space<vmem>>
      %dma_wait3A_430 = tpu.memref_squeeze %dma_wait3A_429 : memref<1x125xi32, #tpu.memory_space<vmem>> -> memref<125xi32, #tpu.memory_space<vmem>>
      %dma_wait3A_431 = arith.constant 0 : i32
      %dma_wait3A_432 = arith.constant 0 : i32
      %dma_wait3A_433 = tpu.memref_slice %arg19[%dma_wait3A_431, %dma_wait3A_432] : memref<10000x16xf32, #tpu.memory_space<vmem_shared>> -> memref<10000x16xf32, #tpu.memory_space<vmem_shared>>
      tpu.wait_indirect_dma semaphore(%arg39 : memref<!tpu.dma_semaphore, #tpu.memory_space<semaphore_mem>>) src(%arg17 : memref<125x16xf32, #tpu.memory_space<vmem>>) dst(%dma_wait3A_433 : memref<10000x16xf32, #tpu.memory_space<vmem_shared>>)
      %add3A_434 = arith.constant 8 : i32
      %add3A_435 = arith.addi %add3A_130, %add3A_434 : i32
      %add3A_436 = arith.constant 10 : i32
      %add3A_437 = arith.addi %add3A_435, %add3A_436 : i32
      %lt3A_438 = arith.constant 80 : i32
      %lt3A_439 = arith.cmpi slt, %add3A_437, %lt3A_438 : i32
      %convert_element_type3A_440 = arith.extui %lt3A_439 : i1 to i32
      %cond3A_441 = arith.constant 0 : i32
      %cond3A_442 = arith.cmpi ne, %convert_element_type3A_440, %cond3A_441 : i32
      scf.if %cond3A_442 {
        %dma_start3A_460 = arith.constant 0 : i32
        %dma_start3A_461 = tpu.memref_slice %arg7[%add3A_437, %dma_start3A_460] : memref<80x125xi32, #tpu.memory_space<vmem>> -> memref<1x125xi32, #tpu.memory_space<vmem>>
        %dma_start3A_462 = tpu.memref_squeeze %dma_start3A_461 : memref<1x125xi32, #tpu.memory_space<vmem>> -> memref<125xi32, #tpu.memory_space<vmem>>
        %dma_start3A_463 = arith.constant 0 : i32
        %dma_start3A_464 = arith.constant 0 : i32
        %dma_start3A_465 = tpu.memref_slice %arg2[%dma_start3A_463, %dma_start3A_464] : memref<10000x16xf32, #tpu.memory_space<hbm>> -> memref<10000x16xf32, #tpu.memory_space<hbm>>
        tpu.enqueue_indirect_dma source(%dma_start3A_465 : memref<10000x16xf32, #tpu.memory_space<hbm>>) target(%arg17 : memref<125x16xf32, #tpu.memory_space<vmem>>) offsets(%dma_start3A_462 : memref<125xi32, #tpu.memory_space<vmem>>) semaphore(%arg29 : memref<!tpu.dma_semaphore, #tpu.memory_space<semaphore_mem>>)
      } else {
      }
      %add3A_443 = arith.constant 9 : i32
      %add3A_444 = arith.addi %add3A_130, %add3A_443 : i32
      %dma_wait3A_445 = arith.constant 0 : i32
      %dma_wait3A_446 = tpu.memref_slice %arg8[%add3A_444, %dma_wait3A_445] : memref<80x125xi32, #tpu.memory_space<vmem>> -> memref<1x125xi32, #tpu.memory_space<vmem>>
      %dma_wait3A_447 = tpu.memref_squeeze %dma_wait3A_446 : memref<1x125xi32, #tpu.memory_space<vmem>> -> memref<125xi32, #tpu.memory_space<vmem>>
      %dma_wait3A_448 = arith.constant 0 : i32
      %dma_wait3A_449 = arith.constant 0 : i32
      %dma_wait3A_450 = tpu.memref_slice %arg19[%dma_wait3A_448, %dma_wait3A_449] : memref<10000x16xf32, #tpu.memory_space<vmem_shared>> -> memref<10000x16xf32, #tpu.memory_space<vmem_shared>>
      tpu.wait_indirect_dma semaphore(%arg40 : memref<!tpu.dma_semaphore, #tpu.memory_space<semaphore_mem>>) src(%arg18 : memref<125x16xf32, #tpu.memory_space<vmem>>) dst(%dma_wait3A_450 : memref<10000x16xf32, #tpu.memory_space<vmem_shared>>)
      %add3A_451 = arith.constant 9 : i32
      %add3A_452 = arith.addi %add3A_130, %add3A_451 : i32
      %add3A_453 = arith.constant 10 : i32
      %add3A_454 = arith.addi %add3A_452, %add3A_453 : i32
      %lt3A_455 = arith.constant 80 : i32
      %lt3A_456 = arith.cmpi slt, %add3A_454, %lt3A_455 : i32
      %convert_element_type3A_457 = arith.extui %lt3A_456 : i1 to i32
      %cond3A_458 = arith.constant 0 : i32
      %cond3A_459 = arith.cmpi ne, %convert_element_type3A_457, %cond3A_458 : i32
      scf.if %cond3A_459 {
        %dma_start3A_460 = arith.constant 0 : i32
        %dma_start3A_461 = tpu.memref_slice %arg7[%add3A_454, %dma_start3A_460] : memref<80x125xi32, #tpu.memory_space<vmem>> -> memref<1x125xi32, #tpu.memory_space<vmem>>
        %dma_start3A_462 = tpu.memref_squeeze %dma_start3A_461 : memref<1x125xi32, #tpu.memory_space<vmem>> -> memref<125xi32, #tpu.memory_space<vmem>>
        %dma_start3A_463 = arith.constant 0 : i32
        %dma_start3A_464 = arith.constant 0 : i32
        %dma_start3A_465 = tpu.memref_slice %arg2[%dma_start3A_463, %dma_start3A_464] : memref<10000x16xf32, #tpu.memory_space<hbm>> -> memref<10000x16xf32, #tpu.memory_space<hbm>>
        tpu.enqueue_indirect_dma source(%dma_start3A_465 : memref<10000x16xf32, #tpu.memory_space<hbm>>) target(%arg18 : memref<125x16xf32, #tpu.memory_space<vmem>>) offsets(%dma_start3A_462 : memref<125xi32, #tpu.memory_space<vmem>>) semaphore(%arg30 : memref<!tpu.dma_semaphore, #tpu.memory_space<semaphore_mem>>)
      } else {
      }
    }
    %scan3A_112 = arith.constant 8 : i32
    %barrier3A_113 = arith.constant 0 : index
    tpu.barrier barrier_id(%barrier3A_113)
    %mul3A_114 = arith.constant 624 : i32
    %mul3A_115 = arith.muli %arg1, %mul3A_114 : i32
    %eq3A_116 = arith.constant 0 : i32
    %eq3A_117 = arith.cmpi eq, %arg0, %eq3A_116 : i32
    %convert_element_type3A_118 = arith.extui %eq3A_117 : i1 to i32
    %cond3A_119 = arith.constant 0 : i32
    %cond3A_120 = arith.cmpi ne, %convert_element_type3A_118, %cond3A_119 : i32
    scf.if %cond3A_120 {
      "tpu.region"() ({
        %run_scoped3A = tpu.sem_alloc : memref<!tpu.dma_semaphore, #tpu.memory_space<semaphore_mem>>
        %dma_start3A_131 = arith.constant 0 : i32
        %dma_start3A_132 = tpu.memref_slice %arg5[%mul3A_115, %dma_start3A_131] : memref<10000x16xf32, #tpu.memory_space<hbm>> -> memref<624x16xf32, #tpu.memory_space<hbm>>
        %dma_start3A_133 = arith.constant 0 : i32
        %dma_start3A_134 = tpu.memref_slice %arg19[%mul3A_115, %dma_start3A_133] : memref<10000x16xf32, #tpu.memory_space<vmem_shared>> -> memref<624x16xf32, #tpu.memory_space<vmem_shared>>
        tpu.enqueue_dma source(%dma_start3A_134 : memref<624x16xf32, #tpu.memory_space<vmem_shared>>) target(%dma_start3A_132 : memref<624x16xf32, #tpu.memory_space<hbm>>) target_semaphore(%run_scoped3A : memref<!tpu.dma_semaphore, #tpu.memory_space<semaphore_mem>>)
        %dma_wait3A_135 = arith.constant 0 : i32
        %dma_wait3A_136 = tpu.memref_slice %arg5[%mul3A_115, %dma_wait3A_135] : memref<10000x16xf32, #tpu.memory_space<hbm>> -> memref<624x16xf32, #tpu.memory_space<hbm>>
        %dma_wait3A_137 = arith.constant 0 : i32
        %dma_wait3A_138 = tpu.memref_slice %arg19[%mul3A_115, %dma_wait3A_137] : memref<10000x16xf32, #tpu.memory_space<vmem_shared>> -> memref<624x16xf32, #tpu.memory_space<vmem_shared>>
        tpu.wait_dma2 semaphore(%run_scoped3A : memref<!tpu.dma_semaphore, #tpu.memory_space<semaphore_mem>>) src(%dma_wait3A_138 : memref<624x16xf32, #tpu.memory_space<vmem_shared>>) dst(%dma_wait3A_136 : memref<624x16xf32, #tpu.memory_space<hbm>>)
        tpu.yield
      }) : () -> ()
      %eq3A_126 = arith.constant 0 : i32
      %eq3A_127 = arith.cmpi eq, %arg1, %eq3A_126 : i32
      %convert_element_type3A_128 = arith.extui %eq3A_127 : i1 to i32
      %cond3A_129 = arith.constant 0 : i32
      %cond3A_130 = arith.cmpi ne, %convert_element_type3A_128, %cond3A_129 : i32
      scf.if %cond3A_130 {
        "tpu.region"() ({
          %run_scoped3A = tpu.sem_alloc : memref<!tpu.dma_semaphore, #tpu.memory_space<semaphore_mem>>
          %dma_start3A_131 = arith.constant 9984 : i32
          %dma_start3A_132 = arith.constant 0 : i32
          %dma_start3A_133 = tpu.memref_slice %arg5[%dma_start3A_131, %dma_start3A_132] : memref<10000x16xf32, #tpu.memory_space<hbm>> -> memref<16x16xf32, #tpu.memory_space<hbm>>
          %dma_start3A_134 = arith.constant 9984 : i32
          %dma_start3A_135 = arith.constant 0 : i32
          %dma_start3A_136 = tpu.memref_slice %arg19[%dma_start3A_134, %dma_start3A_135] : memref<10000x16xf32, #tpu.memory_space<vmem_shared>> -> memref<16x16xf32, #tpu.memory_space<vmem_shared>>
          tpu.enqueue_dma source(%dma_start3A_136 : memref<16x16xf32, #tpu.memory_space<vmem_shared>>) target(%dma_start3A_133 : memref<16x16xf32, #tpu.memory_space<hbm>>) target_semaphore(%run_scoped3A : memref<!tpu.dma_semaphore, #tpu.memory_space<semaphore_mem>>)
          %dma_wait3A_137 = arith.constant 9984 : i32
          %dma_wait3A_138 = arith.constant 0 : i32
          %dma_wait3A_139 = tpu.memref_slice %arg5[%dma_wait3A_137, %dma_wait3A_138] : memref<10000x16xf32, #tpu.memory_space<hbm>> -> memref<16x16xf32, #tpu.memory_space<hbm>>
          %dma_wait3A_140 = arith.constant 9984 : i32
          %dma_wait3A_141 = arith.constant 0 : i32
          %dma_wait3A_142 = tpu.memref_slice %arg19[%dma_wait3A_140, %dma_wait3A_141] : memref<10000x16xf32, #tpu.memory_space<vmem_shared>> -> memref<16x16xf32, #tpu.memory_space<vmem_shared>>
          tpu.wait_dma2 semaphore(%run_scoped3A : memref<!tpu.dma_semaphore, #tpu.memory_space<semaphore_mem>>) src(%dma_wait3A_142 : memref<16x16xf32, #tpu.memory_space<vmem_shared>>) dst(%dma_wait3A_139 : memref<16x16xf32, #tpu.memory_space<hbm>>)
          tpu.yield
        }) : () -> ()
      } else {
      }
    } else {
    }
    %eq3A_121 = arith.constant 1 : i32
    %eq3A_122 = arith.cmpi eq, %arg0, %eq3A_121 : i32
    %convert_element_type3A_123 = arith.extui %eq3A_122 : i1 to i32
    %cond3A_124 = arith.constant 0 : i32
    %cond3A_125 = arith.cmpi ne, %convert_element_type3A_123, %cond3A_124 : i32
    scf.if %cond3A_125 {
      "tpu.region"() ({
        %run_scoped3A = tpu.sem_alloc : memref<!tpu.dma_semaphore, #tpu.memory_space<semaphore_mem>>
        %dma_start3A_131 = arith.constant 0 : i32
        %dma_start3A_132 = tpu.memref_slice %arg6[%mul3A_115, %dma_start3A_131] : memref<10000x16xf32, #tpu.memory_space<hbm>> -> memref<624x16xf32, #tpu.memory_space<hbm>>
        %dma_start3A_133 = arith.constant 0 : i32
        %dma_start3A_134 = tpu.memref_slice %arg19[%mul3A_115, %dma_start3A_133] : memref<10000x16xf32, #tpu.memory_space<vmem_shared>> -> memref<624x16xf32, #tpu.memory_space<vmem_shared>>
        tpu.enqueue_dma source(%dma_start3A_134 : memref<624x16xf32, #tpu.memory_space<vmem_shared>>) target(%dma_start3A_132 : memref<624x16xf32, #tpu.memory_space<hbm>>) target_semaphore(%run_scoped3A : memref<!tpu.dma_semaphore, #tpu.memory_space<semaphore_mem>>)
        %dma_wait3A_135 = arith.constant 0 : i32
        %dma_wait3A_136 = tpu.memref_slice %arg6[%mul3A_115, %dma_wait3A_135] : memref<10000x16xf32, #tpu.memory_space<hbm>> -> memref<624x16xf32, #tpu.memory_space<hbm>>
        %dma_wait3A_137 = arith.constant 0 : i32
        %dma_wait3A_138 = tpu.memref_slice %arg19[%mul3A_115, %dma_wait3A_137] : memref<10000x16xf32, #tpu.memory_space<vmem_shared>> -> memref<624x16xf32, #tpu.memory_space<vmem_shared>>
        tpu.wait_dma2 semaphore(%run_scoped3A : memref<!tpu.dma_semaphore, #tpu.memory_space<semaphore_mem>>) src(%dma_wait3A_138 : memref<624x16xf32, #tpu.memory_space<vmem_shared>>) dst(%dma_wait3A_136 : memref<624x16xf32, #tpu.memory_space<hbm>>)
        tpu.yield
      }) : () -> ()
      %eq3A_126 = arith.constant 0 : i32
      %eq3A_127 = arith.cmpi eq, %arg1, %eq3A_126 : i32
      %convert_element_type3A_128 = arith.extui %eq3A_127 : i1 to i32
      %cond3A_129 = arith.constant 0 : i32
      %cond3A_130 = arith.cmpi ne, %convert_element_type3A_128, %cond3A_129 : i32
      scf.if %cond3A_130 {
        "tpu.region"() ({
          %run_scoped3A = tpu.sem_alloc : memref<!tpu.dma_semaphore, #tpu.memory_space<semaphore_mem>>
          %dma_start3A_131 = arith.constant 9984 : i32
          %dma_start3A_132 = arith.constant 0 : i32
          %dma_start3A_133 = tpu.memref_slice %arg6[%dma_start3A_131, %dma_start3A_132] : memref<10000x16xf32, #tpu.memory_space<hbm>> -> memref<16x16xf32, #tpu.memory_space<hbm>>
          %dma_start3A_134 = arith.constant 9984 : i32
          %dma_start3A_135 = arith.constant 0 : i32
          %dma_start3A_136 = tpu.memref_slice %arg19[%dma_start3A_134, %dma_start3A_135] : memref<10000x16xf32, #tpu.memory_space<vmem_shared>> -> memref<16x16xf32, #tpu.memory_space<vmem_shared>>
          tpu.enqueue_dma source(%dma_start3A_136 : memref<16x16xf32, #tpu.memory_space<vmem_shared>>) target(%dma_start3A_133 : memref<16x16xf32, #tpu.memory_space<hbm>>) target_semaphore(%run_scoped3A : memref<!tpu.dma_semaphore, #tpu.memory_space<semaphore_mem>>)
          %dma_wait3A_137 = arith.constant 9984 : i32
          %dma_wait3A_138 = arith.constant 0 : i32
          %dma_wait3A_139 = tpu.memref_slice %arg6[%dma_wait3A_137, %dma_wait3A_138] : memref<10000x16xf32, #tpu.memory_space<hbm>> -> memref<16x16xf32, #tpu.memory_space<hbm>>
          %dma_wait3A_140 = arith.constant 9984 : i32
          %dma_wait3A_141 = arith.constant 0 : i32
          %dma_wait3A_142 = tpu.memref_slice %arg19[%dma_wait3A_140, %dma_wait3A_141] : memref<10000x16xf32, #tpu.memory_space<vmem_shared>> -> memref<16x16xf32, #tpu.memory_space<vmem_shared>>
          tpu.wait_dma2 semaphore(%run_scoped3A : memref<!tpu.dma_semaphore, #tpu.memory_space<semaphore_mem>>) src(%dma_wait3A_142 : memref<16x16xf32, #tpu.memory_space<vmem_shared>>) dst(%dma_wait3A_139 : memref<16x16xf32, #tpu.memory_space<hbm>>)
          tpu.yield
        }) : () -> ()
      } else {
      }
    } else {
    }
    return
  }
}

module attributes {stable_mosaic.version = 14 : i64} {
  func.func @body(%arg0: memref<1250x1024xf32, #tpu.memory_space<vmem>>, %arg1: memref<1024x128xf32, #tpu.memory_space<vmem>>, %arg2: memref<1250x128xf32, #tpu.memory_space<vmem>>) attributes {dimension_semantics = [], scalar_prefetch = 0 : i64, scratch_operands = 0 : i64, tpu.core_type = #tpu.core_type<tc>} {
    %get3A = arith.constant 0 : index
    %get3A_0 = arith.constant 0 : index
    %get3A_1 = vector.load %arg0[%get3A, %get3A_0] : memref<1250x1024xf32, #tpu.memory_space<vmem>>, vector<1250x1024xf32>
    %get3A_2 = arith.constant 0 : index
    %get3A_3 = arith.constant 0 : index
    %get3A_4 = vector.load %arg1[%get3A_2, %get3A_3] : memref<1024x128xf32, #tpu.memory_space<vmem>>, vector<1024x128xf32>
    %dot_general3A = arith.constant dense<0.000000e+00> : vector<1250x128xf32>
    %dot_general3A_5 = tpu.matmul %get3A_1, %get3A_4, %dot_general3A {dimension_numbers = #tpu.dot_dimension_numbers<[1], [0], [0], [1], [0, 0, 1, 1], [], []>, precision = #tpu.contract_precision<fp32>, transpose_lhs_hint = false} : vector<1250x1024xf32>, vector<1024x128xf32>, vector<1250x128xf32> -> vector<1250x128xf32>
    %swap3A = arith.constant 0 : index
    %swap3A_6 = arith.constant 0 : index
    %swap3A_7 = vector.load %arg2[%swap3A, %swap3A_6] : memref<1250x128xf32, #tpu.memory_space<vmem>>, vector<1250x128xf32>
    tpu.vector_store %arg2[%swap3A, %swap3A_6], %dot_general3A_5 {strides = array<i32>} : memref<1250x128xf32, #tpu.memory_space<vmem>>, vector<1250x128xf32>,
    return
  }
}

module attributes {stable_mosaic.version = 14 : i64} {
  func.func @body(%arg0: memref<160000xf32, #tpu.memory_space<vmem>>, %arg1: memref<160000xf32, #tpu.memory_space<vmem>>, %arg2: memref<1250x128xf32, #tpu.memory_space<vmem>>, %arg3: memref<1250x128xf32, #tpu.memory_space<vmem>>, %arg4: memref<160000xf32, #tpu.memory_space<vmem>>) attributes {dimension_semantics = [], scalar_prefetch = 0 : i64, scratch_operands = 0 : i64, tpu.core_type = #tpu.core_type<tc>} {
    %get3A = arith.constant 0 : index
    %get3A_0 = vector.load %arg0[%get3A] : memref<160000xf32, #tpu.memory_space<vmem>>, vector<160000xf32>
    %reshape3A = vector.shape_cast %get3A_0 : vector<160000xf32> to vector<1250x128xf32>
    %get3A_1 = arith.constant 0 : index
    %get3A_2 = vector.load %arg1[%get3A_1] : memref<160000xf32, #tpu.memory_space<vmem>>, vector<160000xf32>
    %reshape3A_3 = vector.shape_cast %get3A_2 : vector<160000xf32> to vector<1250x128xf32>
    %add3A = arith.addf %reshape3A, %reshape3A_3 : vector<1250x128xf32>
    %add3A_4 = arith.constant 1.000000e+00 : f32
    %add3A_5 = vector.broadcast %add3A_4 : f32 to vector<1250x128xf32>
    %add3A_6 = arith.addf %add3A, %add3A_5 : vector<1250x128xf32>
    %rsqrt3A = math.rsqrt %add3A_6 : vector<1250x128xf32>
    %swap3A = arith.constant 0 : index
    %swap3A_7 = arith.constant 0 : index
    %swap3A_8 = vector.load %arg3[%swap3A, %swap3A_7] : memref<1250x128xf32, #tpu.memory_space<vmem>>, vector<1250x128xf32>
    tpu.vector_store %arg3[%swap3A, %swap3A_7], %rsqrt3A {strides = array<i32>} : memref<1250x128xf32, #tpu.memory_space<vmem>>, vector<1250x128xf32>,
    %get3A_9 = arith.constant 0 : index
    %get3A_10 = arith.constant 0 : index
    %get3A_11 = vector.load %arg2[%get3A_9, %get3A_10] : memref<1250x128xf32, #tpu.memory_space<vmem>>, vector<1250x128xf32>
    %mul3A = arith.mulf %rsqrt3A, %get3A_11 : vector<1250x128xf32>
    %reshape3A_12 = vector.shape_cast %mul3A : vector<1250x128xf32> to vector<160000xf32>
    %swap3A_13 = arith.constant 0 : index
    %swap3A_14 = vector.load %arg4[%swap3A_13] : memref<160000xf32, #tpu.memory_space<vmem>>, vector<160000xf32>
    tpu.vector_store %arg4[%swap3A_13], %reshape3A_12 {strides = array<i32>} : memref<160000xf32, #tpu.memory_space<vmem>>, vector<160000xf32>,
    return
  }
}

module attributes {stable_mosaic.version = 14 : i64} {
  func.func @body(%arg0: memref<160000xf32, #tpu.memory_space<vmem>>, %arg1: memref<160000xf32, #tpu.memory_space<vmem>>, %arg2: memref<1250x128xf32, #tpu.memory_space<vmem>>, %arg3: memref<1250x128xf32, #tpu.memory_space<vmem>>, %arg4: memref<128xf32, #tpu.memory_space<vmem>>, %arg5: memref<128x128xf32, #tpu.memory_space<vmem>>, %arg6: memref<160000xf32, #tpu.memory_space<vmem>>) attributes {dimension_semantics = [], scalar_prefetch = 0 : i64, scratch_operands = 0 : i64, tpu.core_type = #tpu.core_type<tc>} {
    %get3A = arith.constant 0 : index
    %get3A_0 = arith.constant 0 : index
    %get3A_1 = vector.load %arg3[%get3A, %get3A_0] : memref<1250x128xf32, #tpu.memory_space<vmem>>, vector<1250x128xf32>
    %get3A_2 = arith.constant 0 : index
    %get3A_3 = vector.load %arg0[%get3A_2] : memref<160000xf32, #tpu.memory_space<vmem>>, vector<160000xf32>
    %reshape3A = vector.shape_cast %get3A_3 : vector<160000xf32> to vector<1250x128xf32>
    %get3A_4 = arith.constant 0 : index
    %get3A_5 = vector.load %arg1[%get3A_4] : memref<160000xf32, #tpu.memory_space<vmem>>, vector<160000xf32>
    %reshape3A_6 = vector.shape_cast %get3A_5 : vector<160000xf32> to vector<1250x128xf32>
    %add3A = arith.addf %reshape3A, %reshape3A_6 : vector<1250x128xf32>
    %mul3A = arith.mulf %get3A_1, %add3A : vector<1250x128xf32>
    %mul3A_7 = arith.mulf %get3A_1, %get3A_1 : vector<1250x128xf32>
    %get3A_8 = arith.constant 0 : index
    %get3A_9 = arith.constant 0 : index
    %get3A_10 = vector.load %arg2[%get3A_8, %get3A_9] : memref<1250x128xf32, #tpu.memory_space<vmem>>, vector<1250x128xf32>
    %mul3A_11 = arith.mulf %mul3A_7, %get3A_10 : vector<1250x128xf32>
    %add3A_12 = arith.addf %mul3A, %mul3A_11 : vector<1250x128xf32>
    %get3A_13 = arith.constant 0 : index
    %get3A_14 = vector.load %arg4[%get3A_13] : memref<128xf32, #tpu.memory_space<vmem>>, vector<128xf32>
    %broadcast_in_dim3A = vector.shape_cast %get3A_14 : vector<128xf32> to vector<1x128xf32>
    %add3A_15 = vector.broadcast %broadcast_in_dim3A : vector<1x128xf32> to vector<1250x128xf32>
    %add3A_16 = arith.addf %add3A_12, %add3A_15 : vector<1250x128xf32>
    %max3A = arith.constant 0.000000e+00 : f32
    %max3A_17 = vector.broadcast %max3A : f32 to vector<1250x128xf32>
    %max3A_18 = arith.maximumf %add3A_16, %max3A_17 : vector<1250x128xf32>
    %get3A_19 = arith.constant 0 : index
    %get3A_20 = arith.constant 0 : index
    %get3A_21 = vector.load %arg5[%get3A_19, %get3A_20] : memref<128x128xf32, #tpu.memory_space<vmem>>, vector<128x128xf32>
    %dot_general3A = arith.constant dense<0.000000e+00> : vector<1250x128xf32>
    %dot_general3A_22 = tpu.matmul %max3A_18, %get3A_21, %dot_general3A {dimension_numbers = #tpu.dot_dimension_numbers<[1], [0], [0], [1], [0, 0, 1, 1], [], []>, precision = #tpu.contract_precision<fp32>, transpose_lhs_hint = false} : vector<1250x128xf32>, vector<128x128xf32>, vector<1250x128xf32> -> vector<1250x128xf32>
    %mul3A_23 = arith.mulf %get3A_1, %dot_general3A_22 : vector<1250x128xf32>
    %reshape3A_24 = vector.shape_cast %mul3A_23 : vector<1250x128xf32> to vector<160000xf32>
    %swap3A = arith.constant 0 : index
    %swap3A_25 = vector.load %arg6[%swap3A] : memref<160000xf32, #tpu.memory_space<vmem>>, vector<160000xf32>
    tpu.vector_store %arg6[%swap3A], %reshape3A_24 {strides = array<i32>} : memref<160000xf32, #tpu.memory_space<vmem>>, vector<160000xf32>,
    return
  }
}

module attributes {stable_mosaic.version = 14 : i64} {
  func.func @body(%arg0: memref<160000xf32, #tpu.memory_space<vmem>>, %arg1: memref<160000xf32, #tpu.memory_space<vmem>>, %arg2: memref<160000xf32, #tpu.memory_space<vmem>>, %arg3: memref<1250x128xf32, #tpu.memory_space<vmem>>, %arg4: memref<128xf32, #tpu.memory_space<vmem>>, %arg5: memref<160000xf32, #tpu.memory_space<vmem>>) attributes {dimension_semantics = [], scalar_prefetch = 0 : i64, scratch_operands = 0 : i64, tpu.core_type = #tpu.core_type<tc>} {
    %get3A = arith.constant 0 : index
    %get3A_0 = arith.constant 0 : index
    %get3A_1 = vector.load %arg3[%get3A, %get3A_0] : memref<1250x128xf32, #tpu.memory_space<vmem>>, vector<1250x128xf32>
    %get3A_2 = arith.constant 0 : index
    %get3A_3 = vector.load %arg0[%get3A_2] : memref<160000xf32, #tpu.memory_space<vmem>>, vector<160000xf32>
    %reshape3A = vector.shape_cast %get3A_3 : vector<160000xf32> to vector<1250x128xf32>
    %get3A_4 = arith.constant 0 : index
    %get3A_5 = vector.load %arg1[%get3A_4] : memref<160000xf32, #tpu.memory_space<vmem>>, vector<160000xf32>
    %reshape3A_6 = vector.shape_cast %get3A_5 : vector<160000xf32> to vector<1250x128xf32>
    %add3A = arith.addf %reshape3A, %reshape3A_6 : vector<1250x128xf32>
    %get3A_7 = arith.constant 0 : index
    %get3A_8 = vector.load %arg2[%get3A_7] : memref<160000xf32, #tpu.memory_space<vmem>>, vector<160000xf32>
    %reshape3A_9 = vector.shape_cast %get3A_8 : vector<160000xf32> to vector<1250x128xf32>
    %mul3A = arith.mulf %get3A_1, %add3A : vector<1250x128xf32>
    %mul3A_10 = arith.mulf %get3A_1, %reshape3A_9 : vector<1250x128xf32>
    %add3A_11 = arith.addf %mul3A, %mul3A_10 : vector<1250x128xf32>
    %get3A_12 = arith.constant 0 : index
    %get3A_13 = vector.load %arg4[%get3A_12] : memref<128xf32, #tpu.memory_space<vmem>>, vector<128xf32>
    %broadcast_in_dim3A = vector.shape_cast %get3A_13 : vector<128xf32> to vector<1x128xf32>
    %add3A_14 = vector.broadcast %broadcast_in_dim3A : vector<1x128xf32> to vector<1250x128xf32>
    %add3A_15 = arith.addf %add3A_11, %add3A_14 : vector<1250x128xf32>
    %reshape3A_16 = vector.shape_cast %add3A_15 : vector<1250x128xf32> to vector<160000xf32>
    %swap3A = arith.constant 0 : index
    %swap3A_17 = vector.load %arg5[%swap3A] : memref<160000xf32, #tpu.memory_space<vmem>>, vector<160000xf32>
    tpu.vector_store %arg5[%swap3A], %reshape3A_16 {strides = array<i32>} : memref<160000xf32, #tpu.memory_space<vmem>>, vector<160000xf32>,
    return
  }
}

</mosaic_0001>

<sc_bundles>
// kernel: kernel.12.cloned.1.call-start
scs
__scs_entry_jumppad:
0x0: {  	(pc) =	sbr.rel $0x88, $3  }
0x1: {  	(tag) =	ssettag $0x0;
	lr =	simm.s32 $0x1  }
0x2: {  	[smem:$0x3F9B] =	sst lr;
	_ =	strace $0xD0000000  }
0x3: {  	_ = 	snop  }
0x4: {  	_ = 	snop  }
0x5: {  	_ = 	snop  }
0x6: {  	_ = 	snop  }
0x7: {  	_ = 	snop  }
__scs_overlays_trampoline_lowered:
0x8: {  	[smem:$0x3FAA] =	sst s0  }
0x9: {  	[smem:$0x3FAB] =	sst s1  }
0xa: {  	[smem:$0x3FAC] =	sst s2  }
0xb: {  	[smem:$0x3FAD] =	sst s3  }
0xc: {  	[smem:$0x3FAE] =	sst s4  }
0xd: {  	[smem:$0x3FAF] =	sst s5  }
0xe: {  	[smem:$0x3FB0] =	sst s6  }
0xf: {  	[smem:$0x3FB1] =	sst s7  }
0x10: {  	[smem:$0x3FB2] =	sst s8  }
0x11: {  	[smem:$0x3FB3] =	sst s9;
	s0 =	simm.s32 @!p0 $0x0  }
0x12: {  	s1 =	sld [smem:$0x3F99];
	s0 =	simm.s32 @p0 $0x1  }
0x13: {  	[smem:$0x3FB4] =	sst s0;
	s0 =	simm.s32 @!p1 $0x0  }
0x14: {  	s2 =	sld [smem:$0x3F98];
	s0 =	simm.s32 @p1 $0x1  }
0x15: {  	[smem:$0x3FB5] =	sst s0;
	s0 =	simm.s32 @!p2 $0x0  }
0x16: {  	s3 =	sld [smem:$0x3FDB];
	s0 =	simm.s32 @p2 $0x1  }
0x17: {  	s4 =	simm.s32 $0x1BF5;
	[smem:$0x3FB7] =	sst s0  }
0x18: {  	s0 =	sld [smem:$0x3F9A];
	_ =	swait.ge [sflag:s4], $0x0  }
0x19: {  	s7 =	sld [smem:$0x3F9B]  }
0x1a: {  	s8 =	sadd.s32 $0xFFFFE003, lr  }
0x1b: {  	s9 =	sadd.s32 $0xFFFFFEF7, lr;
	s5 =	simm.s32 $0xFFFFFFFF;
	p2 =	slt.u32 s8, $0xFFFFF086  }
0x1c: {  	p1 =	slt.u32 s9, $0xF7A;
	s5 =	simm.s32 @!p2 $0x0  }
0x1d: {  	s5 =	simm.s32 @p1 $0x1;
	p0 =	seq.s32 s7, s2  }
0x1e: {  	s7 =	smul.u32 @!p0 $0xF7A, s2;
	p2 =	seq.s32 @!p0 s5, $0x0  }
0x1f: {  	s9 =	smul.u32 $0xF7A, s1;
	s8 =	simm.s32 @!p0 $0x1BF5;
	p2 =	por !p2, p0  }
0x20: {  	[sflag:s8] =	ssyncset.s32 @!p0 $0xFFFFF086;
	s6 =	sadd.s32 @!p0 s3, s7;
	s7 =	simm.s32 @!p0 $0x108  }
0x21: {  	s3 =	sadd.s32 s3, s9;
	s6 =	sadd.s32 @!p0 $0x88, s6;
	s7 =	simm.s32 @p2 $0x1082  }
0x22: {  	[simem:s7], [sflag:s8] =	dma.local @!p0 [hbm:s6], $0xF7A  }
0x23: {  	s9 =	sor.u32 $0xD0000000, s2;
	s6 =	simm.s32 $0x108;
	_ =	swait.ge @!p0 [sflag:s8], $0x0  }
0x24: {  	s3 =	sadd.s32 $0x88, s3;
	s6 =	simm.s32 @!p1 $0x1082;
	[sflag:s4] =	ssyncset.s32 $0xFFFFF086  }
0x25: {  	[simem:s6], [sflag:s4] =	dma.local [hbm:s3], $0xF7A  }
0x26: {  	[smem:$0x3F9B] =	sst s1;
	(tag) =	ssettag s2;
	_ =	strace s9  }
0x27: {  	s1 =	sld [smem:$0x3FAB]  }
0x28: {  	s2 =	sld [smem:$0x3FAC]  }
0x29: {  	s4 =	sld [smem:$0x3FAE]  }
0x2a: {  	p0 =	seq.s32 s5, $0x0;
	s5 =	sld [smem:$0x3FAF]  }
0x2b: {  	s6 =	sld [smem:$0x3FB0]  }
0x2c: {  	s7 =	sld [smem:$0x3FB1]  }
0x2d: {  	s3 =	simm.s32 $0x108;
	s8 =	sld [smem:$0x3FB2]  }
0x2e: {  	s3 =	simm.s32 @!p0 $0x1082;
	s9 =	sld [smem:$0x3FB3]  }
0x2f: {  	lr =	sadd.s32 s0, s3;
	s0 =	sld [smem:$0x3FAA]  }
0x30: {  	s3 =	sld [smem:$0x3FAD]  }
0x31: {  	[smem:$0x3FB6] =	sst s10  }
0x32: {  	s10 =	sld [smem:$0x3FB4];
	_ =	sdelay $0x3  }
0x33: {  	p0 =	seq.s32 s10, $0x1;
	s10 =	sld [smem:$0x3FB6];
	_ =	sdelay $0x3  }
0x34: {  	[smem:$0x3FB6] =	sst s10  }
0x35: {  	s10 =	sld [smem:$0x3FB5];
	_ =	sdelay $0x3  }
0x36: {  	p1 =	seq.s32 s10, $0x1;
	s10 =	sld [smem:$0x3FB6];
	_ =	sdelay $0x3  }
0x37: {  	[smem:$0x3FB6] =	sst s10  }
0x38: {  	s10 =	sld [smem:$0x3FB7]  }
0x39: {  	_ = 	snop;
	(pc) =	sbr.ind lr, $3  }
0x3a: {  	_ = 	snop  }
0x3b: {  	_ = 	snop  }
0x3c: {  	p2 =	seq.s32 s10, $0x1;
	s10 =	sld [smem:$0x3FB6]  }
0x3d: {  	_ =	shalt  }
0x3e: {  	_ =	shalt  }
0x3f: {  	_ =	shalt  }
0x40: {  	_ =	shalt  }
0x41: {  	_ =	shalt  }
0x42: {  	_ =	shalt  }
0x43: {  	_ =	shalt  }
0x44: {  	_ =	shalt  }
0x45: {  	_ =	shalt  }
0x46: {  	_ =	shalt  }
0x47: {  	_ =	shalt  }
0x48: {  	_ =	shalt  }
0x49: {  	_ =	shalt  }
0x4a: {  	_ =	shalt  }
0x4b: {  	_ =	shalt  }
0x4c: {  	_ =	shalt  }
0x4d: {  	_ =	shalt  }
0x4e: {  	_ =	shalt  }
0x4f: {  	_ =	shalt  }
0x50: {  	_ =	shalt  }
0x51: {  	_ =	shalt  }
0x52: {  	_ =	shalt  }
0x53: {  	_ =	shalt  }
0x54: {  	_ =	shalt  }
0x55: {  	_ =	shalt  }
0x56: {  	_ =	shalt  }
0x57: {  	_ =	shalt  }
0x58: {  	_ =	shalt  }
0x59: {  	_ =	shalt  }
0x5a: {  	_ =	shalt  }
0x5b: {  	_ =	shalt  }
0x5c: {  	_ =	shalt  }
0x5d: {  	_ =	shalt  }
0x5e: {  	_ =	shalt  }
0x5f: {  	_ =	shalt  }
0x60: {  	_ =	shalt  }
0x61: {  	_ =	shalt  }
0x62: {  	_ =	shalt  }
0x63: {  	_ =	shalt  }
0x64: {  	_ =	shalt  }
0x65: {  	_ =	shalt  }
0x66: {  	_ =	shalt  }
0x67: {  	_ =	shalt  }
0x68: {  	_ =	shalt  }
0x69: {  	_ =	shalt  }
0x6a: {  	_ =	shalt  }
0x6b: {  	_ =	shalt  }
0x6c: {  	_ =	shalt  }
0x6d: {  	_ =	shalt  }
0x6e: {  	_ =	shalt  }
0x6f: {  	_ =	shalt  }
0x70: {  	_ =	shalt  }
0x71: {  	_ =	shalt  }
0x72: {  	_ =	shalt  }
0x73: {  	_ =	shalt  }
0x74: {  	_ =	shalt  }
0x75: {  	_ =	shalt  }
0x76: {  	_ =	shalt  }
0x77: {  	_ =	shalt  }
0x78: {  	_ =	shalt  }
0x79: {  	_ =	shalt  }
0x7a: {  	_ =	shalt  }
0x7b: {  	_ =	shalt  }
0x7c: {  	_ =	shalt  }
0x7d: {  	_ =	shalt  }
0x7e: {  	_ =	shalt  }
0x7f: {  	_ =	shalt  }
0x80: {  	_ =	shalt  }
0x81: {  	_ =	shalt  }
0x82: {  	_ =	shalt  }
0x83: {  	_ =	shalt  }
0x84: {  	_ =	shalt  }
0x85: {  	_ =	shalt  }
0x86: {  	_ =	shalt  }
0x87: {  	_ =	shalt  }
.Lfunc_end0:
.L_simem_size_0:
called_computation.1_lowered:
.L_overlay_start_0:
0x88: {  	s2 =	sld [smem:$0x3FD9]  }
0x89: {  	s3 =	sld [smem:$0x3FFE];
	_ =	sdelay $0x1  }
0x8a: {  	s1 =	srdreg.scid  }
0x8b: {  	s0 =	sand.u32 $0x1, s1  }
0x8c: {  	s16 =	sshll.u32 s0, $0xA;
	s2 =	sadd.s32 s3, s2  }
0x8d: {  	s2 =	sadd.s32 s2, s16  }
0x8e: {  	[smem:$0x3FC2] =	sst s2  }
0x8f: {  	_ = 	snop  }
0x90: {  	(tm) =	ssettm $0x1  }
0x91: {  	s17 =	sld [smem:$0x3FFB];
	_ =	sdelay $0x3  }
0x92: {  	_ =	strace s17  }
0x93: {  	s2 =	sld [smem:$0x3FFC];
	_ =	sdelay $0x3  }
0x94: {  	_ =	strace s2  }
0x95: {  	s2 =	sld [smem:$0x3FFD];
	_ =	sdelay $0x3  }
0x96: {  	_ =	strace s2  }
0x97: {  	_ =	strace $0x8FFFFFFF  }
0x98: {  	s18 =	sld [smem:$0x3FDB];
	_ =	sdelay $0x1  }
0x99: {  	s19 =	simm.s32 $_scs_section_size  }
0x9a: {  	s4 =	simm.s32 $_size__tile_overlayer_lowered;
	s5 =	simm.s32 $_tile_overlayer_lowered  }
0x9b: {  	s22 =	simm.s32 $0x1BFF;
	s21 =	sshll.u32 s5, $0x1;
	s2 =	sadd.s32 s19, s18  }
0x9c: {  	s6 =	simm.s32 $0x0;
	s20 =	sshll.u32 s4, $0x1;
	s4 =	sadd.s32 s21, s2  }
0x9d: {  	[timem:s6], [sflag:s22] =	dma.local [hbm:s4], s20  }
0x9e: {  	_ =	swait.ge [sflag:s22], s20  }
0x9f: {  	s3 =	ssub.s32 $0x0, s20;
	[sflag:s22] =	ssyncset.done $0x0  }
0xa0: {  	[sflag:s22] =	ssyncadd.s32 s3;
	_ =	sdelay $0x1  }
0xa1: {  	s23 =	simm.s32 $0x1B8B  }
0xa2: {  	_ =	swait.ge [sflag:s23], $0x1  }
0xa3: {  	[sflag:s23] =	ssyncset.done $0x0  }
0xa4: {  	s25 =	simm.s32 $0x1B8E;
	s24 =	sld [smem:$0x3FFE];
	[sflag:s23] =	ssyncadd.s32 $0xFFFFFFFF  }
0xa5: {  	s26 =	simm.s32 $execute0_lowered;
	[smem:$0x3FD2] =	sst s25  }
0xa6: {  	s4 =	sshll.u32 s26, $0x1;
	_ =	strace $0x80000049;
	[dreg:$0x1] =	wrdreg $0xFFFFFFFF  }
0xa7: {  	s28 =	simm.s32 $_size_execute0_lowered;
	s2 =	sadd.s32 s2, s4;
	[dreg:$0x0] =	wrdreg $0x0  }
0xa8: {  	s4 =	sshll.u32 s28, $0x1;
	[dreg:$0x2] =	wrdreg s2  }
0xa9: {  	[dreg:$0x3] =	wrdreg s4  }
0xaa: {  	[dreg:$0x4] =	wrdreg $0xC0  }
0xab: {  	_ =	task [dreg:s6], $0x5FFFF  }
0xac: {  	[dreg:$0x1] =	wrdreg $0xFFFFFFFF  }
0xad: {  	[dreg:$0x0] =	wrdreg $0x60  }
0xae: {  	[dreg:$0x2] =	wrdreg s24  }
0xaf: {  	[dreg:$0x3] =	wrdreg $0x9E200  }
0xb0: {  	[dreg:$0x4] =	wrdreg $0x9  }
0xb1: {  	_ =	task.clear_ibuf [dreg:s6], $0x5FFFF;
	_ =	strace $0x90000049  }
0xb2: {  	s29 =	simm.s32 $0x9;
	_ =	strace $0x8000004B  }
0xb3: {  	_ =	swait.ge [sflag:s29], $0x1  }
0xb4: {  	[sflag:s29] =	ssyncadd.s32 $0xFFFFFFFF  }
0xb5: {  	_ =	strace $0x9000004B  }
0xb6: {  	_ =	sfence  }
0xb7: {  	s30 =	sld [smem:$0x0];
	_ =	sdelay $0x2  }
0xb8: {  	s31 =	sshll.u32 s1, $0xD;
	s1 =	sshrl.u32 s1, $0x2  }
0xb9: {  	s3 =	sand.u32 $0x4000, s31;
	s1 =	sadd.s32 s1, s30  }
0xba: {  	s0 =	sor.u32 s3, s0;
	s1 =	sshll.u32 s1, $0x11  }
0xbb: {  	s0 =	sor.u32 s1, s0  }
0xbc: {  	s0 =	sadd.s32 $0x8F2B, s0  }
0xbd: {  	[sflag:s0] =	ssyncadd.remote.s32 $0x1  }
0xbe: {  	_ =	sfence.sel $0xFFFF  }
0xbf: {  	[dreg:$0x0] =	wrdreg $0xFFFFFFFF;
	(pc) =	sbr.abs _section_cstart, $3  }
0xc0: {  	[dreg:$0x1] =	wrdreg $0xFFFFFFFF  }
0xc1: {  	_ =	task.clear_ibuf [dreg:s6], $0x2FFFF;
	_ =	strace $0x9FFFFFFF  }
0xc2: {  	(tm) =	ssettm $0x7FFFFFFF  }
0xc3: {  	_ =	shalt  }
tec
execute0_lowered:
.L_overlay_start_1:
0x0: {  	(tag) =	ssettag $0x1  }
0x1: {  	s0 =	srdreg.scid;
	s2 =	rddreg [dreg:$0x0]  }
0x2: {  	s4 =	stileid.u32;
	s1 =	rddreg [dreg:$0x1]  }
0x3: {  	s6 =	simm.s32 $0x0;
	s20 =	simm.s32 $0x7D;
	s14 =	simm.s32 $0xD  }
0x4: {  	s18 =	simm.s32 $0xE;
	s16 =	simm.s32 $0x10;
	s19 =	simm.s32 $0x11  }
0x5: {  	s17 =	simm.s32 $0x13;
	s15 =	simm.s32 $0x57D0;
	s13 =	simm.s32 $0x5FA0  }
0x6: {  	s29 =	simm.s32 $0x7EE0;
	s31 =	simm.s32 $0x86B0;
	s0 =	sand.u32 $0x1, s0  }
0x7: {  	[smem:$0x7FF] =	sst s6;
	s21 =	smul.u32 $0x2700, s4;
	s11 =	sadd.s32 $0x21C00, s2  }
0x8: {  	s12 =	sadd.s32 $0x26C00, s2;
	s23 =	sshll.u32 s4, $0x6;
	p0 =	sne.s32 s4, $0x0  }
0x9: {  	p2 =	seq.s32 s4, $0x0;
	s3 =	sshll.u32 s0, $0x4;
	_ =	strace $0x8000004A  }
0xa: {  	s8 =	ssub.s32 $0x2, s0;
	s30 =	sor.u32 $0x1C16, s23;
	[dreg:$0x3] =	wrdreg s11  }
0xb: {  	p1 =	seq.s32 s0, $0x1;
	[dreg:$0x4] =	wrdreg s12;
	s23 =	simm.s32 $0x15  }
0xc: {  	s3 =	sor.u32 s4, s3;
	s7 =	sshrl.u32 s21, $0x3;
	s10 =	sshrl.u32 s8, $0x1  }
0xd: {  	s6 =	sadd.s32 s21, s1;
	s4 =	simm.s32 $0x8;
	s21 =	simm.s32 $0x14  }
0xe: {  	[dreg:$0x8] =	wrdreg s30;
	s5 =	smul.u32 $0x2800, s3;
	s3 =	sadd.s32 $0x1CC00, s2  }
0xf: {  	s9 =	sadd.s32 s7, s2;
	s8 =	ssub.s32 s8, s10;
	s24 =	sadd.s32 s11, s7  }
0x10: {  	s25 =	sadd.s32 s12, s7;
	s28 =	sshrl.u32 s6, $0x3;
	s6 =	simm.s32 $0x9  }
0x11: {  	s7 =	simm.s32 $0xA;
	s11 =	simm.s32 $0xC;
	[dreg:$0xb] =	wrdreg s24  }
0x12: {  	s10 =	simm.s32 $0x8E80;
	s9 =	sadd.s32 $0x17C00, s9;
	[dreg:$0xc] =	wrdreg s25  }
0x13: {  	s26 =	smax.u32 s8, $0x1;
	[dreg:$0xe] =	wrdreg s28;
	s8 =	simm.s32 $0xB  }
0x14: {  	s24 =	simm.s32 $0x6770;
	s5 =	sshrl.u32 s5, $0x3;
	[dreg:$0x7] =	wrdreg s9  }
0x15: {  	[dreg:$0xd] =	wrdreg s26;
	s5 =	sadd.s32 s5, s2;
	s2 =	sadd.s32 $0x1CA00, s2  }
.Ltmp0:
0x16: {  	s22 =	sadd.s32 $0x3C00, s5;
	[dreg:$0xa] =	wrdreg s2;
	(pc) =	sbr.rel .LBB2_1-.Ltmp0, $4  }
0x17: {  	s9 =	simm.s32 $0x12;
	s5 =	sadd.s32 $0xDC00, s5;
	[dreg:$0x5] =	wrdreg s22  }
0x18: {  	s26 =	simm.s32 $0x7710;
	[dreg:$0x6] =	wrdreg s5;
	s5 =	sadd.s32 $0x27000, s1  }
0x19: {  	s2 =	simm.s32 $0xF;
	[dreg:$0x9] =	wrdreg s5;
	s0 =	sshrl.u32 @!p0 s5, $0x3  }
0x1a: {  	s22 =	simm.s32 $0x7;
	[dreg:$0xf] =	wrdreg s0;
	s0 =	simm.s32 $0x0  }
.LBB2_7:
0x1b: {  	s28 =	rddreg [dreg:$0x9]  }
0x1c: {  	s25 =	sadd.s32 $0x4E00, s25;
	s28 =	sshrl.u32 s28, $0x3  }
0x1d: {  	[hbm:s25], [sflag:s30] =	dma.local [spmem:s28], $0x20  }
0x1e: {  	s28 =	simm.s32 $0x16  }
0x1f: {  	_ =	swait.ge [sflag:s28], $0x20  }
0x20: {  	[sflag:s28] =	ssyncset.done $0x0  }
0x21: {  	[sflag:s28] =	ssyncadd.s32 $0xFFFFFFE0  }
.LBB2_8:
0x22: {  	s0 =	sadd.s32 $0x1, s0;
	s25 =	rddreg [dreg:$0xd]  }
0x23: {  	p3 =	sne.s32 s0, s25  }
.Ltmp1:
0x24: {  	_ = 	snop;
	(pc) =	sbr.rel @!p3 .LBB2_9-.Ltmp1, $1  }
0x25: {  	_ =	sdelay $0x3  }
.LBB2_1:
0x26: {  	[dreg:$0x10] =	wrdreg s0  }
0x27: {  	s25 =	rddreg [dreg:$0x5]  }
0x28: {  	s5 =	simm.s32 $0x0;
	s12 =	rddreg [dreg:$0x6]  }
0x29: {  	[tilespmem:s5], [sflag:$0x1] =	stream.linear.gather [hbm4b:s25+s5], $0x2800, $0x38;
	[tilespmem:$0xC530] =	vst v63  }
0x2a: {  	s28 =	simm.s32 $0x2800;
	s0 =	rddreg [dreg:$0x7]  }
0x2b: {  	[tilespmem:s28], [sflag:$0x1] =	stream.linear.gather [hbm4b:s12+s5], $0x2800, $0x38;
	[tilespmem:$0xC530] =	vst v63  }
0x2c: {  	s12 =	rddreg [dreg:$0xe]  }
0x2d: {  	[spmem:s12], [sflag:s30] =	dma.local [hbm:s0], $0x4E0  }
0x2e: {  	s0 =	simm.s32 $0x16  }
0x2f: {  	_ =	swait.ge [sflag:s0], $0x4E0  }
0x30: {  	[sflag:s0] =	ssyncset.done $0x0;
	s25 =	rddreg [dreg:$0xa]  }
0x31: {  	s28 =	rddreg [dreg:$0xf];
	[sflag:s0] =	ssyncadd.s32 $0xFFFFFB20  }
0x32: {  	[spmem:s28], [sflag:s30] =	dma.local @!p0 [hbm:s25], $0x20  }
0x33: {  	s25 =	simm.s32 @!p0 $0x16  }
0x34: {  	_ =	swait.ge @!p0 [sflag:s25], $0x20  }
0x35: {  	[sflag:s25] =	ssyncset.done @!p0 $0x0  }
0x36: {  	s12 =	simm.s32 $0x1;
	[sflag:s25] =	ssyncadd.s32 @!p0 $0xFFFFFFE0  }
0x37: {  	_ =	swait.ge [sflag:s12], $0x2800  }
0x38: {  	[sflag:s12] =	ssyncset.done $0x0  }
0x39: {  	[sflag:s12] =	ssyncadd.s32 $0xFFFFD800  }
0x3a: {  	_ =	swait.ge [sflag:s12], $0x2800  }
0x3b: {  	[sflag:s12] =	ssyncset.done $0x0  }
0x3c: {  	[sflag:s12] =	ssyncadd.s32 $0xFFFFD800  }
0x3d: {  	s0 =	simm.s32 $0x5000;
	[bflag:$0x0] =	sbarrier.arrive $0xFFFF  }
0x3e: {  	[tilespmem:s0], [sflag:$0x2] =	stream.indirect.gather [hbm4b:s3+s20], $0x10, s5, s20, $0xb8;
	[tilespmem:$0xC530] =	vst v63  }
0x3f: {  	s28 =	simm.s32 $0x80  }
0x40: {  	[tilespmem:s15], [sflag:$0x3] =	stream.indirect.gather [hbm4b:s3+s20], $0x10, s28, s20, $0xb8;
	[tilespmem:$0xC530] =	vst v63  }
0x41: {  	s30 =	simm.s32 $0x100  }
0x42: {  	[tilespmem:s13], [sflag:$0x4] =	stream.indirect.gather [hbm4b:s3+s20], $0x10, s30, s20, $0xb8;
	[tilespmem:$0xC530] =	vst v63  }
0x43: {  	s5 =	simm.s32 $0x180  }
0x44: {  	[tilespmem:s24], [sflag:$0x5] =	stream.indirect.gather [hbm4b:s3+s20], $0x10, s5, s20, $0xb8;
	[tilespmem:$0xC530] =	vst v63  }
0x45: {  	s12 =	simm.s32 $0x200;
	s5 =	simm.s32 $0x6F40  }
0x46: {  	[tilespmem:s5], [sflag:$0x6] =	stream.indirect.gather [hbm4b:s3+s20], $0x10, s12, s20, $0xb8;
	[tilespmem:$0xC530] =	vst v63  }
0x47: {  	s28 =	simm.s32 $0x280  }
0x48: {  	[tilespmem:s26], [sflag:$0x7] =	stream.indirect.gather [hbm4b:s3+s20], $0x10, s28, s20, $0xb8;
	[tilespmem:$0xC530] =	vst v63  }
0x49: {  	s30 =	simm.s32 $0x300  }
0x4a: {  	[tilespmem:s29], [sflag:$0x8] =	stream.indirect.gather [hbm4b:s3+s20], $0x10, s30, s20, $0xb8;
	[tilespmem:$0xC530] =	vst v63  }
0x4b: {  	s12 =	simm.s32 $0x380  }
0x4c: {  	[tilespmem:s31], [sflag:$0x9] =	stream.indirect.gather [hbm4b:s3+s20], $0x10, s12, s20, $0xb8;
	[tilespmem:$0xC530] =	vst v63  }
0x4d: {  	s28 =	simm.s32 $0x400  }
0x4e: {  	[tilespmem:s10], [sflag:$0xA] =	stream.indirect.gather [hbm4b:s3+s20], $0x10, s28, s20, $0xb8;
	[tilespmem:$0xC530] =	vst v63  }
0x4f: {  	s25 =	simm.s32 $0x0;
	s30 =	simm.s32 $0x480;
	s12 =	simm.s32 $0x9650  }
0x50: {  	[tilespmem:s12], [sflag:$0xB] =	stream.indirect.gather [hbm4b:s3+s20], $0x10, s30, s20, $0xb8;
	[tilespmem:$0xC530] =	vst v63  }
.LBB2_2:
0x51: {  	s30 =	simm.s32 $0x2  }
0x52: {  	_ =	swait.ge [sflag:s30], $0x7D0  }
0x53: {  	s28 =	sshra.s32 s25, $0x2;
	[sflag:s30] =	ssyncset.done $0x0  }
0x54: {  	[sflag:s30] =	ssyncadd.s32 $0xFFFFF830;
	s30 =	sadd.s32 $0x2800, s28  }
0x55: {  	[spmem:s1] =	stream.indirect.scatter.add.f32 [tilespmem:s0], [sflag:$0xC], $0x10, s30, s20, $0xb8;
	[tilespmem:$0xC530] =	vst v63  }
0x56: {  	s30 =	simm.s32 $0x3  }
0x57: {  	_ =	swait.ge [sflag:s30], $0x7D0  }
0x58: {  	[sflag:s30] =	ssyncset.done $0x0  }
0x59: {  	[sflag:s30] =	ssyncadd.s32 $0xFFFFF830;
	s30 =	sadd.s32 $0x2880, s28  }
0x5a: {  	[spmem:s1] =	stream.indirect.scatter.add.f32 [tilespmem:s15], [sflag:$0xD], $0x10, s30, s20, $0xb8;
	[tilespmem:$0xC530] =	vst v63  }
0x5b: {  	s30 =	simm.s32 $0x4  }
0x5c: {  	_ =	swait.ge [sflag:s30], $0x7D0  }
0x5d: {  	[sflag:s30] =	ssyncset.done $0x0  }
0x5e: {  	[sflag:s30] =	ssyncadd.s32 $0xFFFFF830;
	s30 =	sadd.s32 $0x2900, s28  }
0x5f: {  	[spmem:s1] =	stream.indirect.scatter.add.f32 [tilespmem:s13], [sflag:$0xE], $0x10, s30, s20, $0xb8;
	[tilespmem:$0xC530] =	vst v63  }
0x60: {  	s30 =	simm.s32 $0x5  }
0x61: {  	_ =	swait.ge [sflag:s30], $0x7D0  }
0x62: {  	[sflag:s30] =	ssyncset.done $0x0  }
0x63: {  	[sflag:s30] =	ssyncadd.s32 $0xFFFFF830;
	s30 =	sadd.s32 $0x2980, s28  }
0x64: {  	[spmem:s1] =	stream.indirect.scatter.add.f32 [tilespmem:s24], [sflag:$0xF], $0x10, s30, s20, $0xb8;
	[tilespmem:$0xC530] =	vst v63  }
0x65: {  	s30 =	simm.s32 $0x6  }
0x66: {  	_ =	swait.ge [sflag:s30], $0x7D0  }
0x67: {  	[sflag:s30] =	ssyncset.done $0x0  }
0x68: {  	[sflag:s30] =	ssyncadd.s32 $0xFFFFF830;
	s30 =	sadd.s32 $0x2A00, s28  }
0x69: {  	[spmem:s1] =	stream.indirect.scatter.add.f32 [tilespmem:s5], [sflag:$0x10], $0x10, s30, s20, $0xb8;
	[tilespmem:$0xC530] =	vst v63  }
0x6a: {  	_ =	swait.ge [sflag:s22], $0x7D0  }
0x6b: {  	[sflag:s22] =	ssyncset.done $0x0  }
0x6c: {  	s30 =	sadd.s32 $0x2A80, s28;
	[sflag:s22] =	ssyncadd.s32 $0xFFFFF830  }
0x6d: {  	[spmem:s1] =	stream.indirect.scatter.add.f32 [tilespmem:s26], [sflag:$0x11], $0x10, s30, s20, $0xb8;
	[tilespmem:$0xC530] =	vst v63  }
0x6e: {  	_ =	swait.ge [sflag:s4], $0x7D0  }
0x6f: {  	[sflag:s4] =	ssyncset.done $0x0  }
0x70: {  	s30 =	sadd.s32 $0x2B00, s28;
	[sflag:s4] =	ssyncadd.s32 $0xFFFFF830  }
0x71: {  	[spmem:s1] =	stream.indirect.scatter.add.f32 [tilespmem:s29], [sflag:$0x12], $0x10, s30, s20, $0xb8;
	[tilespmem:$0xC530] =	vst v63  }
0x72: {  	_ =	swait.ge [sflag:s6], $0x7D0  }
0x73: {  	[sflag:s6] =	ssyncset.done $0x0  }
0x74: {  	s30 =	sadd.s32 $0x2B80, s28;
	[sflag:s6] =	ssyncadd.s32 $0xFFFFF830  }
0x75: {  	[spmem:s1] =	stream.indirect.scatter.add.f32 [tilespmem:s31], [sflag:$0x13], $0x10, s30, s20, $0xb8;
	[tilespmem:$0xC530] =	vst v63  }
0x76: {  	_ =	swait.ge [sflag:s7], $0x7D0  }
0x77: {  	[sflag:s7] =	ssyncset.done $0x0  }
0x78: {  	s30 =	sadd.s32 $0x2C00, s28;
	[sflag:s7] =	ssyncadd.s32 $0xFFFFF830  }
0x79: {  	[spmem:s1] =	stream.indirect.scatter.add.f32 [tilespmem:s10], [sflag:$0x14], $0x10, s30, s20, $0xb8;
	[tilespmem:$0xC530] =	vst v63  }
0x7a: {  	_ =	swait.ge [sflag:s8], $0x7D0  }
0x7b: {  	p3 =	seq.s32 s25, $0x8C00;
	[sflag:s8] =	ssyncset.done $0x0  }
.Ltmp2:
0x7c: {  	s30 =	sadd.s32 $0x2C80, s28;
	[sflag:s8] =	ssyncadd.s32 $0xFFFFF830;
	(pc) =	sbr.rel @p3 .LBB2_4-.Ltmp2, $4  }
0x7d: {  	[spmem:s1] =	stream.indirect.scatter.add.f32 [tilespmem:s12], [sflag:$0x15], $0x10, s30, s20, $0xb8;
	[tilespmem:$0xC530] =	vst v63  }
0x7e: {  	_ =	swait.ge [sflag:s11], $0x7D0  }
0x7f: {  	[sflag:s11] =	ssyncset.done $0x0  }
0x80: {  	[sflag:s11] =	ssyncadd.s32 $0xFFFFF830  }
0x81: {  	s30 =	sadd.s32 $0x500, s28  }
0x82: {  	[tilespmem:s0], [sflag:$0x2] =	stream.indirect.gather [hbm4b:s3+s20], $0x10, s30, s20, $0xb8;
	[tilespmem:$0xC530] =	vst v63  }
0x83: {  	_ =	swait.ge [sflag:s14], $0x7D0  }
0x84: {  	[sflag:s14] =	ssyncset.done $0x0  }
0x85: {  	s30 =	sadd.s32 $0x580, s28;
	[sflag:s14] =	ssyncadd.s32 $0xFFFFF830  }
0x86: {  	[tilespmem:s15], [sflag:$0x3] =	stream.indirect.gather [hbm4b:s3+s20], $0x10, s30, s20, $0xb8;
	[tilespmem:$0xC530] =	vst v63  }
0x87: {  	_ =	swait.ge [sflag:s18], $0x7D0  }
0x88: {  	[sflag:s18] =	ssyncset.done $0x0  }
0x89: {  	s30 =	sadd.s32 $0x600, s28;
	[sflag:s18] =	ssyncadd.s32 $0xFFFFF830  }
0x8a: {  	[tilespmem:s13], [sflag:$0x4] =	stream.indirect.gather [hbm4b:s3+s20], $0x10, s30, s20, $0xb8;
	[tilespmem:$0xC530] =	vst v63  }
0x8b: {  	_ =	swait.ge [sflag:s2], $0x7D0  }
0x8c: {  	[sflag:s2] =	ssyncset.done $0x0  }
0x8d: {  	s30 =	sadd.s32 $0x680, s28;
	[sflag:s2] =	ssyncadd.s32 $0xFFFFF830  }
0x8e: {  	[tilespmem:s24], [sflag:$0x5] =	stream.indirect.gather [hbm4b:s3+s20], $0x10, s30, s20, $0xb8;
	[tilespmem:$0xC530] =	vst v63  }
0x8f: {  	_ =	swait.ge [sflag:s16], $0x7D0  }
0x90: {  	[sflag:s16] =	ssyncset.done $0x0  }
0x91: {  	s30 =	sadd.s32 $0x700, s28;
	[sflag:s16] =	ssyncadd.s32 $0xFFFFF830  }
0x92: {  	[tilespmem:s5], [sflag:$0x6] =	stream.indirect.gather [hbm4b:s3+s20], $0x10, s30, s20, $0xb8;
	[tilespmem:$0xC530] =	vst v63  }
0x93: {  	_ =	swait.ge [sflag:s19], $0x7D0  }
0x94: {  	[sflag:s19] =	ssyncset.done $0x0  }
0x95: {  	s30 =	sadd.s32 $0x780, s28;
	[sflag:s19] =	ssyncadd.s32 $0xFFFFF830  }
0x96: {  	[tilespmem:s26], [sflag:$0x7] =	stream.indirect.gather [hbm4b:s3+s20], $0x10, s30, s20, $0xb8;
	[tilespmem:$0xC530] =	vst v63  }
0x97: {  	_ =	swait.ge [sflag:s9], $0x7D0  }
0x98: {  	[sflag:s9] =	ssyncset.done $0x0  }
0x99: {  	s30 =	sadd.s32 $0x800, s28;
	[sflag:s9] =	ssyncadd.s32 $0xFFFFF830  }
0x9a: {  	[tilespmem:s29], [sflag:$0x8] =	stream.indirect.gather [hbm4b:s3+s20], $0x10, s30, s20, $0xb8;
	[tilespmem:$0xC530] =	vst v63  }
0x9b: {  	_ =	swait.ge [sflag:s17], $0x7D0  }
0x9c: {  	[sflag:s17] =	ssyncset.done $0x0  }
0x9d: {  	s30 =	sadd.s32 $0x880, s28;
	[sflag:s17] =	ssyncadd.s32 $0xFFFFF830  }
0x9e: {  	[tilespmem:s31], [sflag:$0x9] =	stream.indirect.gather [hbm4b:s3+s20], $0x10, s30, s20, $0xb8;
	[tilespmem:$0xC530] =	vst v63  }
0x9f: {  	_ =	swait.ge [sflag:s21], $0x7D0  }
0xa0: {  	[sflag:s21] =	ssyncset.done $0x0  }
0xa1: {  	s30 =	sadd.s32 $0x900, s28;
	[sflag:s21] =	ssyncadd.s32 $0xFFFFF830  }
0xa2: {  	[tilespmem:s10], [sflag:$0xA] =	stream.indirect.gather [hbm4b:s3+s20], $0x10, s30, s20, $0xb8;
	[tilespmem:$0xC530] =	vst v63  }
.Ltmp3:
0xa3: {  	_ = 	snop;
	(pc) =	sbr.rel .LBB2_2-.Ltmp3, $4  }
0xa4: {  	_ =	swait.ge [sflag:s23], $0x7D0  }
0xa5: {  	s12 =	simm.s32 $0x9650;
	[sflag:s23] =	ssyncset.done $0x0  }
0xa6: {  	s25 =	sadd.s32 $0x1400, s25;
	s30 =	sadd.s32 $0x980, s28;
	[sflag:s23] =	ssyncadd.s32 $0xFFFFF830  }
0xa7: {  	[tilespmem:s12], [sflag:$0xB] =	stream.indirect.gather [hbm4b:s3+s20], $0x10, s30, s20, $0xb8;
	[tilespmem:$0xC530] =	vst v63  }
.LBB2_4:
0xa8: {  	_ =	swait.ge [sflag:s14], $0x7D0  }
0xa9: {  	[sflag:s14] =	ssyncset.done $0x0  }
0xaa: {  	[sflag:s14] =	ssyncadd.s32 $0xFFFFF830  }
0xab: {  	_ =	swait.ge [sflag:s18], $0x7D0  }
0xac: {  	[sflag:s18] =	ssyncset.done $0x0  }
0xad: {  	[sflag:s18] =	ssyncadd.s32 $0xFFFFF830  }
0xae: {  	_ =	swait.ge [sflag:s2], $0x7D0  }
0xaf: {  	[sflag:s2] =	ssyncset.done $0x0  }
0xb0: {  	[sflag:s2] =	ssyncadd.s32 $0xFFFFF830  }
0xb1: {  	_ =	swait.ge [sflag:s16], $0x7D0  }
0xb2: {  	[sflag:s16] =	ssyncset.done $0x0  }
0xb3: {  	[sflag:s16] =	ssyncadd.s32 $0xFFFFF830  }
0xb4: {  	_ =	swait.ge [sflag:s19], $0x7D0  }
0xb5: {  	[sflag:s19] =	ssyncset.done $0x0  }
0xb6: {  	[sflag:s19] =	ssyncadd.s32 $0xFFFFF830  }
0xb7: {  	_ =	swait.ge [sflag:s9], $0x7D0  }
0xb8: {  	[sflag:s9] =	ssyncset.done $0x0  }
0xb9: {  	[sflag:s9] =	ssyncadd.s32 $0xFFFFF830  }
0xba: {  	_ =	swait.ge [sflag:s17], $0x7D0  }
0xbb: {  	[sflag:s17] =	ssyncset.done $0x0  }
0xbc: {  	[sflag:s17] =	ssyncadd.s32 $0xFFFFF830  }
0xbd: {  	_ =	swait.ge [sflag:s21], $0x7D0  }
0xbe: {  	[sflag:s21] =	ssyncset.done $0x0  }
0xbf: {  	[sflag:s21] =	ssyncadd.s32 $0xFFFFF830  }
.Ltmp4:
0xc0: {  	_ =	swait.ge [sflag:s23], $0x7D0;
	(pc) =	sbr.rel @!p1 .LBB2_5-.Ltmp4, $3  }
0xc1: {  	[sflag:s23] =	ssyncset.done $0x0  }
0xc2: {  	[sflag:s23] =	ssyncadd.s32 $0xFFFFF830  }
0xc3: {  	[bflag:$0x0] =	sbarrier.arrive $0xFFFF;
	_ =	sdelay $0x1  }
0xc4: {  	s30 =	rddreg [dreg:$0x8]  }
0xc5: {  	s25 =	rddreg [dreg:$0xc]  }
0xc6: {  	s28 =	rddreg [dreg:$0xe]  }
0xc7: {  	[hbm:s25], [sflag:s30] =	dma.local [spmem:s28], $0x4E0  }
.Ltmp5:
0xc8: {  	_ = 	snop;
	(pc) =	sbr.rel @p0 .LBB2_8-.Ltmp5, $4  }
.Ltmp6:
0xc9: {  	s28 =	simm.s32 $0x16;
	(pc) =	sbr.rel @!p0 .LBB2_7-.Ltmp6, $4  }
0xca: {  	_ =	swait.ge [sflag:s28], $0x4E0  }
0xcb: {  	[sflag:s28] =	ssyncset.done $0x0;
	s25 =	rddreg [dreg:$0x4]  }
0xcc: {  	s0 =	rddreg [dreg:$0x10];
	[sflag:s28] =	ssyncadd.s32 $0xFFFFFB20  }
0xcd: {  	_ = 	snop  }
.LBB2_5:
0xce: {  	s30 =	rddreg [dreg:$0x8]  }
0xcf: {  	s25 =	rddreg [dreg:$0xb]  }
0xd0: {  	s28 =	rddreg [dreg:$0xe]  }
0xd1: {  	[hbm:s25], [sflag:s30] =	dma.local [spmem:s28], $0x4E0  }
.Ltmp7:
0xd2: {  	_ = 	snop;
	(pc) =	sbr.rel @!p2 .LBB2_8-.Ltmp7, $4  }
.Ltmp8:
0xd3: {  	s28 =	simm.s32 $0x16;
	(pc) =	sbr.rel @p2 .LBB2_7-.Ltmp8, $4  }
0xd4: {  	_ =	swait.ge [sflag:s28], $0x4E0  }
0xd5: {  	[sflag:s28] =	ssyncset.done $0x0;
	s25 =	rddreg [dreg:$0x3]  }
0xd6: {  	s0 =	rddreg [dreg:$0x10];
	[sflag:s28] =	ssyncadd.s32 $0xFFFFFB20  }
0xd7: {  	_ = 	snop  }
.LBB2_9:
0xd8: {  	_ =	sfence.sel $0x180000  }
0xd9: {  	[bflag:$0x0] =	sbarrier.arrive $0xFFFF  }
0xda: {  	_ =	strace $0x9000004A  }
0xdb: {  	[bflag:$0x2] =	sbarrier.arrive $0xFFFF  }
0xdc: {  	s0 =	rddreg [dreg:$0x2]  }
0xdd: {  	s0 =	sadd.s32 @!p0 $0x100000, s0  }
0xde: {  	[sflag:s0] =	ssyncadd.tile.s32 @!p0 $0x1;
	_ =	shalt  }
.Lfunc_end2:
_tile_overlayer_lowered:
.L_overlay_start_2:
0xdf: {  	(tag) =	ssettag $0x2  }
0xe0: {  	s0 =	rddreg [dreg:$0x0];
	s2 =	stileid.u32  }
0xe1: {  	s1 =	rddreg [dreg:$0x1];
	p0 =	sne.s32 s2, $0x0  }
0xe2: {  	s3 =	rddreg [dreg:$0x2];
	[bflag:$0x3] =	sbarrier.arrive $0xFFFF;
	s2 =	simm.s32 @!p0 $0x1C16  }
0xe3: {  	[timem:s3], [sflag:s2] =	dma.local @!p0 [hbm:s0], s1  }
0xe4: {  	s0 =	simm.s32 @!p0 $0x16  }
0xe5: {  	_ =	swait.ge @!p0 [sflag:s0], s1  }
0xe6: {  	s1 =	ssub.s32 @!p0 $0x0, s1;
	[sflag:s0] =	ssyncset.done @!p0 $0x0  }
0xe7: {  	[sflag:s0] =	ssyncadd.s32 @!p0 s1  }
0xe8: {  	[bflag:$0x3] =	sbarrier.arrive $0xFFFF  }
0xe9: {  	_ =	shalt  }

// kernel: kernel.15.cloned.1.call-start
scs
__scs_entry_jumppad:
0x0: {  	(pc) =	sbr.rel $0x88, $3  }
0x1: {  	(tag) =	ssettag $0x0;
	lr =	simm.s32 $0x1  }
0x2: {  	[smem:$0x3F9B] =	sst lr;
	_ =	strace $0xD0000000  }
0x3: {  	_ = 	snop  }
0x4: {  	_ = 	snop  }
0x5: {  	_ = 	snop  }
0x6: {  	_ = 	snop  }
0x7: {  	_ = 	snop  }
__scs_overlays_trampoline_lowered:
0x8: {  	[smem:$0x3FAA] =	sst s0  }
0x9: {  	[smem:$0x3FAB] =	sst s1  }
0xa: {  	[smem:$0x3FAC] =	sst s2  }
0xb: {  	[smem:$0x3FAD] =	sst s3  }
0xc: {  	[smem:$0x3FAE] =	sst s4  }
0xd: {  	[smem:$0x3FAF] =	sst s5  }
0xe: {  	[smem:$0x3FB0] =	sst s6  }
0xf: {  	[smem:$0x3FB1] =	sst s7  }
0x10: {  	[smem:$0x3FB2] =	sst s8  }
0x11: {  	[smem:$0x3FB3] =	sst s9;
	s0 =	simm.s32 @!p0 $0x0  }
0x12: {  	s1 =	sld [smem:$0x3F99];
	s0 =	simm.s32 @p0 $0x1  }
0x13: {  	[smem:$0x3FB4] =	sst s0;
	s0 =	simm.s32 @!p1 $0x0  }
0x14: {  	s2 =	sld [smem:$0x3F98];
	s0 =	simm.s32 @p1 $0x1  }
0x15: {  	[smem:$0x3FB5] =	sst s0;
	s0 =	simm.s32 @!p2 $0x0  }
0x16: {  	s3 =	sld [smem:$0x3FDB];
	s0 =	simm.s32 @p2 $0x1  }
0x17: {  	s4 =	simm.s32 $0x1BF5;
	[smem:$0x3FB7] =	sst s0  }
0x18: {  	s0 =	sld [smem:$0x3F9A];
	_ =	swait.ge [sflag:s4], $0x0  }
0x19: {  	s7 =	sld [smem:$0x3F9B]  }
0x1a: {  	s8 =	sadd.s32 $0xFFFFE003, lr  }
0x1b: {  	s9 =	sadd.s32 $0xFFFFFEF7, lr;
	s5 =	simm.s32 $0xFFFFFFFF;
	p2 =	slt.u32 s8, $0xFFFFF086  }
0x1c: {  	p1 =	slt.u32 s9, $0xF7A;
	s5 =	simm.s32 @!p2 $0x0  }
0x1d: {  	s5 =	simm.s32 @p1 $0x1;
	p0 =	seq.s32 s7, s2  }
0x1e: {  	s7 =	smul.u32 @!p0 $0xF7A, s2;
	p2 =	seq.s32 @!p0 s5, $0x0  }
0x1f: {  	s9 =	smul.u32 $0xF7A, s1;
	s8 =	simm.s32 @!p0 $0x1BF5;
	p2 =	por !p2, p0  }
0x20: {  	[sflag:s8] =	ssyncset.s32 @!p0 $0xFFFFF086;
	s6 =	sadd.s32 @!p0 s3, s7;
	s7 =	simm.s32 @!p0 $0x108  }
0x21: {  	s3 =	sadd.s32 s3, s9;
	s6 =	sadd.s32 @!p0 $0x88, s6;
	s7 =	simm.s32 @p2 $0x1082  }
0x22: {  	[simem:s7], [sflag:s8] =	dma.local @!p0 [hbm:s6], $0xF7A  }
0x23: {  	s9 =	sor.u32 $0xD0000000, s2;
	s6 =	simm.s32 $0x108;
	_ =	swait.ge @!p0 [sflag:s8], $0x0  }
0x24: {  	s3 =	sadd.s32 $0x88, s3;
	s6 =	simm.s32 @!p1 $0x1082;
	[sflag:s4] =	ssyncset.s32 $0xFFFFF086  }
0x25: {  	[simem:s6], [sflag:s4] =	dma.local [hbm:s3], $0xF7A  }
0x26: {  	[smem:$0x3F9B] =	sst s1;
	(tag) =	ssettag s2;
	_ =	strace s9  }
0x27: {  	s1 =	sld [smem:$0x3FAB]  }
0x28: {  	s2 =	sld [smem:$0x3FAC]  }
0x29: {  	s4 =	sld [smem:$0x3FAE]  }
0x2a: {  	p0 =	seq.s32 s5, $0x0;
	s5 =	sld [smem:$0x3FAF]  }
0x2b: {  	s6 =	sld [smem:$0x3FB0]  }
0x2c: {  	s7 =	sld [smem:$0x3FB1]  }
0x2d: {  	s3 =	simm.s32 $0x108;
	s8 =	sld [smem:$0x3FB2]  }
0x2e: {  	s3 =	simm.s32 @!p0 $0x1082;
	s9 =	sld [smem:$0x3FB3]  }
0x2f: {  	lr =	sadd.s32 s0, s3;
	s0 =	sld [smem:$0x3FAA]  }
0x30: {  	s3 =	sld [smem:$0x3FAD]  }
0x31: {  	[smem:$0x3FB6] =	sst s10  }
0x32: {  	s10 =	sld [smem:$0x3FB4];
	_ =	sdelay $0x3  }
0x33: {  	p0 =	seq.s32 s10, $0x1;
	s10 =	sld [smem:$0x3FB6];
	_ =	sdelay $0x3  }
0x34: {  	[smem:$0x3FB6] =	sst s10  }
0x35: {  	s10 =	sld [smem:$0x3FB5];
	_ =	sdelay $0x3  }
0x36: {  	p1 =	seq.s32 s10, $0x1;
	s10 =	sld [smem:$0x3FB6];
	_ =	sdelay $0x3  }
0x37: {  	[smem:$0x3FB6] =	sst s10  }
0x38: {  	s10 =	sld [smem:$0x3FB7]  }
0x39: {  	_ = 	snop;
	(pc) =	sbr.ind lr, $3  }
0x3a: {  	_ = 	snop  }
0x3b: {  	_ = 	snop  }
0x3c: {  	p2 =	seq.s32 s10, $0x1;
	s10 =	sld [smem:$0x3FB6]  }
0x3d: {  	_ =	shalt  }
0x3e: {  	_ =	shalt  }
0x3f: {  	_ =	shalt  }
0x40: {  	_ =	shalt  }
0x41: {  	_ =	shalt  }
0x42: {  	_ =	shalt  }
0x43: {  	_ =	shalt  }
0x44: {  	_ =	shalt  }
0x45: {  	_ =	shalt  }
0x46: {  	_ =	shalt  }
0x47: {  	_ =	shalt  }
0x48: {  	_ =	shalt  }
0x49: {  	_ =	shalt  }
0x4a: {  	_ =	shalt  }
0x4b: {  	_ =	shalt  }
0x4c: {  	_ =	shalt  }
0x4d: {  	_ =	shalt  }
0x4e: {  	_ =	shalt  }
0x4f: {  	_ =	shalt  }
0x50: {  	_ =	shalt  }
0x51: {  	_ =	shalt  }
0x52: {  	_ =	shalt  }
0x53: {  	_ =	shalt  }
0x54: {  	_ =	shalt  }
0x55: {  	_ =	shalt  }
0x56: {  	_ =	shalt  }
0x57: {  	_ =	shalt  }
0x58: {  	_ =	shalt  }
0x59: {  	_ =	shalt  }
0x5a: {  	_ =	shalt  }
0x5b: {  	_ =	shalt  }
0x5c: {  	_ =	shalt  }
0x5d: {  	_ =	shalt  }
0x5e: {  	_ =	shalt  }
0x5f: {  	_ =	shalt  }
0x60: {  	_ =	shalt  }
0x61: {  	_ =	shalt  }
0x62: {  	_ =	shalt  }
0x63: {  	_ =	shalt  }
0x64: {  	_ =	shalt  }
0x65: {  	_ =	shalt  }
0x66: {  	_ =	shalt  }
0x67: {  	_ =	shalt  }
0x68: {  	_ =	shalt  }
0x69: {  	_ =	shalt  }
0x6a: {  	_ =	shalt  }
0x6b: {  	_ =	shalt  }
0x6c: {  	_ =	shalt  }
0x6d: {  	_ =	shalt  }
0x6e: {  	_ =	shalt  }
0x6f: {  	_ =	shalt  }
0x70: {  	_ =	shalt  }
0x71: {  	_ =	shalt  }
0x72: {  	_ =	shalt  }
0x73: {  	_ =	shalt  }
0x74: {  	_ =	shalt  }
0x75: {  	_ =	shalt  }
0x76: {  	_ =	shalt  }
0x77: {  	_ =	shalt  }
0x78: {  	_ =	shalt  }
0x79: {  	_ =	shalt  }
0x7a: {  	_ =	shalt  }
0x7b: {  	_ =	shalt  }
0x7c: {  	_ =	shalt  }
0x7d: {  	_ =	shalt  }
0x7e: {  	_ =	shalt  }
0x7f: {  	_ =	shalt  }
0x80: {  	_ =	shalt  }
0x81: {  	_ =	shalt  }
0x82: {  	_ =	shalt  }
0x83: {  	_ =	shalt  }
0x84: {  	_ =	shalt  }
0x85: {  	_ =	shalt  }
0x86: {  	_ =	shalt  }
0x87: {  	_ =	shalt  }
.Lfunc_end0:
.L_simem_size_0:
called_computation.2_lowered:
.L_overlay_start_0:
0x88: {  	s2 =	sld [smem:$0x3FD9]  }
0x89: {  	s3 =	sld [smem:$0x3FFE];
	_ =	sdelay $0x1  }
0x8a: {  	s1 =	srdreg.scid  }
0x8b: {  	s0 =	sand.u32 $0x1, s1  }
0x8c: {  	s16 =	sshll.u32 s0, $0xA;
	s2 =	sadd.s32 s3, s2  }
0x8d: {  	s2 =	sadd.s32 s2, s16  }
0x8e: {  	[smem:$0x3FC2] =	sst s2  }
0x8f: {  	_ = 	snop  }
0x90: {  	(tm) =	ssettm $0x1  }
0x91: {  	s17 =	sld [smem:$0x3FFB];
	_ =	sdelay $0x3  }
0x92: {  	_ =	strace s17  }
0x93: {  	s2 =	sld [smem:$0x3FFC];
	_ =	sdelay $0x3  }
0x94: {  	_ =	strace s2  }
0x95: {  	s2 =	sld [smem:$0x3FFD];
	_ =	sdelay $0x3  }
0x96: {  	_ =	strace s2  }
0x97: {  	_ =	strace $0x8FFFFFFF  }
0x98: {  	s18 =	sld [smem:$0x3FDB];
	_ =	sdelay $0x1  }
0x99: {  	s19 =	simm.s32 $_scs_section_size  }
0x9a: {  	s4 =	simm.s32 $_size__tile_overlayer_lowered;
	s5 =	simm.s32 $_tile_overlayer_lowered  }
0x9b: {  	s22 =	simm.s32 $0x1BFF;
	s21 =	sshll.u32 s5, $0x1;
	s2 =	sadd.s32 s19, s18  }
0x9c: {  	s6 =	simm.s32 $0x0;
	s20 =	sshll.u32 s4, $0x1;
	s4 =	sadd.s32 s21, s2  }
0x9d: {  	[timem:s6], [sflag:s22] =	dma.local [hbm:s4], s20  }
0x9e: {  	_ =	swait.ge [sflag:s22], s20  }
0x9f: {  	s3 =	ssub.s32 $0x0, s20;
	[sflag:s22] =	ssyncset.done $0x0  }
0xa0: {  	[sflag:s22] =	ssyncadd.s32 s3;
	_ =	sdelay $0x1  }
0xa1: {  	s23 =	simm.s32 $0x1B8B  }
0xa2: {  	_ =	swait.ge [sflag:s23], $0x1  }
0xa3: {  	[sflag:s23] =	ssyncset.done $0x0  }
0xa4: {  	s25 =	simm.s32 $0x1B8E;
	s24 =	sld [smem:$0x3FFE];
	[sflag:s23] =	ssyncadd.s32 $0xFFFFFFFF  }
0xa5: {  	s26 =	simm.s32 $execute0_lowered;
	[smem:$0x3FD2] =	sst s25  }
0xa6: {  	s4 =	sshll.u32 s26, $0x1;
	_ =	strace $0x8000004C;
	[dreg:$0x1] =	wrdreg $0xFFFFFFFF  }
0xa7: {  	s28 =	simm.s32 $_size_execute0_lowered;
	s2 =	sadd.s32 s2, s4;
	[dreg:$0x0] =	wrdreg $0x0  }
0xa8: {  	s4 =	sshll.u32 s28, $0x1;
	[dreg:$0x2] =	wrdreg s2  }
0xa9: {  	[dreg:$0x3] =	wrdreg s4  }
0xaa: {  	[dreg:$0x4] =	wrdreg $0xC0  }
0xab: {  	_ =	task [dreg:s6], $0x5FFFF  }
0xac: {  	[dreg:$0x1] =	wrdreg $0xFFFFFFFF  }
0xad: {  	[dreg:$0x0] =	wrdreg $0x60  }
0xae: {  	[dreg:$0x2] =	wrdreg s24  }
0xaf: {  	[dreg:$0x3] =	wrdreg $0x9E200  }
0xb0: {  	[dreg:$0x4] =	wrdreg $0x9  }
0xb1: {  	_ =	task.clear_ibuf [dreg:s6], $0x5FFFF;
	_ =	strace $0x9000004C  }
0xb2: {  	s29 =	simm.s32 $0x9;
	_ =	strace $0x8000004E  }
0xb3: {  	_ =	swait.ge [sflag:s29], $0x1  }
0xb4: {  	[sflag:s29] =	ssyncadd.s32 $0xFFFFFFFF  }
0xb5: {  	_ =	strace $0x9000004E  }
0xb6: {  	_ =	sfence  }
0xb7: {  	s30 =	sld [smem:$0x0];
	_ =	sdelay $0x2  }
0xb8: {  	s31 =	sshll.u32 s1, $0xD;
	s1 =	sshrl.u32 s1, $0x2  }
0xb9: {  	s3 =	sand.u32 $0x4000, s31;
	s1 =	sadd.s32 s1, s30  }
0xba: {  	s0 =	sor.u32 s3, s0;
	s1 =	sshll.u32 s1, $0x11  }
0xbb: {  	s0 =	sor.u32 s1, s0  }
0xbc: {  	s0 =	sadd.s32 $0x8F2B, s0  }
0xbd: {  	[sflag:s0] =	ssyncadd.remote.s32 $0x1  }
0xbe: {  	_ =	sfence.sel $0xFFFF  }
0xbf: {  	[dreg:$0x0] =	wrdreg $0xFFFFFFFF;
	(pc) =	sbr.abs _section_cstart, $3  }
0xc0: {  	[dreg:$0x1] =	wrdreg $0xFFFFFFFF  }
0xc1: {  	_ =	task.clear_ibuf [dreg:s6], $0x2FFFF;
	_ =	strace $0x9FFFFFFF  }
0xc2: {  	(tm) =	ssettm $0x7FFFFFFF  }
0xc3: {  	_ =	shalt  }
tec
execute0_lowered:
.L_overlay_start_1:
0x0: {  	(tag) =	ssettag $0x1  }
0x1: {  	s0 =	srdreg.scid;
	s2 =	rddreg [dreg:$0x0]  }
0x2: {  	s4 =	stileid.u32;
	s1 =	rddreg [dreg:$0x1]  }
0x3: {  	s6 =	simm.s32 $0x0;
	s20 =	simm.s32 $0x7D;
	s14 =	simm.s32 $0xD  }
0x4: {  	s18 =	simm.s32 $0xE;
	s16 =	simm.s32 $0x10;
	s19 =	simm.s32 $0x11  }
0x5: {  	s17 =	simm.s32 $0x13;
	s15 =	simm.s32 $0x57D0;
	s13 =	simm.s32 $0x5FA0  }
0x6: {  	s29 =	simm.s32 $0x7EE0;
	s31 =	simm.s32 $0x86B0;
	s0 =	sand.u32 $0x1, s0  }
0x7: {  	[smem:$0x7FF] =	sst s6;
	s21 =	smul.u32 $0x2700, s4;
	s11 =	sadd.s32 $0x21C00, s2  }
0x8: {  	s12 =	sadd.s32 $0x26C00, s2;
	s23 =	sshll.u32 s4, $0x6;
	p0 =	sne.s32 s4, $0x0  }
0x9: {  	p2 =	seq.s32 s4, $0x0;
	s3 =	sshll.u32 s0, $0x4;
	_ =	strace $0x8000004D  }
0xa: {  	s8 =	ssub.s32 $0x2, s0;
	s30 =	sor.u32 $0x1C16, s23;
	[dreg:$0x3] =	wrdreg s11  }
0xb: {  	p1 =	seq.s32 s0, $0x1;
	[dreg:$0x4] =	wrdreg s12;
	s23 =	simm.s32 $0x15  }
0xc: {  	s3 =	sor.u32 s4, s3;
	s7 =	sshrl.u32 s21, $0x3;
	s10 =	sshrl.u32 s8, $0x1  }
0xd: {  	s6 =	sadd.s32 s21, s1;
	s4 =	simm.s32 $0x8;
	s21 =	simm.s32 $0x14  }
0xe: {  	[dreg:$0x8] =	wrdreg s30;
	s5 =	smul.u32 $0x2800, s3;
	s3 =	sadd.s32 $0x1CC00, s2  }
0xf: {  	s9 =	sadd.s32 s7, s2;
	s8 =	ssub.s32 s8, s10;
	s24 =	sadd.s32 s11, s7  }
0x10: {  	s25 =	sadd.s32 s12, s7;
	s28 =	sshrl.u32 s6, $0x3;
	s6 =	simm.s32 $0x9  }
0x11: {  	s7 =	simm.s32 $0xA;
	s11 =	simm.s32 $0xC;
	[dreg:$0xb] =	wrdreg s24  }
0x12: {  	s10 =	simm.s32 $0x8E80;
	s9 =	sadd.s32 $0x17C00, s9;
	[dreg:$0xc] =	wrdreg s25  }
0x13: {  	s26 =	smax.u32 s8, $0x1;
	[dreg:$0xe] =	wrdreg s28;
	s8 =	simm.s32 $0xB  }
0x14: {  	s24 =	simm.s32 $0x6770;
	s5 =	sshrl.u32 s5, $0x3;
	[dreg:$0x7] =	wrdreg s9  }
0x15: {  	[dreg:$0xd] =	wrdreg s26;
	s5 =	sadd.s32 s5, s2;
	s2 =	sadd.s32 $0x1CA00, s2  }
.Ltmp0:
0x16: {  	s22 =	sadd.s32 $0x3C00, s5;
	[dreg:$0xa] =	wrdreg s2;
	(pc) =	sbr.rel .LBB2_1-.Ltmp0, $4  }
0x17: {  	s9 =	simm.s32 $0x12;
	s5 =	sadd.s32 $0xDC00, s5;
	[dreg:$0x5] =	wrdreg s22  }
0x18: {  	s26 =	simm.s32 $0x7710;
	[dreg:$0x6] =	wrdreg s5;
	s5 =	sadd.s32 $0x27000, s1  }
0x19: {  	s2 =	simm.s32 $0xF;
	[dreg:$0x9] =	wrdreg s5;
	s0 =	sshrl.u32 @!p0 s5, $0x3  }
0x1a: {  	s22 =	simm.s32 $0x7;
	[dreg:$0xf] =	wrdreg s0;
	s0 =	simm.s32 $0x0  }
.LBB2_7:
0x1b: {  	s28 =	rddreg [dreg:$0x9]  }
0x1c: {  	s25 =	sadd.s32 $0x4E00, s25;
	s28 =	sshrl.u32 s28, $0x3  }
0x1d: {  	[hbm:s25], [sflag:s30] =	dma.local [spmem:s28], $0x20  }
0x1e: {  	s28 =	simm.s32 $0x16  }
0x1f: {  	_ =	swait.ge [sflag:s28], $0x20  }
0x20: {  	[sflag:s28] =	ssyncset.done $0x0  }
0x21: {  	[sflag:s28] =	ssyncadd.s32 $0xFFFFFFE0  }
.LBB2_8:
0x22: {  	s0 =	sadd.s32 $0x1, s0;
	s25 =	rddreg [dreg:$0xd]  }
0x23: {  	p3 =	sne.s32 s0, s25  }
.Ltmp1:
0x24: {  	_ = 	snop;
	(pc) =	sbr.rel @!p3 .LBB2_9-.Ltmp1, $1  }
0x25: {  	_ =	sdelay $0x3  }
.LBB2_1:
0x26: {  	[dreg:$0x10] =	wrdreg s0  }
0x27: {  	s25 =	rddreg [dreg:$0x5]  }
0x28: {  	s5 =	simm.s32 $0x0;
	s12 =	rddreg [dreg:$0x6]  }
0x29: {  	[tilespmem:s5], [sflag:$0x1] =	stream.linear.gather [hbm4b:s25+s5], $0x2800, $0x38;
	[tilespmem:$0xC530] =	vst v63  }
0x2a: {  	s28 =	simm.s32 $0x2800;
	s0 =	rddreg [dreg:$0x7]  }
0x2b: {  	[tilespmem:s28], [sflag:$0x1] =	stream.linear.gather [hbm4b:s12+s5], $0x2800, $0x38;
	[tilespmem:$0xC530] =	vst v63  }
0x2c: {  	s12 =	rddreg [dreg:$0xe]  }
0x2d: {  	[spmem:s12], [sflag:s30] =	dma.local [hbm:s0], $0x4E0  }
0x2e: {  	s0 =	simm.s32 $0x16  }
0x2f: {  	_ =	swait.ge [sflag:s0], $0x4E0  }
0x30: {  	[sflag:s0] =	ssyncset.done $0x0;
	s25 =	rddreg [dreg:$0xa]  }
0x31: {  	s28 =	rddreg [dreg:$0xf];
	[sflag:s0] =	ssyncadd.s32 $0xFFFFFB20  }
0x32: {  	[spmem:s28], [sflag:s30] =	dma.local @!p0 [hbm:s25], $0x20  }
0x33: {  	s25 =	simm.s32 @!p0 $0x16  }
0x34: {  	_ =	swait.ge @!p0 [sflag:s25], $0x20  }
0x35: {  	[sflag:s25] =	ssyncset.done @!p0 $0x0  }
0x36: {  	s12 =	simm.s32 $0x1;
	[sflag:s25] =	ssyncadd.s32 @!p0 $0xFFFFFFE0  }
0x37: {  	_ =	swait.ge [sflag:s12], $0x2800  }
0x38: {  	[sflag:s12] =	ssyncset.done $0x0  }
0x39: {  	[sflag:s12] =	ssyncadd.s32 $0xFFFFD800  }
0x3a: {  	_ =	swait.ge [sflag:s12], $0x2800  }
0x3b: {  	[sflag:s12] =	ssyncset.done $0x0  }
0x3c: {  	[sflag:s12] =	ssyncadd.s32 $0xFFFFD800  }
0x3d: {  	s0 =	simm.s32 $0x5000;
	[bflag:$0x0] =	sbarrier.arrive $0xFFFF  }
0x3e: {  	[tilespmem:s0], [sflag:$0x2] =	stream.indirect.gather [hbm4b:s3+s20], $0x10, s5, s20, $0xb8;
	[tilespmem:$0xC530] =	vst v63  }
0x3f: {  	s28 =	simm.s32 $0x80  }
0x40: {  	[tilespmem:s15], [sflag:$0x3] =	stream.indirect.gather [hbm4b:s3+s20], $0x10, s28, s20, $0xb8;
	[tilespmem:$0xC530] =	vst v63  }
0x41: {  	s30 =	simm.s32 $0x100  }
0x42: {  	[tilespmem:s13], [sflag:$0x4] =	stream.indirect.gather [hbm4b:s3+s20], $0x10, s30, s20, $0xb8;
	[tilespmem:$0xC530] =	vst v63  }
0x43: {  	s5 =	simm.s32 $0x180  }
0x44: {  	[tilespmem:s24], [sflag:$0x5] =	stream.indirect.gather [hbm4b:s3+s20], $0x10, s5, s20, $0xb8;
	[tilespmem:$0xC530] =	vst v63  }
0x45: {  	s12 =	simm.s32 $0x200;
	s5 =	simm.s32 $0x6F40  }
0x46: {  	[tilespmem:s5], [sflag:$0x6] =	stream.indirect.gather [hbm4b:s3+s20], $0x10, s12, s20, $0xb8;
	[tilespmem:$0xC530] =	vst v63  }
0x47: {  	s28 =	simm.s32 $0x280  }
0x48: {  	[tilespmem:s26], [sflag:$0x7] =	stream.indirect.gather [hbm4b:s3+s20], $0x10, s28, s20, $0xb8;
	[tilespmem:$0xC530] =	vst v63  }
0x49: {  	s30 =	simm.s32 $0x300  }
0x4a: {  	[tilespmem:s29], [sflag:$0x8] =	stream.indirect.gather [hbm4b:s3+s20], $0x10, s30, s20, $0xb8;
	[tilespmem:$0xC530] =	vst v63  }
0x4b: {  	s12 =	simm.s32 $0x380  }
0x4c: {  	[tilespmem:s31], [sflag:$0x9] =	stream.indirect.gather [hbm4b:s3+s20], $0x10, s12, s20, $0xb8;
	[tilespmem:$0xC530] =	vst v63  }
0x4d: {  	s28 =	simm.s32 $0x400  }
0x4e: {  	[tilespmem:s10], [sflag:$0xA] =	stream.indirect.gather [hbm4b:s3+s20], $0x10, s28, s20, $0xb8;
	[tilespmem:$0xC530] =	vst v63  }
0x4f: {  	s25 =	simm.s32 $0x0;
	s30 =	simm.s32 $0x480;
	s12 =	simm.s32 $0x9650  }
0x50: {  	[tilespmem:s12], [sflag:$0xB] =	stream.indirect.gather [hbm4b:s3+s20], $0x10, s30, s20, $0xb8;
	[tilespmem:$0xC530] =	vst v63  }
.LBB2_2:
0x51: {  	s30 =	simm.s32 $0x2  }
0x52: {  	_ =	swait.ge [sflag:s30], $0x7D0  }
0x53: {  	s28 =	sshra.s32 s25, $0x2;
	[sflag:s30] =	ssyncset.done $0x0  }
0x54: {  	[sflag:s30] =	ssyncadd.s32 $0xFFFFF830;
	s30 =	sadd.s32 $0x2800, s28  }
0x55: {  	[spmem:s1] =	stream.indirect.scatter.add.f32 [tilespmem:s0], [sflag:$0xC], $0x10, s30, s20, $0xb8;
	[tilespmem:$0xC530] =	vst v63  }
0x56: {  	s30 =	simm.s32 $0x3  }
0x57: {  	_ =	swait.ge [sflag:s30], $0x7D0  }
0x58: {  	[sflag:s30] =	ssyncset.done $0x0  }
0x59: {  	[sflag:s30] =	ssyncadd.s32 $0xFFFFF830;
	s30 =	sadd.s32 $0x2880, s28  }
0x5a: {  	[spmem:s1] =	stream.indirect.scatter.add.f32 [tilespmem:s15], [sflag:$0xD], $0x10, s30, s20, $0xb8;
	[tilespmem:$0xC530] =	vst v63  }
0x5b: {  	s30 =	simm.s32 $0x4  }
0x5c: {  	_ =	swait.ge [sflag:s30], $0x7D0  }
0x5d: {  	[sflag:s30] =	ssyncset.done $0x0  }
0x5e: {  	[sflag:s30] =	ssyncadd.s32 $0xFFFFF830;
	s30 =	sadd.s32 $0x2900, s28  }
0x5f: {  	[spmem:s1] =	stream.indirect.scatter.add.f32 [tilespmem:s13], [sflag:$0xE], $0x10, s30, s20, $0xb8;
	[tilespmem:$0xC530] =	vst v63  }
0x60: {  	s30 =	simm.s32 $0x5  }
0x61: {  	_ =	swait.ge [sflag:s30], $0x7D0  }
0x62: {  	[sflag:s30] =	ssyncset.done $0x0  }
0x63: {  	[sflag:s30] =	ssyncadd.s32 $0xFFFFF830;
	s30 =	sadd.s32 $0x2980, s28  }
0x64: {  	[spmem:s1] =	stream.indirect.scatter.add.f32 [tilespmem:s24], [sflag:$0xF], $0x10, s30, s20, $0xb8;
	[tilespmem:$0xC530] =	vst v63  }
0x65: {  	s30 =	simm.s32 $0x6  }
0x66: {  	_ =	swait.ge [sflag:s30], $0x7D0  }
0x67: {  	[sflag:s30] =	ssyncset.done $0x0  }
0x68: {  	[sflag:s30] =	ssyncadd.s32 $0xFFFFF830;
	s30 =	sadd.s32 $0x2A00, s28  }
0x69: {  	[spmem:s1] =	stream.indirect.scatter.add.f32 [tilespmem:s5], [sflag:$0x10], $0x10, s30, s20, $0xb8;
	[tilespmem:$0xC530] =	vst v63  }
0x6a: {  	_ =	swait.ge [sflag:s22], $0x7D0  }
0x6b: {  	[sflag:s22] =	ssyncset.done $0x0  }
0x6c: {  	s30 =	sadd.s32 $0x2A80, s28;
	[sflag:s22] =	ssyncadd.s32 $0xFFFFF830  }
0x6d: {  	[spmem:s1] =	stream.indirect.scatter.add.f32 [tilespmem:s26], [sflag:$0x11], $0x10, s30, s20, $0xb8;
	[tilespmem:$0xC530] =	vst v63  }
0x6e: {  	_ =	swait.ge [sflag:s4], $0x7D0  }
0x6f: {  	[sflag:s4] =	ssyncset.done $0x0  }
0x70: {  	s30 =	sadd.s32 $0x2B00, s28;
	[sflag:s4] =	ssyncadd.s32 $0xFFFFF830  }
0x71: {  	[spmem:s1] =	stream.indirect.scatter.add.f32 [tilespmem:s29], [sflag:$0x12], $0x10, s30, s20, $0xb8;
	[tilespmem:$0xC530] =	vst v63  }
0x72: {  	_ =	swait.ge [sflag:s6], $0x7D0  }
0x73: {  	[sflag:s6] =	ssyncset.done $0x0  }
0x74: {  	s30 =	sadd.s32 $0x2B80, s28;
	[sflag:s6] =	ssyncadd.s32 $0xFFFFF830  }
0x75: {  	[spmem:s1] =	stream.indirect.scatter.add.f32 [tilespmem:s31], [sflag:$0x13], $0x10, s30, s20, $0xb8;
	[tilespmem:$0xC530] =	vst v63  }
0x76: {  	_ =	swait.ge [sflag:s7], $0x7D0  }
0x77: {  	[sflag:s7] =	ssyncset.done $0x0  }
0x78: {  	s30 =	sadd.s32 $0x2C00, s28;
	[sflag:s7] =	ssyncadd.s32 $0xFFFFF830  }
0x79: {  	[spmem:s1] =	stream.indirect.scatter.add.f32 [tilespmem:s10], [sflag:$0x14], $0x10, s30, s20, $0xb8;
	[tilespmem:$0xC530] =	vst v63  }
0x7a: {  	_ =	swait.ge [sflag:s8], $0x7D0  }
0x7b: {  	p3 =	seq.s32 s25, $0x8C00;
	[sflag:s8] =	ssyncset.done $0x0  }
.Ltmp2:
0x7c: {  	s30 =	sadd.s32 $0x2C80, s28;
	[sflag:s8] =	ssyncadd.s32 $0xFFFFF830;
	(pc) =	sbr.rel @p3 .LBB2_4-.Ltmp2, $4  }
0x7d: {  	[spmem:s1] =	stream.indirect.scatter.add.f32 [tilespmem:s12], [sflag:$0x15], $0x10, s30, s20, $0xb8;
	[tilespmem:$0xC530] =	vst v63  }
0x7e: {  	_ =	swait.ge [sflag:s11], $0x7D0  }
0x7f: {  	[sflag:s11] =	ssyncset.done $0x0  }
0x80: {  	[sflag:s11] =	ssyncadd.s32 $0xFFFFF830  }
0x81: {  	s30 =	sadd.s32 $0x500, s28  }
0x82: {  	[tilespmem:s0], [sflag:$0x2] =	stream.indirect.gather [hbm4b:s3+s20], $0x10, s30, s20, $0xb8;
	[tilespmem:$0xC530] =	vst v63  }
0x83: {  	_ =	swait.ge [sflag:s14], $0x7D0  }
0x84: {  	[sflag:s14] =	ssyncset.done $0x0  }
0x85: {  	s30 =	sadd.s32 $0x580, s28;
	[sflag:s14] =	ssyncadd.s32 $0xFFFFF830  }
0x86: {  	[tilespmem:s15], [sflag:$0x3] =	stream.indirect.gather [hbm4b:s3+s20], $0x10, s30, s20, $0xb8;
	[tilespmem:$0xC530] =	vst v63  }
0x87: {  	_ =	swait.ge [sflag:s18], $0x7D0  }
0x88: {  	[sflag:s18] =	ssyncset.done $0x0  }
0x89: {  	s30 =	sadd.s32 $0x600, s28;
	[sflag:s18] =	ssyncadd.s32 $0xFFFFF830  }
0x8a: {  	[tilespmem:s13], [sflag:$0x4] =	stream.indirect.gather [hbm4b:s3+s20], $0x10, s30, s20, $0xb8;
	[tilespmem:$0xC530] =	vst v63  }
0x8b: {  	_ =	swait.ge [sflag:s2], $0x7D0  }
0x8c: {  	[sflag:s2] =	ssyncset.done $0x0  }
0x8d: {  	s30 =	sadd.s32 $0x680, s28;
	[sflag:s2] =	ssyncadd.s32 $0xFFFFF830  }
0x8e: {  	[tilespmem:s24], [sflag:$0x5] =	stream.indirect.gather [hbm4b:s3+s20], $0x10, s30, s20, $0xb8;
	[tilespmem:$0xC530] =	vst v63  }
0x8f: {  	_ =	swait.ge [sflag:s16], $0x7D0  }
0x90: {  	[sflag:s16] =	ssyncset.done $0x0  }
0x91: {  	s30 =	sadd.s32 $0x700, s28;
	[sflag:s16] =	ssyncadd.s32 $0xFFFFF830  }
0x92: {  	[tilespmem:s5], [sflag:$0x6] =	stream.indirect.gather [hbm4b:s3+s20], $0x10, s30, s20, $0xb8;
	[tilespmem:$0xC530] =	vst v63  }
0x93: {  	_ =	swait.ge [sflag:s19], $0x7D0  }
0x94: {  	[sflag:s19] =	ssyncset.done $0x0  }
0x95: {  	s30 =	sadd.s32 $0x780, s28;
	[sflag:s19] =	ssyncadd.s32 $0xFFFFF830  }
0x96: {  	[tilespmem:s26], [sflag:$0x7] =	stream.indirect.gather [hbm4b:s3+s20], $0x10, s30, s20, $0xb8;
	[tilespmem:$0xC530] =	vst v63  }
0x97: {  	_ =	swait.ge [sflag:s9], $0x7D0  }
0x98: {  	[sflag:s9] =	ssyncset.done $0x0  }
0x99: {  	s30 =	sadd.s32 $0x800, s28;
	[sflag:s9] =	ssyncadd.s32 $0xFFFFF830  }
0x9a: {  	[tilespmem:s29], [sflag:$0x8] =	stream.indirect.gather [hbm4b:s3+s20], $0x10, s30, s20, $0xb8;
	[tilespmem:$0xC530] =	vst v63  }
0x9b: {  	_ =	swait.ge [sflag:s17], $0x7D0  }
0x9c: {  	[sflag:s17] =	ssyncset.done $0x0  }
0x9d: {  	s30 =	sadd.s32 $0x880, s28;
	[sflag:s17] =	ssyncadd.s32 $0xFFFFF830  }
0x9e: {  	[tilespmem:s31], [sflag:$0x9] =	stream.indirect.gather [hbm4b:s3+s20], $0x10, s30, s20, $0xb8;
	[tilespmem:$0xC530] =	vst v63  }
0x9f: {  	_ =	swait.ge [sflag:s21], $0x7D0  }
0xa0: {  	[sflag:s21] =	ssyncset.done $0x0  }
0xa1: {  	s30 =	sadd.s32 $0x900, s28;
	[sflag:s21] =	ssyncadd.s32 $0xFFFFF830  }
0xa2: {  	[tilespmem:s10], [sflag:$0xA] =	stream.indirect.gather [hbm4b:s3+s20], $0x10, s30, s20, $0xb8;
	[tilespmem:$0xC530] =	vst v63  }
.Ltmp3:
0xa3: {  	_ = 	snop;
	(pc) =	sbr.rel .LBB2_2-.Ltmp3, $4  }
0xa4: {  	_ =	swait.ge [sflag:s23], $0x7D0  }
0xa5: {  	s12 =	simm.s32 $0x9650;
	[sflag:s23] =	ssyncset.done $0x0  }
0xa6: {  	s25 =	sadd.s32 $0x1400, s25;
	s30 =	sadd.s32 $0x980, s28;
	[sflag:s23] =	ssyncadd.s32 $0xFFFFF830  }
0xa7: {  	[tilespmem:s12], [sflag:$0xB] =	stream.indirect.gather [hbm4b:s3+s20], $0x10, s30, s20, $0xb8;
	[tilespmem:$0xC530] =	vst v63  }
.LBB2_4:
0xa8: {  	_ =	swait.ge [sflag:s14], $0x7D0  }
0xa9: {  	[sflag:s14] =	ssyncset.done $0x0  }
0xaa: {  	[sflag:s14] =	ssyncadd.s32 $0xFFFFF830  }
0xab: {  	_ =	swait.ge [sflag:s18], $0x7D0  }
0xac: {  	[sflag:s18] =	ssyncset.done $0x0  }
0xad: {  	[sflag:s18] =	ssyncadd.s32 $0xFFFFF830  }
0xae: {  	_ =	swait.ge [sflag:s2], $0x7D0  }
0xaf: {  	[sflag:s2] =	ssyncset.done $0x0  }
0xb0: {  	[sflag:s2] =	ssyncadd.s32 $0xFFFFF830  }
0xb1: {  	_ =	swait.ge [sflag:s16], $0x7D0  }
0xb2: {  	[sflag:s16] =	ssyncset.done $0x0  }
0xb3: {  	[sflag:s16] =	ssyncadd.s32 $0xFFFFF830  }
0xb4: {  	_ =	swait.ge [sflag:s19], $0x7D0  }
0xb5: {  	[sflag:s19] =	ssyncset.done $0x0  }
0xb6: {  	[sflag:s19] =	ssyncadd.s32 $0xFFFFF830  }
0xb7: {  	_ =	swait.ge [sflag:s9], $0x7D0  }
0xb8: {  	[sflag:s9] =	ssyncset.done $0x0  }
0xb9: {  	[sflag:s9] =	ssyncadd.s32 $0xFFFFF830  }
0xba: {  	_ =	swait.ge [sflag:s17], $0x7D0  }
0xbb: {  	[sflag:s17] =	ssyncset.done $0x0  }
0xbc: {  	[sflag:s17] =	ssyncadd.s32 $0xFFFFF830  }
0xbd: {  	_ =	swait.ge [sflag:s21], $0x7D0  }
0xbe: {  	[sflag:s21] =	ssyncset.done $0x0  }
0xbf: {  	[sflag:s21] =	ssyncadd.s32 $0xFFFFF830  }
.Ltmp4:
0xc0: {  	_ =	swait.ge [sflag:s23], $0x7D0;
	(pc) =	sbr.rel @!p1 .LBB2_5-.Ltmp4, $3  }
0xc1: {  	[sflag:s23] =	ssyncset.done $0x0  }
0xc2: {  	[sflag:s23] =	ssyncadd.s32 $0xFFFFF830  }
0xc3: {  	[bflag:$0x0] =	sbarrier.arrive $0xFFFF;
	_ =	sdelay $0x1  }
0xc4: {  	s30 =	rddreg [dreg:$0x8]  }
0xc5: {  	s25 =	rddreg [dreg:$0xc]  }
0xc6: {  	s28 =	rddreg [dreg:$0xe]  }
0xc7: {  	[hbm:s25], [sflag:s30] =	dma.local [spmem:s28], $0x4E0  }
.Ltmp5:
0xc8: {  	_ = 	snop;
	(pc) =	sbr.rel @p0 .LBB2_8-.Ltmp5, $4  }
.Ltmp6:
0xc9: {  	s28 =	simm.s32 $0x16;
	(pc) =	sbr.rel @!p0 .LBB2_7-.Ltmp6, $4  }
0xca: {  	_ =	swait.ge [sflag:s28], $0x4E0  }
0xcb: {  	[sflag:s28] =	ssyncset.done $0x0;
	s25 =	rddreg [dreg:$0x4]  }
0xcc: {  	s0 =	rddreg [dreg:$0x10];
	[sflag:s28] =	ssyncadd.s32 $0xFFFFFB20  }
0xcd: {  	_ = 	snop  }
.LBB2_5:
0xce: {  	s30 =	rddreg [dreg:$0x8]  }
0xcf: {  	s25 =	rddreg [dreg:$0xb]  }
0xd0: {  	s28 =	rddreg [dreg:$0xe]  }
0xd1: {  	[hbm:s25], [sflag:s30] =	dma.local [spmem:s28], $0x4E0  }
.Ltmp7:
0xd2: {  	_ = 	snop;
	(pc) =	sbr.rel @!p2 .LBB2_8-.Ltmp7, $4  }
.Ltmp8:
0xd3: {  	s28 =	simm.s32 $0x16;
	(pc) =	sbr.rel @p2 .LBB2_7-.Ltmp8, $4  }
0xd4: {  	_ =	swait.ge [sflag:s28], $0x4E0  }
0xd5: {  	[sflag:s28] =	ssyncset.done $0x0;
	s25 =	rddreg [dreg:$0x3]  }
0xd6: {  	s0 =	rddreg [dreg:$0x10];
	[sflag:s28] =	ssyncadd.s32 $0xFFFFFB20  }
0xd7: {  	_ = 	snop  }
.LBB2_9:
0xd8: {  	_ =	sfence.sel $0x180000  }
0xd9: {  	[bflag:$0x0] =	sbarrier.arrive $0xFFFF  }
0xda: {  	_ =	strace $0x9000004D  }
0xdb: {  	[bflag:$0x2] =	sbarrier.arrive $0xFFFF  }
0xdc: {  	s0 =	rddreg [dreg:$0x2]  }
0xdd: {  	s0 =	sadd.s32 @!p0 $0x100000, s0  }
0xde: {  	[sflag:s0] =	ssyncadd.tile.s32 @!p0 $0x1;
	_ =	shalt  }
.Lfunc_end2:
_tile_overlayer_lowered:
.L_overlay_start_2:
0xdf: {  	(tag) =	ssettag $0x2  }
0xe0: {  	s0 =	rddreg [dreg:$0x0];
	s2 =	stileid.u32  }
0xe1: {  	s1 =	rddreg [dreg:$0x1];
	p0 =	sne.s32 s2, $0x0  }
0xe2: {  	s3 =	rddreg [dreg:$0x2];
	[bflag:$0x3] =	sbarrier.arrive $0xFFFF;
	s2 =	simm.s32 @!p0 $0x1C16  }
0xe3: {  	[timem:s3], [sflag:s2] =	dma.local @!p0 [hbm:s0], s1  }
0xe4: {  	s0 =	simm.s32 @!p0 $0x16  }
0xe5: {  	_ =	swait.ge @!p0 [sflag:s0], s1  }
0xe6: {  	s1 =	ssub.s32 @!p0 $0x0, s1;
	[sflag:s0] =	ssyncset.done @!p0 $0x0  }
0xe7: {  	[sflag:s0] =	ssyncadd.s32 @!p0 s1  }
0xe8: {  	[bflag:$0x3] =	sbarrier.arrive $0xFFFF  }
0xe9: {  	_ =	shalt  }

// kernel: kernel.9.cloned.1.call-start
scs
__scs_entry_jumppad:
0x0: {  	(pc) =	sbr.rel $0x88, $3  }
0x1: {  	(tag) =	ssettag $0x0;
	lr =	simm.s32 $0x1  }
0x2: {  	[smem:$0x3F9B] =	sst lr;
	_ =	strace $0xD0000000  }
0x3: {  	_ = 	snop  }
0x4: {  	_ = 	snop  }
0x5: {  	_ = 	snop  }
0x6: {  	_ = 	snop  }
0x7: {  	_ = 	snop  }
__scs_overlays_trampoline_lowered:
0x8: {  	[smem:$0x3FAA] =	sst s0  }
0x9: {  	[smem:$0x3FAB] =	sst s1  }
0xa: {  	[smem:$0x3FAC] =	sst s2  }
0xb: {  	[smem:$0x3FAD] =	sst s3  }
0xc: {  	[smem:$0x3FAE] =	sst s4  }
0xd: {  	[smem:$0x3FAF] =	sst s5  }
0xe: {  	[smem:$0x3FB0] =	sst s6  }
0xf: {  	[smem:$0x3FB1] =	sst s7  }
0x10: {  	[smem:$0x3FB2] =	sst s8  }
0x11: {  	[smem:$0x3FB3] =	sst s9;
	s0 =	simm.s32 @!p0 $0x0  }
0x12: {  	s1 =	sld [smem:$0x3F99];
	s0 =	simm.s32 @p0 $0x1  }
0x13: {  	[smem:$0x3FB4] =	sst s0;
	s0 =	simm.s32 @!p1 $0x0  }
0x14: {  	s2 =	sld [smem:$0x3F98];
	s0 =	simm.s32 @p1 $0x1  }
0x15: {  	[smem:$0x3FB5] =	sst s0;
	s0 =	simm.s32 @!p2 $0x0  }
0x16: {  	s3 =	sld [smem:$0x3FDB];
	s0 =	simm.s32 @p2 $0x1  }
0x17: {  	s4 =	simm.s32 $0x1BF5;
	[smem:$0x3FB7] =	sst s0  }
0x18: {  	s0 =	sld [smem:$0x3F9A];
	_ =	swait.ge [sflag:s4], $0x0  }
0x19: {  	s7 =	sld [smem:$0x3F9B]  }
0x1a: {  	s8 =	sadd.s32 $0xFFFFE003, lr  }
0x1b: {  	s9 =	sadd.s32 $0xFFFFFEF7, lr;
	s5 =	simm.s32 $0xFFFFFFFF;
	p2 =	slt.u32 s8, $0xFFFFF086  }
0x1c: {  	p1 =	slt.u32 s9, $0xF7A;
	s5 =	simm.s32 @!p2 $0x0  }
0x1d: {  	s5 =	simm.s32 @p1 $0x1;
	p0 =	seq.s32 s7, s2  }
0x1e: {  	s7 =	smul.u32 @!p0 $0xF7A, s2;
	p2 =	seq.s32 @!p0 s5, $0x0  }
0x1f: {  	s9 =	smul.u32 $0xF7A, s1;
	s8 =	simm.s32 @!p0 $0x1BF5;
	p2 =	por !p2, p0  }
0x20: {  	[sflag:s8] =	ssyncset.s32 @!p0 $0xFFFFF086;
	s6 =	sadd.s32 @!p0 s3, s7;
	s7 =	simm.s32 @!p0 $0x108  }
0x21: {  	s3 =	sadd.s32 s3, s9;
	s6 =	sadd.s32 @!p0 $0x88, s6;
	s7 =	simm.s32 @p2 $0x1082  }
0x22: {  	[simem:s7], [sflag:s8] =	dma.local @!p0 [hbm:s6], $0xF7A  }
0x23: {  	s9 =	sor.u32 $0xD0000000, s2;
	s6 =	simm.s32 $0x108;
	_ =	swait.ge @!p0 [sflag:s8], $0x0  }
0x24: {  	s3 =	sadd.s32 $0x88, s3;
	s6 =	simm.s32 @!p1 $0x1082;
	[sflag:s4] =	ssyncset.s32 $0xFFFFF086  }
0x25: {  	[simem:s6], [sflag:s4] =	dma.local [hbm:s3], $0xF7A  }
0x26: {  	[smem:$0x3F9B] =	sst s1;
	(tag) =	ssettag s2;
	_ =	strace s9  }
0x27: {  	s1 =	sld [smem:$0x3FAB]  }
0x28: {  	s2 =	sld [smem:$0x3FAC]  }
0x29: {  	s4 =	sld [smem:$0x3FAE]  }
0x2a: {  	p0 =	seq.s32 s5, $0x0;
	s5 =	sld [smem:$0x3FAF]  }
0x2b: {  	s6 =	sld [smem:$0x3FB0]  }
0x2c: {  	s7 =	sld [smem:$0x3FB1]  }
0x2d: {  	s3 =	simm.s32 $0x108;
	s8 =	sld [smem:$0x3FB2]  }
0x2e: {  	s3 =	simm.s32 @!p0 $0x1082;
	s9 =	sld [smem:$0x3FB3]  }
0x2f: {  	lr =	sadd.s32 s0, s3;
	s0 =	sld [smem:$0x3FAA]  }
0x30: {  	s3 =	sld [smem:$0x3FAD]  }
0x31: {  	[smem:$0x3FB6] =	sst s10  }
0x32: {  	s10 =	sld [smem:$0x3FB4];
	_ =	sdelay $0x3  }
0x33: {  	p0 =	seq.s32 s10, $0x1;
	s10 =	sld [smem:$0x3FB6];
	_ =	sdelay $0x3  }
0x34: {  	[smem:$0x3FB6] =	sst s10  }
0x35: {  	s10 =	sld [smem:$0x3FB5];
	_ =	sdelay $0x3  }
0x36: {  	p1 =	seq.s32 s10, $0x1;
	s10 =	sld [smem:$0x3FB6];
	_ =	sdelay $0x3  }
0x37: {  	[smem:$0x3FB6] =	sst s10  }
0x38: {  	s10 =	sld [smem:$0x3FB7]  }
0x39: {  	_ = 	snop;
	(pc) =	sbr.ind lr, $3  }
0x3a: {  	_ = 	snop  }
0x3b: {  	_ = 	snop  }
0x3c: {  	p2 =	seq.s32 s10, $0x1;
	s10 =	sld [smem:$0x3FB6]  }
0x3d: {  	_ =	shalt  }
0x3e: {  	_ =	shalt  }
0x3f: {  	_ =	shalt  }
0x40: {  	_ =	shalt  }
0x41: {  	_ =	shalt  }
0x42: {  	_ =	shalt  }
0x43: {  	_ =	shalt  }
0x44: {  	_ =	shalt  }
0x45: {  	_ =	shalt  }
0x46: {  	_ =	shalt  }
0x47: {  	_ =	shalt  }
0x48: {  	_ =	shalt  }
0x49: {  	_ =	shalt  }
0x4a: {  	_ =	shalt  }
0x4b: {  	_ =	shalt  }
0x4c: {  	_ =	shalt  }
0x4d: {  	_ =	shalt  }
0x4e: {  	_ =	shalt  }
0x4f: {  	_ =	shalt  }
0x50: {  	_ =	shalt  }
0x51: {  	_ =	shalt  }
0x52: {  	_ =	shalt  }
0x53: {  	_ =	shalt  }
0x54: {  	_ =	shalt  }
0x55: {  	_ =	shalt  }
0x56: {  	_ =	shalt  }
0x57: {  	_ =	shalt  }
0x58: {  	_ =	shalt  }
0x59: {  	_ =	shalt  }
0x5a: {  	_ =	shalt  }
0x5b: {  	_ =	shalt  }
0x5c: {  	_ =	shalt  }
0x5d: {  	_ =	shalt  }
0x5e: {  	_ =	shalt  }
0x5f: {  	_ =	shalt  }
0x60: {  	_ =	shalt  }
0x61: {  	_ =	shalt  }
0x62: {  	_ =	shalt  }
0x63: {  	_ =	shalt  }
0x64: {  	_ =	shalt  }
0x65: {  	_ =	shalt  }
0x66: {  	_ =	shalt  }
0x67: {  	_ =	shalt  }
0x68: {  	_ =	shalt  }
0x69: {  	_ =	shalt  }
0x6a: {  	_ =	shalt  }
0x6b: {  	_ =	shalt  }
0x6c: {  	_ =	shalt  }
0x6d: {  	_ =	shalt  }
0x6e: {  	_ =	shalt  }
0x6f: {  	_ =	shalt  }
0x70: {  	_ =	shalt  }
0x71: {  	_ =	shalt  }
0x72: {  	_ =	shalt  }
0x73: {  	_ =	shalt  }
0x74: {  	_ =	shalt  }
0x75: {  	_ =	shalt  }
0x76: {  	_ =	shalt  }
0x77: {  	_ =	shalt  }
0x78: {  	_ =	shalt  }
0x79: {  	_ =	shalt  }
0x7a: {  	_ =	shalt  }
0x7b: {  	_ =	shalt  }
0x7c: {  	_ =	shalt  }
0x7d: {  	_ =	shalt  }
0x7e: {  	_ =	shalt  }
0x7f: {  	_ =	shalt  }
0x80: {  	_ =	shalt  }
0x81: {  	_ =	shalt  }
0x82: {  	_ =	shalt  }
0x83: {  	_ =	shalt  }
0x84: {  	_ =	shalt  }
0x85: {  	_ =	shalt  }
0x86: {  	_ =	shalt  }
0x87: {  	_ =	shalt  }
.Lfunc_end0:
.L_simem_size_0:
called_computation_lowered:
.L_overlay_start_0:
0x88: {  	s2 =	sld [smem:$0x3FD9]  }
0x89: {  	s3 =	sld [smem:$0x3FFE];
	_ =	sdelay $0x1  }
0x8a: {  	s1 =	srdreg.scid  }
0x8b: {  	s0 =	sand.u32 $0x1, s1  }
0x8c: {  	s17 =	sshll.u32 s0, $0xA;
	s2 =	sadd.s32 s3, s2  }
0x8d: {  	s2 =	sadd.s32 s2, s17  }
0x8e: {  	[smem:$0x3FC2] =	sst s2  }
0x8f: {  	_ = 	snop  }
0x90: {  	s2 =	sld [smem:$0x3FD0];
	(tm) =	ssettm $0x1  }
0x91: {  	s18 =	sld [smem:$0x3FFB];
	_ =	sdelay $0x3  }
0x92: {  	_ =	strace s18  }
0x93: {  	s3 =	sld [smem:$0x3FFC];
	_ =	sdelay $0x3  }
0x94: {  	_ =	strace s3  }
0x95: {  	s3 =	sld [smem:$0x3FFD];
	_ =	sdelay $0x3  }
0x96: {  	_ =	strace s3  }
0x97: {  	_ =	strace $0x8FFFFFFF  }
0x98: {  	s19 =	sld [smem:$0x3FDB];
	_ =	sdelay $0x1  }
0x99: {  	s4 =	simm.s32 $_scs_section_size  }
0x9a: {  	s5 =	simm.s32 $_size__tile_overlayer_lowered;
	s6 =	simm.s32 $_tile_overlayer_lowered  }
0x9b: {  	s22 =	simm.s32 $0x1BFF;
	s21 =	sshll.u32 s6, $0x1;
	s3 =	sadd.s32 s4, s19  }
0x9c: {  	s7 =	simm.s32 $0x0;
	s20 =	sshll.u32 s5, $0x1;
	s5 =	sadd.s32 s21, s3  }
0x9d: {  	[timem:s7], [sflag:s22] =	dma.local [hbm:s5], s20  }
0x9e: {  	_ =	swait.ge [sflag:s22], s20  }
0x9f: {  	s4 =	ssub.s32 $0x0, s20;
	[sflag:s22] =	ssyncset.done $0x0  }
0xa0: {  	[sflag:s22] =	ssyncadd.s32 s4;
	_ =	sdelay $0x1  }
0xa1: {  	s23 =	simm.s32 $0x1B8B  }
0xa2: {  	_ =	swait.ge [sflag:s23], $0x1  }
0xa3: {  	[sflag:s23] =	ssyncset.done $0x0  }
0xa4: {  	s25 =	simm.s32 $0x1B8E;
	s24 =	sld [smem:$0x3FFE];
	[sflag:s23] =	ssyncadd.s32 $0xFFFFFFFF  }
0xa5: {  	s26 =	simm.s32 $execute0_lowered;
	[smem:$0x3FD2] =	sst s25  }
0xa6: {  	s5 =	sshll.u32 s26, $0x1;
	_ =	strace $0x80000046;
	[dreg:$0x1] =	wrdreg $0xFFFFFFFF  }
0xa7: {  	s28 =	simm.s32 $_size_execute0_lowered;
	s3 =	sadd.s32 s3, s5;
	[dreg:$0x0] =	wrdreg $0x0  }
0xa8: {  	s5 =	sshll.u32 s28, $0x1;
	[dreg:$0x2] =	wrdreg s3  }
0xa9: {  	[dreg:$0x3] =	wrdreg s5  }
0xaa: {  	[dreg:$0x4] =	wrdreg $0xC0  }
0xab: {  	_ =	task [dreg:s7], $0x5FFFF  }
0xac: {  	[dreg:$0x1] =	wrdreg $0xFFFFFFFF  }
0xad: {  	[dreg:$0x0] =	wrdreg $0x60  }
0xae: {  	[dreg:$0x2] =	wrdreg s2  }
0xaf: {  	[dreg:$0x3] =	wrdreg s24  }
0xb0: {  	[dreg:$0x4] =	wrdreg $0x2FD00  }
0xb1: {  	[dreg:$0x5] =	wrdreg $0x9  }
0xb2: {  	_ =	task.clear_ibuf [dreg:s7], $0x6FFFF;
	_ =	strace $0x90000046  }
0xb3: {  	s29 =	simm.s32 $0x9;
	_ =	strace $0x80000048  }
0xb4: {  	_ =	swait.ge [sflag:s29], $0x1  }
0xb5: {  	[sflag:s29] =	ssyncadd.s32 $0xFFFFFFFF  }
0xb6: {  	_ =	strace $0x90000048  }
0xb7: {  	_ =	sfence  }
0xb8: {  	s30 =	sld [smem:$0x0];
	_ =	sdelay $0x2  }
0xb9: {  	s31 =	sshll.u32 s1, $0xD;
	s1 =	sshrl.u32 s1, $0x2  }
0xba: {  	s3 =	sand.u32 $0x4000, s31;
	s1 =	sadd.s32 s1, s30  }
0xbb: {  	s0 =	sor.u32 s3, s0;
	s1 =	sshll.u32 s1, $0x11  }
0xbc: {  	s0 =	sor.u32 s1, s0  }
0xbd: {  	s0 =	sadd.s32 $0x8F2B, s0  }
0xbe: {  	[sflag:s0] =	ssyncadd.remote.s32 $0x1  }
0xbf: {  	_ =	sfence.sel $0xFFFF  }
0xc0: {  	[dreg:$0x0] =	wrdreg $0xFFFFFFFF;
	(pc) =	sbr.abs _section_cstart, $3  }
0xc1: {  	[dreg:$0x1] =	wrdreg $0xFFFFFFFF  }
0xc2: {  	_ =	task.clear_ibuf [dreg:s7], $0x2FFFF;
	_ =	strace $0x9FFFFFFF  }
0xc3: {  	(tm) =	ssettm $0x7FFFFFFF  }
tec
execute0_lowered:
.L_overlay_start_1:
0x0: {  	(tag) =	ssettag $0x1  }
0x1: {  	s1 =	rddreg [dreg:$0x0]  }
0x2: {  	s9 =	rddreg [dreg:$0x1]  }
0x3: {  	s0 =	srdreg.scid;
	s2 =	rddreg [dreg:$0x2]  }
0x4: {  	s21 =	stileid.u32;
	s3 =	simm.s32 $0x0;
	s14 =	simm.s32 $0x3  }
0x5: {  	s16 =	simm.s32 $0x2800;
	s17 =	simm.s32 $0x1;
	s18 =	simm.s32 $0x7D  }
0x6: {  	s19 =	simm.s32 $0x2;
	s10 =	sand.u32 $0x1, s0;
	s0 =	rddreg [dreg:$0x3]  }
0x7: {  	s7 =	smul.u32 $0x2700, s21;
	[smem:$0x7FF] =	sst s3;
	s31 =	sshll.u32 s21, $0x6  }
0x8: {  	s20 =	sadd.s32 $0x27000, s2;
	p0 =	sne.s32 s21, $0x0;
	p2 =	seq.s32 s21, $0x0  }
0x9: {  	s4 =	sshll.u32 s10, $0x4;
	_ =	strace $0x80000047;
	s6 =	ssub.s32 $0x2, s10  }
0xa: {  	p1 =	seq.s32 s10, $0x1;
	s15 =	sshrl.u32 @!p0 s20, $0x3;
	s20 =	sshrl.u32 s20, $0x3  }
0xb: {  	s4 =	sor.u32 s21, s4;
	s11 =	sshrl.u32 s7, $0x3;
	s12 =	sshrl.u32 s6, $0x1  }
0xc: {  	s30 =	sadd.s32 s7, s2;
	s21 =	simm.s32 $0x0;
	s4 =	smul.u32 $0x2800, s4  }
.Ltmp0:
0xd: {  	s8 =	sadd.s32 s11, s9;
	s12 =	ssub.s32 s6, s12;
	(pc) =	sbr.rel .LBB2_1-.Ltmp0, $4  }
0xe: {  	s7 =	sadd.s32 $0x17C00, s8;
	s8 =	sor.u32 $0x1C03, s31;
	s5 =	sshrl.u32 s4, $0x3  }
0xf: {  	s12 =	smax.u32 s12, $0x1;
	s4 =	sadd.s32 $0x1CC00, s9;
	s13 =	sadd.s32 s9, s5  }
0x10: {  	s5 =	sadd.s32 $0x21C00, s9;
	s9 =	sadd.s32 $0x1CA00, s9;
	s10 =	sadd.s32 s4, s11  }
0x11: {  	s6 =	sadd.s32 $0xDC00, s13;
	s11 =	sadd.s32 s5, s11;
	s13 =	sshrl.u32 s30, $0x3  }
.LBB2_6:
0x12: {  	s22 =	sadd.s32 $0x4E00, s22  }
0x13: {  	[hbm:s22], [sflag:s8] =	dma.local [spmem:s20], $0x20  }
0x14: {  	_ =	swait.ge [sflag:s14], $0x20  }
0x15: {  	[sflag:s14] =	ssyncset.done $0x0  }
0x16: {  	[sflag:s14] =	ssyncadd.s32 $0xFFFFFFE0  }
.LBB2_7:
0x17: {  	s21 =	sadd.s32 $0x1, s21  }
0x18: {  	p3 =	sne.s32 s21, s12  }
.Ltmp1:
0x19: {  	_ = 	snop;
	(pc) =	sbr.rel @!p3 .LBB2_8-.Ltmp1, $1  }
0x1a: {  	_ =	sdelay $0x3  }
.LBB2_1:
0x1b: {  	[tilespmem:s3], [sflag:$0x1] =	stream.linear.gather [hbm4b:s6+s3], $0x2800, $0x38;
	[tilespmem:$0x56E0] =	vst v63  }
0x1c: {  	[spmem:s13], [sflag:s8] =	dma.local [hbm:s7], $0x4E0  }
0x1d: {  	_ =	swait.ge [sflag:s14], $0x4E0  }
0x1e: {  	[sflag:s14] =	ssyncset.done $0x0  }
0x1f: {  	s22 =	simm.s32 @!p0 $0x3;
	[sflag:s14] =	ssyncadd.s32 $0xFFFFFB20  }
0x20: {  	[spmem:s15], [sflag:s8] =	dma.local @!p0 [hbm:s9], $0x20  }
0x21: {  	_ =	swait.ge @!p0 [sflag:s22], $0x20  }
0x22: {  	[sflag:s22] =	ssyncset.done @!p0 $0x0  }
0x23: {  	[sflag:s22] =	ssyncadd.s32 @!p0 $0xFFFFFFE0  }
0x24: {  	[tilespmem:s16], [sflag:$0x3] =	stream.linear.gather [hbm4b:s1+s3], $0x7D0, $0x38;
	[tilespmem:$0x56E0] =	vst v63  }
0x25: {  	_ =	swait.ge [sflag:s14], $0x7D0  }
0x26: {  	[sflag:s14] =	ssyncset.done $0x0  }
0x27: {  	[sflag:s14] =	ssyncadd.s32 $0xFFFFF830  }
0x28: {  	_ =	swait.ge [sflag:s17], $0x2800  }
0x29: {  	[sflag:s17] =	ssyncset.done $0x0  }
0x2a: {  	[sflag:s17] =	ssyncadd.s32 $0xFFFFD800  }
0x2b: {  	s30 =	simm.s32 $0x0;
	[bflag:$0x0] =	sbarrier.arrive $0xFFFF  }
0x2c: {  	[spmem:s2] =	stream.indirect.scatter.add.f32 [tilespmem:s16], [sflag:$0x2], $0x10, s30, s18, $0xb8;
	[tilespmem:$0x56E0] =	vst v63  }
0x2d: {  	s31 =	simm.s32 $0x80  }
0x2e: {  	[spmem:s2] =	stream.indirect.scatter.add.f32 [tilespmem:s16], [sflag:$0x2], $0x10, s31, s18, $0xb8;
	[tilespmem:$0x56E0] =	vst v63  }
0x2f: {  	s23 =	simm.s32 $0x100  }
0x30: {  	[spmem:s2] =	stream.indirect.scatter.add.f32 [tilespmem:s16], [sflag:$0x2], $0x10, s23, s18, $0xb8;
	[tilespmem:$0x56E0] =	vst v63  }
0x31: {  	s24 =	simm.s32 $0x180  }
0x32: {  	[spmem:s2] =	stream.indirect.scatter.add.f32 [tilespmem:s16], [sflag:$0x2], $0x10, s24, s18, $0xb8;
	[tilespmem:$0x56E0] =	vst v63  }
0x33: {  	s25 =	simm.s32 $0x200  }
0x34: {  	[spmem:s2] =	stream.indirect.scatter.add.f32 [tilespmem:s16], [sflag:$0x2], $0x10, s25, s18, $0xb8;
	[tilespmem:$0x56E0] =	vst v63  }
0x35: {  	s26 =	simm.s32 $0x280  }
0x36: {  	[spmem:s2] =	stream.indirect.scatter.add.f32 [tilespmem:s16], [sflag:$0x2], $0x10, s26, s18, $0xb8;
	[tilespmem:$0x56E0] =	vst v63  }
0x37: {  	s28 =	simm.s32 $0x300  }
0x38: {  	[spmem:s2] =	stream.indirect.scatter.add.f32 [tilespmem:s16], [sflag:$0x2], $0x10, s28, s18, $0xb8;
	[tilespmem:$0x56E0] =	vst v63  }
0x39: {  	s29 =	simm.s32 $0x380  }
0x3a: {  	[spmem:s2] =	stream.indirect.scatter.add.f32 [tilespmem:s16], [sflag:$0x2], $0x10, s29, s18, $0xb8;
	[tilespmem:$0x56E0] =	vst v63  }
0x3b: {  	s30 =	simm.s32 $0x400  }
0x3c: {  	[spmem:s2] =	stream.indirect.scatter.add.f32 [tilespmem:s16], [sflag:$0x2], $0x10, s30, s18, $0xb8;
	[tilespmem:$0x56E0] =	vst v63  }
0x3d: {  	s31 =	simm.s32 $0x480  }
0x3e: {  	[spmem:s2] =	stream.indirect.scatter.add.f32 [tilespmem:s16], [sflag:$0x2], $0x10, s31, s18, $0xb8;
	[tilespmem:$0x56E0] =	vst v63  }
0x3f: {  	_ =	swait.ge [sflag:s19], $0x7D0  }
0x40: {  	[sflag:s19] =	ssyncset.done $0x0  }
0x41: {  	[sflag:s19] =	ssyncadd.s32 $0xFFFFF830  }
0x42: {  	_ =	swait.ge [sflag:s19], $0x7D0  }
0x43: {  	[sflag:s19] =	ssyncset.done $0x0  }
0x44: {  	[sflag:s19] =	ssyncadd.s32 $0xFFFFF830  }
0x45: {  	_ =	swait.ge [sflag:s19], $0x7D0  }
0x46: {  	[sflag:s19] =	ssyncset.done $0x0  }
0x47: {  	[sflag:s19] =	ssyncadd.s32 $0xFFFFF830  }
0x48: {  	_ =	swait.ge [sflag:s19], $0x7D0  }
0x49: {  	[sflag:s19] =	ssyncset.done $0x0  }
0x4a: {  	[sflag:s19] =	ssyncadd.s32 $0xFFFFF830  }
0x4b: {  	_ =	swait.ge [sflag:s19], $0x7D0  }
0x4c: {  	[sflag:s19] =	ssyncset.done $0x0  }
0x4d: {  	[sflag:s19] =	ssyncadd.s32 $0xFFFFF830  }
0x4e: {  	_ =	swait.ge [sflag:s19], $0x7D0  }
0x4f: {  	[sflag:s19] =	ssyncset.done $0x0  }
0x50: {  	[sflag:s19] =	ssyncadd.s32 $0xFFFFF830  }
0x51: {  	_ =	swait.ge [sflag:s19], $0x7D0  }
0x52: {  	[sflag:s19] =	ssyncset.done $0x0  }
0x53: {  	[sflag:s19] =	ssyncadd.s32 $0xFFFFF830  }
0x54: {  	_ =	swait.ge [sflag:s19], $0x7D0  }
0x55: {  	[sflag:s19] =	ssyncset.done $0x0  }
0x56: {  	[sflag:s19] =	ssyncadd.s32 $0xFFFFF830  }
0x57: {  	_ =	swait.ge [sflag:s19], $0x7D0  }
0x58: {  	[sflag:s19] =	ssyncset.done $0x0  }
0x59: {  	[sflag:s19] =	ssyncadd.s32 $0xFFFFF830  }
0x5a: {  	_ =	swait.ge [sflag:s19], $0x7D0  }
0x5b: {  	s22 =	simm.s32 $0x1400;
	s24 =	simm.s32 $0x2800;
	[sflag:s19] =	ssyncset.done $0x0  }
.LBB2_2:
0x5c: {  	s25 =	sshra.s32 s22, $0x2  }
0x5d: {  	[sflag:s19] =	ssyncadd.s32 $0xFFFFF830;
	s22 =	smov.u32 s24;
	s23 =	sadd.s32 $0x1400, s24  }
0x5e: {  	[spmem:s2] =	stream.indirect.scatter.add.f32 [tilespmem:s16], [sflag:$0x2], $0x10, s25, s18, $0xb8;
	[tilespmem:$0x56E0] =	vst v63  }
0x5f: {  	p3 =	sne.s32 s24, $0x8C00;
	s24 =	sadd.s32 $0x80, s25  }
0x60: {  	[spmem:s2] =	stream.indirect.scatter.add.f32 [tilespmem:s16], [sflag:$0x2], $0x10, s24, s18, $0xb8;
	[tilespmem:$0x56E0] =	vst v63  }
0x61: {  	s24 =	sadd.s32 $0x100, s25  }
0x62: {  	[spmem:s2] =	stream.indirect.scatter.add.f32 [tilespmem:s16], [sflag:$0x2], $0x10, s24, s18, $0xb8;
	[tilespmem:$0x56E0] =	vst v63  }
0x63: {  	s24 =	sadd.s32 $0x180, s25  }
0x64: {  	[spmem:s2] =	stream.indirect.scatter.add.f32 [tilespmem:s16], [sflag:$0x2], $0x10, s24, s18, $0xb8;
	[tilespmem:$0x56E0] =	vst v63  }
0x65: {  	s24 =	sadd.s32 $0x200, s25  }
0x66: {  	[spmem:s2] =	stream.indirect.scatter.add.f32 [tilespmem:s16], [sflag:$0x2], $0x10, s24, s18, $0xb8;
	[tilespmem:$0x56E0] =	vst v63  }
0x67: {  	s24 =	sadd.s32 $0x280, s25  }
0x68: {  	[spmem:s2] =	stream.indirect.scatter.add.f32 [tilespmem:s16], [sflag:$0x2], $0x10, s24, s18, $0xb8;
	[tilespmem:$0x56E0] =	vst v63  }
0x69: {  	s24 =	sadd.s32 $0x300, s25  }
0x6a: {  	[spmem:s2] =	stream.indirect.scatter.add.f32 [tilespmem:s16], [sflag:$0x2], $0x10, s24, s18, $0xb8;
	[tilespmem:$0x56E0] =	vst v63  }
0x6b: {  	s24 =	sadd.s32 $0x380, s25  }
0x6c: {  	[spmem:s2] =	stream.indirect.scatter.add.f32 [tilespmem:s16], [sflag:$0x2], $0x10, s24, s18, $0xb8;
	[tilespmem:$0x56E0] =	vst v63  }
0x6d: {  	s24 =	sadd.s32 $0x400, s25  }
0x6e: {  	[spmem:s2] =	stream.indirect.scatter.add.f32 [tilespmem:s16], [sflag:$0x2], $0x10, s24, s18, $0xb8;
	[tilespmem:$0x56E0] =	vst v63  }
0x6f: {  	s24 =	sadd.s32 $0x480, s25  }
0x70: {  	[spmem:s2] =	stream.indirect.scatter.add.f32 [tilespmem:s16], [sflag:$0x2], $0x10, s24, s18, $0xb8;
	[tilespmem:$0x56E0] =	vst v63  }
0x71: {  	_ =	swait.ge [sflag:s19], $0x7D0  }
0x72: {  	[sflag:s19] =	ssyncset.done $0x0  }
0x73: {  	[sflag:s19] =	ssyncadd.s32 $0xFFFFF830  }
0x74: {  	_ =	swait.ge [sflag:s19], $0x7D0  }
0x75: {  	[sflag:s19] =	ssyncset.done $0x0  }
0x76: {  	[sflag:s19] =	ssyncadd.s32 $0xFFFFF830  }
0x77: {  	_ =	swait.ge [sflag:s19], $0x7D0  }
0x78: {  	[sflag:s19] =	ssyncset.done $0x0  }
0x79: {  	[sflag:s19] =	ssyncadd.s32 $0xFFFFF830  }
0x7a: {  	_ =	swait.ge [sflag:s19], $0x7D0  }
0x7b: {  	[sflag:s19] =	ssyncset.done $0x0  }
0x7c: {  	[sflag:s19] =	ssyncadd.s32 $0xFFFFF830  }
0x7d: {  	_ =	swait.ge [sflag:s19], $0x7D0  }
0x7e: {  	[sflag:s19] =	ssyncset.done $0x0  }
0x7f: {  	[sflag:s19] =	ssyncadd.s32 $0xFFFFF830  }
0x80: {  	_ =	swait.ge [sflag:s19], $0x7D0  }
0x81: {  	[sflag:s19] =	ssyncset.done $0x0  }
0x82: {  	[sflag:s19] =	ssyncadd.s32 $0xFFFFF830  }
0x83: {  	_ =	swait.ge [sflag:s19], $0x7D0  }
0x84: {  	[sflag:s19] =	ssyncset.done $0x0  }
0x85: {  	[sflag:s19] =	ssyncadd.s32 $0xFFFFF830  }
0x86: {  	_ =	swait.ge [sflag:s19], $0x7D0  }
0x87: {  	[sflag:s19] =	ssyncset.done $0x0  }
0x88: {  	[sflag:s19] =	ssyncadd.s32 $0xFFFFF830  }
.Ltmp2:
0x89: {  	_ =	swait.ge [sflag:s19], $0x7D0;
	(pc) =	sbr.rel @p3 .LBB2_2-.Ltmp2, $4  }
0x8a: {  	[sflag:s19] =	ssyncset.done $0x0  }
0x8b: {  	[sflag:s19] =	ssyncadd.s32 $0xFFFFF830  }
0x8c: {  	_ =	swait.ge [sflag:s19], $0x7D0  }
0x8d: {  	s24 =	smov.u32 s23;
	[sflag:s19] =	ssyncset.done $0x0  }
0x8e: {  	s22 =	sshra.s32 s22, $0x2;
	[sflag:s19] =	ssyncadd.s32 $0xFFFFF830  }
0x8f: {  	[spmem:s2] =	stream.indirect.scatter.add.f32 [tilespmem:s16], [sflag:$0x2], $0x10, s22, s18, $0xb8;
	[tilespmem:$0x56E0] =	vst v63  }
0x90: {  	s23 =	sadd.s32 $0x80, s22  }
0x91: {  	[spmem:s2] =	stream.indirect.scatter.add.f32 [tilespmem:s16], [sflag:$0x2], $0x10, s23, s18, $0xb8;
	[tilespmem:$0x56E0] =	vst v63  }
0x92: {  	s24 =	sadd.s32 $0x100, s22  }
0x93: {  	[spmem:s2] =	stream.indirect.scatter.add.f32 [tilespmem:s16], [sflag:$0x2], $0x10, s24, s18, $0xb8;
	[tilespmem:$0x56E0] =	vst v63  }
0x94: {  	s25 =	sadd.s32 $0x180, s22  }
0x95: {  	[spmem:s2] =	stream.indirect.scatter.add.f32 [tilespmem:s16], [sflag:$0x2], $0x10, s25, s18, $0xb8;
	[tilespmem:$0x56E0] =	vst v63  }
0x96: {  	s26 =	sadd.s32 $0x200, s22  }
0x97: {  	[spmem:s2] =	stream.indirect.scatter.add.f32 [tilespmem:s16], [sflag:$0x2], $0x10, s26, s18, $0xb8;
	[tilespmem:$0x56E0] =	vst v63  }
0x98: {  	s28 =	sadd.s32 $0x280, s22  }
0x99: {  	[spmem:s2] =	stream.indirect.scatter.add.f32 [tilespmem:s16], [sflag:$0x2], $0x10, s28, s18, $0xb8;
	[tilespmem:$0x56E0] =	vst v63  }
0x9a: {  	s29 =	sadd.s32 $0x300, s22  }
0x9b: {  	[spmem:s2] =	stream.indirect.scatter.add.f32 [tilespmem:s16], [sflag:$0x2], $0x10, s29, s18, $0xb8;
	[tilespmem:$0x56E0] =	vst v63  }
0x9c: {  	s30 =	sadd.s32 $0x380, s22  }
0x9d: {  	[spmem:s2] =	stream.indirect.scatter.add.f32 [tilespmem:s16], [sflag:$0x2], $0x10, s30, s18, $0xb8;
	[tilespmem:$0x56E0] =	vst v63  }
0x9e: {  	s31 =	sadd.s32 $0x400, s22  }
0x9f: {  	[spmem:s2] =	stream.indirect.scatter.add.f32 [tilespmem:s16], [sflag:$0x2], $0x10, s31, s18, $0xb8;
	[tilespmem:$0x56E0] =	vst v63  }
0xa0: {  	s22 =	sadd.s32 $0x480, s22  }
0xa1: {  	[spmem:s2] =	stream.indirect.scatter.add.f32 [tilespmem:s16], [sflag:$0x2], $0x10, s22, s18, $0xb8;
	[tilespmem:$0x56E0] =	vst v63  }
0xa2: {  	_ =	swait.ge [sflag:s19], $0x7D0  }
0xa3: {  	[sflag:s19] =	ssyncset.done $0x0  }
0xa4: {  	[sflag:s19] =	ssyncadd.s32 $0xFFFFF830  }
0xa5: {  	_ =	swait.ge [sflag:s19], $0x7D0  }
0xa6: {  	[sflag:s19] =	ssyncset.done $0x0  }
0xa7: {  	[sflag:s19] =	ssyncadd.s32 $0xFFFFF830  }
0xa8: {  	_ =	swait.ge [sflag:s19], $0x7D0  }
0xa9: {  	[sflag:s19] =	ssyncset.done $0x0  }
0xaa: {  	[sflag:s19] =	ssyncadd.s32 $0xFFFFF830  }
0xab: {  	_ =	swait.ge [sflag:s19], $0x7D0  }
0xac: {  	[sflag:s19] =	ssyncset.done $0x0  }
0xad: {  	[sflag:s19] =	ssyncadd.s32 $0xFFFFF830  }
0xae: {  	_ =	swait.ge [sflag:s19], $0x7D0  }
0xaf: {  	[sflag:s19] =	ssyncset.done $0x0  }
0xb0: {  	[sflag:s19] =	ssyncadd.s32 $0xFFFFF830  }
0xb1: {  	_ =	swait.ge [sflag:s19], $0x7D0  }
0xb2: {  	[sflag:s19] =	ssyncset.done $0x0  }
0xb3: {  	[sflag:s19] =	ssyncadd.s32 $0xFFFFF830  }
0xb4: {  	_ =	swait.ge [sflag:s19], $0x7D0  }
0xb5: {  	[sflag:s19] =	ssyncset.done $0x0  }
0xb6: {  	[sflag:s19] =	ssyncadd.s32 $0xFFFFF830  }
0xb7: {  	_ =	swait.ge [sflag:s19], $0x7D0  }
0xb8: {  	[sflag:s19] =	ssyncset.done $0x0  }
0xb9: {  	[sflag:s19] =	ssyncadd.s32 $0xFFFFF830  }
0xba: {  	_ =	swait.ge [sflag:s19], $0x7D0  }
0xbb: {  	[sflag:s19] =	ssyncset.done $0x0  }
0xbc: {  	[sflag:s19] =	ssyncadd.s32 $0xFFFFF830  }
.Ltmp3:
0xbd: {  	_ =	swait.ge [sflag:s19], $0x7D0;
	(pc) =	sbr.rel @!p1 .LBB2_4-.Ltmp3, $3  }
0xbe: {  	[sflag:s19] =	ssyncset.done $0x0  }
0xbf: {  	[sflag:s19] =	ssyncadd.s32 $0xFFFFF830  }
0xc0: {  	[bflag:$0x0] =	sbarrier.arrive $0xFFFF;
	_ =	sdelay $0x1  }
0xc1: {  	[hbm:s11], [sflag:s8] =	dma.local [spmem:s13], $0x4E0  }
.Ltmp4:
0xc2: {  	_ = 	snop;
	(pc) =	sbr.rel @p0 .LBB2_7-.Ltmp4, $4  }
.Ltmp5:
0xc3: {  	_ = 	snop;
	(pc) =	sbr.rel @!p0 .LBB2_6-.Ltmp5, $4  }
0xc4: {  	_ =	swait.ge [sflag:s14], $0x4E0  }
0xc5: {  	[sflag:s14] =	ssyncset.done $0x0  }
0xc6: {  	s22 =	smov.u32 s5;
	[sflag:s14] =	ssyncadd.s32 $0xFFFFFB20  }
0xc7: {  	_ = 	snop  }
.LBB2_4:
0xc8: {  	[hbm:s10], [sflag:s8] =	dma.local [spmem:s13], $0x4E0  }
.Ltmp6:
0xc9: {  	_ = 	snop;
	(pc) =	sbr.rel @!p2 .LBB2_7-.Ltmp6, $4  }
.Ltmp7:
0xca: {  	_ = 	snop;
	(pc) =	sbr.rel @p2 .LBB2_6-.Ltmp7, $4  }
0xcb: {  	_ =	swait.ge [sflag:s14], $0x4E0  }
0xcc: {  	[sflag:s14] =	ssyncset.done $0x0  }
0xcd: {  	s22 =	smov.u32 s4;
	[sflag:s14] =	ssyncadd.s32 $0xFFFFFB20  }
0xce: {  	_ = 	snop  }
.LBB2_8:
0xcf: {  	_ =	sfence.sel $0x180000  }
0xd0: {  	[bflag:$0x0] =	sbarrier.arrive $0xFFFF  }
0xd1: {  	_ =	strace $0x90000047  }
0xd2: {  	s0 =	sadd.s32 @!p0 $0x100000, s0;
	[bflag:$0x2] =	sbarrier.arrive $0xFFFF  }
0xd3: {  	[sflag:s0] =	ssyncadd.tile.s32 @!p0 $0x1;
	_ =	shalt  }
.Lfunc_end2:
_tile_overlayer_lowered:
.L_overlay_start_2:
0xd4: {  	(tag) =	ssettag $0x2  }
0xd5: {  	s0 =	rddreg [dreg:$0x0];
	s2 =	stileid.u32  }
0xd6: {  	s1 =	rddreg [dreg:$0x1];
	p0 =	sne.s32 s2, $0x0  }
0xd7: {  	s3 =	rddreg [dreg:$0x2];
	[bflag:$0x3] =	sbarrier.arrive $0xFFFF;
	s2 =	simm.s32 @!p0 $0x1C03  }
0xd8: {  	[timem:s3], [sflag:s2] =	dma.local @!p0 [hbm:s0], s1  }
0xd9: {  	s0 =	simm.s32 @!p0 $0x3  }
0xda: {  	_ =	swait.ge @!p0 [sflag:s0], s1  }
0xdb: {  	s1 =	ssub.s32 @!p0 $0x0, s1;
	[sflag:s0] =	ssyncset.done @!p0 $0x0  }
0xdc: {  	[sflag:s0] =	ssyncadd.s32 @!p0 s1  }
0xdd: {  	[bflag:$0x3] =	sbarrier.arrive $0xFFFF  }
0xde: {  	_ =	shalt  }

</sc_bundles>
